<compile_context>
chip_gen: v7x
topology: tpu7x:2x2x1
jax: 0.10.2.dev20260603
libtpu: 0.0.44.dev20260713+nightly
codegen_flags: <defaults>
</compile_context>

<pallas_src>
import functools

import numpy as np
import jax
import jax.numpy as jnp
from jax import lax
from jax.experimental import pallas as pl
from jax.experimental.pallas import tpu as pltpu
import jax.experimental.pallas.tpu_sc as plsc

_PI = np.pi
_X_MIN, _X_N = 1e-05, 5000
_SIGMA_MIN, _SIGMA_MAX, _SIGMA_N = 0.003, 2, 5000

_N = 1_000_000
_M = 4 * _N
_ROWS = _M // 128
_RB = 250
_G = _ROWS // _RB

_NC, _NS = 2, 16
_NW = _NC * _NS
_CH = 16
_NROUNDS = _ROWS // (_CH * _NW)
_R_EXTRA = _NROUNDS * _CH * _NW
_R_TAIL = _R_EXTRA + _CH
_TAIL = _ROWS - _R_TAIL


_F32 = np.float32
_C_PI = _F32(np.pi)
_C_2PI = _F32(2 * np.pi)
_C_INVPI = _F32(1.0) / _C_PI
_C_EPS = _F32(1e-10)
_C_XOFF = _F32(-np.log(_X_MIN))
_C_XSCL = (_F32(1.0) / _F32(0 - np.log(_X_MIN))) * _F32(_X_N)
_C_SOFF = _F32(-np.log(_SIGMA_MIN))
_C_SSCL = (_F32(1.0) / _F32(np.log(_SIGMA_MAX) - np.log(_SIGMA_MIN))) * _F32(_SIGMA_N)


def _index_body(x_ref, s_ref, lin_ref, sgn_ref):
    x = x_ref[...]
    sg = s_ref[...]
    r = lax.rem(x + _C_PI, jnp.full_like(x, _C_2PI))
    r = jnp.where((r < 0) & (r != 0), r + _C_2PI, r)
    xw = r + (-_C_PI)
    sign = jnp.sign(xw)
    xl = jnp.log(jnp.abs(xw) * _C_INVPI + _C_EPS)
    xi = (xl + _C_XOFF) * _C_XSCL
    xi = jnp.round(jnp.clip(xi, 0, _X_N)).astype(jnp.int32)
    sl = jnp.log(sg * _C_INVPI)
    si = (sl + _C_SOFF) * _C_SSCL
    si = jnp.round(jnp.clip(si, 0, _SIGMA_N)).astype(jnp.int32)
    lin_ref[...] = si * (_X_N + 1) + xi
    sgn_ref[...] = -sign


def _index_pallas(x3, s3):
    return pl.pallas_call(
        _index_body,
        grid=(_G,),
        in_specs=[
            pl.BlockSpec((1, _RB, 128), lambda i: (i, 0, 0)),
            pl.BlockSpec((1, _RB, 128), lambda i: (i, 0, 0)),
        ],
        out_specs=[
            pl.BlockSpec((1, _RB, 128), lambda i: (i, 0, 0)),
            pl.BlockSpec((1, _RB, 128), lambda i: (i, 0, 0)),
        ],
        out_shape=[
            jax.ShapeDtypeStruct((_G, _RB, 128), jnp.int32),
            jax.ShapeDtypeStruct((_G, _RB, 128), jnp.float32),
        ],
    )(x3, s3)


def _gather_body(tab_ref, lin_ref, sgn_ref, out_ref, idx_v, sgn_v, val_v, gsem):
    w = lax.axis_index("s") * _NC + lax.axis_index("c")

    def mul_row(j, k):
        val_v[j, pl.ds(k * 16, 16)] = (
            val_v[j, pl.ds(k * 16, 16)] * sgn_v[j, pl.ds(k * 16, 16)]
        )

    def process(r0, nr):
        pltpu.sync_copy(lin_ref.at[pl.ds(r0, nr)], idx_v.at[pl.ds(0, nr)])
        pltpu.sync_copy(sgn_ref.at[pl.ds(r0, nr)], sgn_v.at[pl.ds(0, nr)])
        cps = [
            pltpu.async_copy(tab_ref.at[idx_v.at[j]], val_v.at[j], gsem)
            for j in range(nr)
        ]
        for cp in cps:
            cp.wait()

        def mul_body(k, carry2):
            for j in range(nr):
                mul_row(j, k)
            return carry2

        lax.fori_loop(0, 8, mul_body, 0)
        pltpu.sync_copy(val_v.at[pl.ds(0, nr)], out_ref.at[pl.ds(r0, nr)])

    def chunk_body(c, carry):
        process((c * _NW + w) * _CH, _CH)
        return carry

    lax.fori_loop(0, _NROUNDS, chunk_body, 0)

    @pl.when(w == 0)
    def _():
        process(_R_EXTRA, _CH)

    @pl.when(w == 1)
    def _():
        process(_R_TAIL, _TAIL)


def _gather_pallas(tab, lin2, sgn2):
    mesh = plsc.VectorSubcoreMesh(
        core_axis_name="c", subcore_axis_name="s",
        num_cores=_NC, num_subcores=_NS,
    )
    return pl.kernel(
        _gather_body,
        out_type=jax.ShapeDtypeStruct((_ROWS, 128), jnp.float32),
        mesh=mesh,
        scratch_types=[
            pltpu.VMEM((_CH, 128), jnp.int32),
            pltpu.VMEM((_CH, 128), jnp.float32),
            pltpu.VMEM((_CH, 128), jnp.float32),
            pltpu.SemaphoreType.DMA,
        ],
    )(tab, lin2, sgn2)


def kernel(x, sigma, score_table):
    x3 = x.reshape(_G, _RB, 128)
    s3 = jnp.broadcast_to(sigma, (_N, 4)).reshape(_G, _RB, 128)
    lin3, sgn3 = _index_pallas(x3, s3)
    tab = score_table.reshape(-1)
    out2 = _gather_pallas(tab, lin3.reshape(_ROWS, 128), sgn3.reshape(_ROWS, 128))
    return out2.reshape(_N, 4)

# --- scband reference (transcript-rebuilt; emitter-appended) ---
"""Pipeline reference for scband-so2-veschedule-12043088298460 (READ-ONLY COPY).

The authoritative reference and input builder live on the scoring server;
editing this copy changes nothing except your own understanding.
"""

import jax, jax.numpy as jnp
import numpy as np

PI = np.pi
X_MIN, X_N = 1e-05, 5000
SIGMA_MIN, SIGMA_MAX, SIGMA_N = 0.003, 2, 5000


def setup_inputs(seed: int = 0) -> dict:
    key = jax.random.key(seed)
    k1, k2, k3 = jax.random.split(key, 3)
    N = 1000000
    x = jax.random.normal(k1, (N, 4), dtype=jnp.float32)
    # sigma in the schedule's operating range [sigma_min, sigma_max] = [0.01*pi, pi]
    sigma = jax.random.uniform(k2, (N, 1), dtype=jnp.float32, minval=0.01 * np.pi, maxval=np.pi)
    # Precomputed score lookup table (the 'embedding table' of this module),
    # shape (SIGMA_N+1, X_N+1); materialized as a learned-parameter-like buffer.
    score_table = jax.random.normal(k3, (SIGMA_N + 1, X_N + 1), dtype=jnp.float32)
    return {"x": x, "sigma": sigma, "score_table": score_table}


def reference(x, sigma, score_table):
    # Faithful translation of SO2Schedule.score(x, sigma):
    # wrap angles to (-PI, PI]
    xw = (x + PI) % (2 * PI) - PI
    sign = jnp.sign(xw)
    # map |x| to log-spaced grid index
    xl = jnp.log(jnp.abs(xw) / PI + 1e-10)
    xi = (xl - np.log(X_MIN)) / (0 - np.log(X_MIN)) * X_N
    xi = jnp.round(jnp.clip(xi, 0, X_N)).astype(jnp.int32)
    # map sigma to log-spaced grid index
    sl = jnp.log(sigma / PI)
    si = (sl - np.log(SIGMA_MIN)) / (np.log(SIGMA_MAX) - np.log(SIGMA_MIN)) * SIGMA_N
    si = jnp.round(jnp.clip(si, 0, SIGMA_N)).astype(jnp.int32)
    # 2D gather (embedding lookup) with broadcasting: si [N,1] x xi [N,4] -> [N,4]
    return -sign * score_table[si, xi]

if __name__ == "__main__":
    import jax
    _d = setup_inputs()
    print(jax.jit(kernel)(*tuple(_d.values())))

</pallas_src>

<mosaic_0001>
#map = affine_map<(d0, d1) -> (0)>
#map1 = affine_map<(d0, d1) -> (0, 0)>
module attributes {stable_mosaic.version = 14 : i64} {
  func.func @_gather_body(%arg0: i32, %arg1: i32, %arg2: memref<25010001xf32, #tpu.memory_space<hbm>>, %arg3: memref<31250x128xi32, #tpu.memory_space<hbm>>, %arg4: memref<31250x128xf32, #tpu.memory_space<hbm>>, %arg5: memref<31250x128xf32, #tpu.memory_space<hbm>>, %arg6: memref<16x128xi32, #tpu.memory_space<vmem>>, %arg7: memref<16x128xf32, #tpu.memory_space<vmem>>, %arg8: memref<16x128xf32, #tpu.memory_space<vmem>>, %arg9: memref<!tpu.dma_semaphore, #tpu.memory_space<semaphore_mem>>) attributes {dimension_semantics = [#tpu.dimension_semantics<core_parallel>, #tpu.dimension_semantics<subcore_parallel>], iteration_bounds = array<i64: 2, 16>, scalar_prefetch = 0 : i64, scratch_operands = 4 : i64, tpu.core_type = #tpu.core_type<sc_vector_subcore>, window_params = [{transform_indices = #map}, {transform_indices = #map1}, {transform_indices = #map1}, {transform_indices = #map1}]} {
    %mul3A = arith.constant 2 : i32
    %mul3A_0 = arith.muli %arg1, %mul3A : i32
    %add3A = arith.addi %mul3A_0, %arg0 : i32
    %scan3A = arith.constant 0 : i32
    %scan3A_1 = arith.constant 0 : i32
    %scan3A_2 = arith.constant 61 : i32
    %scan3A_3 = arith.addi %scan3A_1, %scan3A_2 : i32
    %scan3A_4 = arith.constant 1 : i32
    scf.for %scan3A_13 = %scan3A_1 to %scan3A_3 step %scan3A_4  : i32 {
      %mul3A_14 = arith.constant 32 : i32
      %mul3A_15 = arith.muli %scan3A_13, %mul3A_14 : i32
      %add3A_16 = arith.addi %mul3A_15, %add3A : i32
      %mul3A_17 = arith.constant 16 : i32
      %mul3A_18 = arith.muli %add3A_16, %mul3A_17 : i32
      "tpu.region"() ({
        %run_scoped3A = tpu.sem_alloc : memref<!tpu.dma_semaphore, #tpu.memory_space<semaphore_mem>>
        %dma_start3A_343 = arith.constant 0 : i32
        %dma_start3A_344 = arith.constant 0 : i32
        %dma_start3A_345 = tpu.memref_slice %arg6[%dma_start3A_343, %dma_start3A_344] : memref<16x128xi32, #tpu.memory_space<vmem>> -> memref<16x128xi32, #tpu.memory_space<vmem>>
        %dma_start3A_346 = arith.constant 0 : i32
        %dma_start3A_347 = tpu.memref_slice %arg3[%mul3A_18, %dma_start3A_346] : memref<31250x128xi32, #tpu.memory_space<hbm>> -> memref<16x128xi32, #tpu.memory_space<hbm>>
        %dma_start3A_348 = arith.constant 0 : i32
        %dma_start3A_349 = arith.constant 0 : i32
        %dma_start3A_350 = tpu.memref_slice %arg6[%dma_start3A_348, %dma_start3A_349] : memref<16x128xi32, #tpu.memory_space<vmem>> -> memref<16x128xi32, #tpu.memory_space<vmem>>
        %dma_start3A_351 = arith.constant 0 : i32
        %dma_start3A_352 = tpu.memref_slice %arg3[%mul3A_18, %dma_start3A_351] : memref<31250x128xi32, #tpu.memory_space<hbm>> -> memref<16x128xi32, #tpu.memory_space<hbm>>
        tpu.enqueue_dma source(%dma_start3A_352 : memref<16x128xi32, #tpu.memory_space<hbm>>) target(%dma_start3A_350 : memref<16x128xi32, #tpu.memory_space<vmem>>) target_semaphore(%run_scoped3A : memref<!tpu.dma_semaphore, #tpu.memory_space<semaphore_mem>>)
        %dma_wait3A_353 = arith.constant 0 : i32
        %dma_wait3A_354 = arith.constant 0 : i32
        %dma_wait3A_355 = tpu.memref_slice %arg6[%dma_wait3A_353, %dma_wait3A_354] : memref<16x128xi32, #tpu.memory_space<vmem>> -> memref<16x128xi32, #tpu.memory_space<vmem>>
        %dma_wait3A_356 = arith.constant 0 : i32
        %dma_wait3A_357 = tpu.memref_slice %arg3[%mul3A_18, %dma_wait3A_356] : memref<31250x128xi32, #tpu.memory_space<hbm>> -> memref<16x128xi32, #tpu.memory_space<hbm>>
        %dma_wait3A_358 = arith.constant 0 : i32
        %dma_wait3A_359 = arith.constant 0 : i32
        %dma_wait3A_360 = tpu.memref_slice %arg6[%dma_wait3A_358, %dma_wait3A_359] : memref<16x128xi32, #tpu.memory_space<vmem>> -> memref<16x128xi32, #tpu.memory_space<vmem>>
        %dma_wait3A_361 = arith.constant 0 : i32
        %dma_wait3A_362 = tpu.memref_slice %arg3[%mul3A_18, %dma_wait3A_361] : memref<31250x128xi32, #tpu.memory_space<hbm>> -> memref<16x128xi32, #tpu.memory_space<hbm>>
        tpu.wait_dma2 semaphore(%run_scoped3A : memref<!tpu.dma_semaphore, #tpu.memory_space<semaphore_mem>>) src(%dma_wait3A_362 : memref<16x128xi32, #tpu.memory_space<hbm>>) dst(%dma_wait3A_360 : memref<16x128xi32, #tpu.memory_space<vmem>>)
        tpu.yield
      }) : () -> ()
      "tpu.region"() ({
        %run_scoped3A = tpu.sem_alloc : memref<!tpu.dma_semaphore, #tpu.memory_space<semaphore_mem>>
        %dma_start3A_343 = arith.constant 0 : i32
        %dma_start3A_344 = arith.constant 0 : i32
        %dma_start3A_345 = tpu.memref_slice %arg7[%dma_start3A_343, %dma_start3A_344] : memref<16x128xf32, #tpu.memory_space<vmem>> -> memref<16x128xf32, #tpu.memory_space<vmem>>
        %dma_start3A_346 = arith.constant 0 : i32
        %dma_start3A_347 = tpu.memref_slice %arg4[%mul3A_18, %dma_start3A_346] : memref<31250x128xf32, #tpu.memory_space<hbm>> -> memref<16x128xf32, #tpu.memory_space<hbm>>
        %dma_start3A_348 = arith.constant 0 : i32
        %dma_start3A_349 = arith.constant 0 : i32
        %dma_start3A_350 = tpu.memref_slice %arg7[%dma_start3A_348, %dma_start3A_349] : memref<16x128xf32, #tpu.memory_space<vmem>> -> memref<16x128xf32, #tpu.memory_space<vmem>>
        %dma_start3A_351 = arith.constant 0 : i32
        %dma_start3A_352 = tpu.memref_slice %arg4[%mul3A_18, %dma_start3A_351] : memref<31250x128xf32, #tpu.memory_space<hbm>> -> memref<16x128xf32, #tpu.memory_space<hbm>>
        tpu.enqueue_dma source(%dma_start3A_352 : memref<16x128xf32, #tpu.memory_space<hbm>>) target(%dma_start3A_350 : memref<16x128xf32, #tpu.memory_space<vmem>>) target_semaphore(%run_scoped3A : memref<!tpu.dma_semaphore, #tpu.memory_space<semaphore_mem>>)
        %dma_wait3A_353 = arith.constant 0 : i32
        %dma_wait3A_354 = arith.constant 0 : i32
        %dma_wait3A_355 = tpu.memref_slice %arg7[%dma_wait3A_353, %dma_wait3A_354] : memref<16x128xf32, #tpu.memory_space<vmem>> -> memref<16x128xf32, #tpu.memory_space<vmem>>
        %dma_wait3A_356 = arith.constant 0 : i32
        %dma_wait3A_357 = tpu.memref_slice %arg4[%mul3A_18, %dma_wait3A_356] : memref<31250x128xf32, #tpu.memory_space<hbm>> -> memref<16x128xf32, #tpu.memory_space<hbm>>
        %dma_wait3A_358 = arith.constant 0 : i32
        %dma_wait3A_359 = arith.constant 0 : i32
        %dma_wait3A_360 = tpu.memref_slice %arg7[%dma_wait3A_358, %dma_wait3A_359] : memref<16x128xf32, #tpu.memory_space<vmem>> -> memref<16x128xf32, #tpu.memory_space<vmem>>
        %dma_wait3A_361 = arith.constant 0 : i32
        %dma_wait3A_362 = tpu.memref_slice %arg4[%mul3A_18, %dma_wait3A_361] : memref<31250x128xf32, #tpu.memory_space<hbm>> -> memref<16x128xf32, #tpu.memory_space<hbm>>
        tpu.wait_dma2 semaphore(%run_scoped3A : memref<!tpu.dma_semaphore, #tpu.memory_space<semaphore_mem>>) src(%dma_wait3A_362 : memref<16x128xf32, #tpu.memory_space<hbm>>) dst(%dma_wait3A_360 : memref<16x128xf32, #tpu.memory_space<vmem>>)
        tpu.yield
      }) : () -> ()
      %dma_start3A = arith.constant 0 : i32
      %dma_start3A_19 = arith.constant 0 : i32
      %dma_start3A_20 = arith.constant 0 : i32
      %dma_start3A_21 = tpu.memref_slice %arg8[%dma_start3A_19, %dma_start3A_20] : memref<16x128xf32, #tpu.memory_space<vmem>> -> memref<1x128xf32, #tpu.memory_space<vmem>>
      %dma_start3A_22 = tpu.memref_squeeze %dma_start3A_21 : memref<1x128xf32, #tpu.memory_space<vmem>> -> memref<128xf32, #tpu.memory_space<vmem>>
      %dma_start3A_23 = arith.constant 0 : i32
      %dma_start3A_24 = tpu.memref_slice %arg6[%dma_start3A, %dma_start3A_23] : memref<16x128xi32, #tpu.memory_space<vmem>> -> memref<1x128xi32, #tpu.memory_space<vmem>>
      %dma_start3A_25 = tpu.memref_squeeze %dma_start3A_24 : memref<1x128xi32, #tpu.memory_space<vmem>> -> memref<128xi32, #tpu.memory_space<vmem>>
      %dma_start3A_26 = arith.constant 0 : i32
      %dma_start3A_27 = tpu.memref_slice %arg2[%dma_start3A_26] : memref<25010001xf32, #tpu.memory_space<hbm>> -> memref<25010001xf32, #tpu.memory_space<hbm>>
      tpu.enqueue_indirect_dma source(%dma_start3A_27 : memref<25010001xf32, #tpu.memory_space<hbm>>) target(%dma_start3A_22 : memref<128xf32, #tpu.memory_space<vmem>>) offsets(%dma_start3A_25 : memref<128xi32, #tpu.memory_space<vmem>>) semaphore(%arg9 : memref<!tpu.dma_semaphore, #tpu.memory_space<semaphore_mem>>)
      %dma_start3A_28 = arith.constant 1 : i32
      %dma_start3A_29 = arith.constant 1 : i32
      %dma_start3A_30 = arith.constant 0 : i32
      %dma_start3A_31 = tpu.memref_slice %arg8[%dma_start3A_29, %dma_start3A_30] : memref<16x128xf32, #tpu.memory_space<vmem>> -> memref<1x128xf32, #tpu.memory_space<vmem>>
      %dma_start3A_32 = tpu.memref_squeeze %dma_start3A_31 : memref<1x128xf32, #tpu.memory_space<vmem>> -> memref<128xf32, #tpu.memory_space<vmem>>
      %dma_start3A_33 = arith.constant 0 : i32
      %dma_start3A_34 = tpu.memref_slice %arg6[%dma_start3A_28, %dma_start3A_33] : memref<16x128xi32, #tpu.memory_space<vmem>> -> memref<1x128xi32, #tpu.memory_space<vmem>>
      %dma_start3A_35 = tpu.memref_squeeze %dma_start3A_34 : memref<1x128xi32, #tpu.memory_space<vmem>> -> memref<128xi32, #tpu.memory_space<vmem>>
      %dma_start3A_36 = arith.constant 0 : i32
      %dma_start3A_37 = tpu.memref_slice %arg2[%dma_start3A_36] : memref<25010001xf32, #tpu.memory_space<hbm>> -> memref<25010001xf32, #tpu.memory_space<hbm>>
      tpu.enqueue_indirect_dma source(%dma_start3A_37 : memref<25010001xf32, #tpu.memory_space<hbm>>) target(%dma_start3A_32 : memref<128xf32, #tpu.memory_space<vmem>>) offsets(%dma_start3A_35 : memref<128xi32, #tpu.memory_space<vmem>>) semaphore(%arg9 : memref<!tpu.dma_semaphore, #tpu.memory_space<semaphore_mem>>)
      %dma_start3A_38 = arith.constant 2 : i32
      %dma_start3A_39 = arith.constant 2 : i32
      %dma_start3A_40 = arith.constant 0 : i32
      %dma_start3A_41 = tpu.memref_slice %arg8[%dma_start3A_39, %dma_start3A_40] : memref<16x128xf32, #tpu.memory_space<vmem>> -> memref<1x128xf32, #tpu.memory_space<vmem>>
      %dma_start3A_42 = tpu.memref_squeeze %dma_start3A_41 : memref<1x128xf32, #tpu.memory_space<vmem>> -> memref<128xf32, #tpu.memory_space<vmem>>
      %dma_start3A_43 = arith.constant 0 : i32
      %dma_start3A_44 = tpu.memref_slice %arg6[%dma_start3A_38, %dma_start3A_43] : memref<16x128xi32, #tpu.memory_space<vmem>> -> memref<1x128xi32, #tpu.memory_space<vmem>>
      %dma_start3A_45 = tpu.memref_squeeze %dma_start3A_44 : memref<1x128xi32, #tpu.memory_space<vmem>> -> memref<128xi32, #tpu.memory_space<vmem>>
      %dma_start3A_46 = arith.constant 0 : i32
      %dma_start3A_47 = tpu.memref_slice %arg2[%dma_start3A_46] : memref<25010001xf32, #tpu.memory_space<hbm>> -> memref<25010001xf32, #tpu.memory_space<hbm>>
      tpu.enqueue_indirect_dma source(%dma_start3A_47 : memref<25010001xf32, #tpu.memory_space<hbm>>) target(%dma_start3A_42 : memref<128xf32, #tpu.memory_space<vmem>>) offsets(%dma_start3A_45 : memref<128xi32, #tpu.memory_space<vmem>>) semaphore(%arg9 : memref<!tpu.dma_semaphore, #tpu.memory_space<semaphore_mem>>)
      %dma_start3A_48 = arith.constant 3 : i32
      %dma_start3A_49 = arith.constant 3 : i32
      %dma_start3A_50 = arith.constant 0 : i32
      %dma_start3A_51 = tpu.memref_slice %arg8[%dma_start3A_49, %dma_start3A_50] : memref<16x128xf32, #tpu.memory_space<vmem>> -> memref<1x128xf32, #tpu.memory_space<vmem>>
      %dma_start3A_52 = tpu.memref_squeeze %dma_start3A_51 : memref<1x128xf32, #tpu.memory_space<vmem>> -> memref<128xf32, #tpu.memory_space<vmem>>
      %dma_start3A_53 = arith.constant 0 : i32
      %dma_start3A_54 = tpu.memref_slice %arg6[%dma_start3A_48, %dma_start3A_53] : memref<16x128xi32, #tpu.memory_space<vmem>> -> memref<1x128xi32, #tpu.memory_space<vmem>>
      %dma_start3A_55 = tpu.memref_squeeze %dma_start3A_54 : memref<1x128xi32, #tpu.memory_space<vmem>> -> memref<128xi32, #tpu.memory_space<vmem>>
      %dma_start3A_56 = arith.constant 0 : i32
      %dma_start3A_57 = tpu.memref_slice %arg2[%dma_start3A_56] : memref<25010001xf32, #tpu.memory_space<hbm>> -> memref<25010001xf32, #tpu.memory_space<hbm>>
      tpu.enqueue_indirect_dma source(%dma_start3A_57 : memref<25010001xf32, #tpu.memory_space<hbm>>) target(%dma_start3A_52 : memref<128xf32, #tpu.memory_space<vmem>>) offsets(%dma_start3A_55 : memref<128xi32, #tpu.memory_space<vmem>>) semaphore(%arg9 : memref<!tpu.dma_semaphore, #tpu.memory_space<semaphore_mem>>)
      %dma_start3A_58 = arith.constant 4 : i32
      %dma_start3A_59 = arith.constant 4 : i32
      %dma_start3A_60 = arith.constant 0 : i32
      %dma_start3A_61 = tpu.memref_slice %arg8[%dma_start3A_59, %dma_start3A_60] : memref<16x128xf32, #tpu.memory_space<vmem>> -> memref<1x128xf32, #tpu.memory_space<vmem>>
      %dma_start3A_62 = tpu.memref_squeeze %dma_start3A_61 : memref<1x128xf32, #tpu.memory_space<vmem>> -> memref<128xf32, #tpu.memory_space<vmem>>
      %dma_start3A_63 = arith.constant 0 : i32
      %dma_start3A_64 = tpu.memref_slice %arg6[%dma_start3A_58, %dma_start3A_63] : memref<16x128xi32, #tpu.memory_space<vmem>> -> memref<1x128xi32, #tpu.memory_space<vmem>>
      %dma_start3A_65 = tpu.memref_squeeze %dma_start3A_64 : memref<1x128xi32, #tpu.memory_space<vmem>> -> memref<128xi32, #tpu.memory_space<vmem>>
      %dma_start3A_66 = arith.constant 0 : i32
      %dma_start3A_67 = tpu.memref_slice %arg2[%dma_start3A_66] : memref<25010001xf32, #tpu.memory_space<hbm>> -> memref<25010001xf32, #tpu.memory_space<hbm>>
      tpu.enqueue_indirect_dma source(%dma_start3A_67 : memref<25010001xf32, #tpu.memory_space<hbm>>) target(%dma_start3A_62 : memref<128xf32, #tpu.memory_space<vmem>>) offsets(%dma_start3A_65 : memref<128xi32, #tpu.memory_space<vmem>>) semaphore(%arg9 : memref<!tpu.dma_semaphore, #tpu.memory_space<semaphore_mem>>)
      %dma_start3A_68 = arith.constant 5 : i32
      %dma_start3A_69 = arith.constant 5 : i32
      %dma_start3A_70 = arith.constant 0 : i32
      %dma_start3A_71 = tpu.memref_slice %arg8[%dma_start3A_69, %dma_start3A_70] : memref<16x128xf32, #tpu.memory_space<vmem>> -> memref<1x128xf32, #tpu.memory_space<vmem>>
      %dma_start3A_72 = tpu.memref_squeeze %dma_start3A_71 : memref<1x128xf32, #tpu.memory_space<vmem>> -> memref<128xf32, #tpu.memory_space<vmem>>
      %dma_start3A_73 = arith.constant 0 : i32
      %dma_start3A_74 = tpu.memref_slice %arg6[%dma_start3A_68, %dma_start3A_73] : memref<16x128xi32, #tpu.memory_space<vmem>> -> memref<1x128xi32, #tpu.memory_space<vmem>>
      %dma_start3A_75 = tpu.memref_squeeze %dma_start3A_74 : memref<1x128xi32, #tpu.memory_space<vmem>> -> memref<128xi32, #tpu.memory_space<vmem>>
      %dma_start3A_76 = arith.constant 0 : i32
      %dma_start3A_77 = tpu.memref_slice %arg2[%dma_start3A_76] : memref<25010001xf32, #tpu.memory_space<hbm>> -> memref<25010001xf32, #tpu.memory_space<hbm>>
      tpu.enqueue_indirect_dma source(%dma_start3A_77 : memref<25010001xf32, #tpu.memory_space<hbm>>) target(%dma_start3A_72 : memref<128xf32, #tpu.memory_space<vmem>>) offsets(%dma_start3A_75 : memref<128xi32, #tpu.memory_space<vmem>>) semaphore(%arg9 : memref<!tpu.dma_semaphore, #tpu.memory_space<semaphore_mem>>)
      %dma_start3A_78 = arith.constant 6 : i32
      %dma_start3A_79 = arith.constant 6 : i32
      %dma_start3A_80 = arith.constant 0 : i32
      %dma_start3A_81 = tpu.memref_slice %arg8[%dma_start3A_79, %dma_start3A_80] : memref<16x128xf32, #tpu.memory_space<vmem>> -> memref<1x128xf32, #tpu.memory_space<vmem>>
      %dma_start3A_82 = tpu.memref_squeeze %dma_start3A_81 : memref<1x128xf32, #tpu.memory_space<vmem>> -> memref<128xf32, #tpu.memory_space<vmem>>
      %dma_start3A_83 = arith.constant 0 : i32
      %dma_start3A_84 = tpu.memref_slice %arg6[%dma_start3A_78, %dma_start3A_83] : memref<16x128xi32, #tpu.memory_space<vmem>> -> memref<1x128xi32, #tpu.memory_space<vmem>>
      %dma_start3A_85 = tpu.memref_squeeze %dma_start3A_84 : memref<1x128xi32, #tpu.memory_space<vmem>> -> memref<128xi32, #tpu.memory_space<vmem>>
      %dma_start3A_86 = arith.constant 0 : i32
      %dma_start3A_87 = tpu.memref_slice %arg2[%dma_start3A_86] : memref<25010001xf32, #tpu.memory_space<hbm>> -> memref<25010001xf32, #tpu.memory_space<hbm>>
      tpu.enqueue_indirect_dma source(%dma_start3A_87 : memref<25010001xf32, #tpu.memory_space<hbm>>) target(%dma_start3A_82 : memref<128xf32, #tpu.memory_space<vmem>>) offsets(%dma_start3A_85 : memref<128xi32, #tpu.memory_space<vmem>>) semaphore(%arg9 : memref<!tpu.dma_semaphore, #tpu.memory_space<semaphore_mem>>)
      %dma_start3A_88 = arith.constant 7 : i32
      %dma_start3A_89 = arith.constant 7 : i32
      %dma_start3A_90 = arith.constant 0 : i32
      %dma_start3A_91 = tpu.memref_slice %arg8[%dma_start3A_89, %dma_start3A_90] : memref<16x128xf32, #tpu.memory_space<vmem>> -> memref<1x128xf32, #tpu.memory_space<vmem>>
      %dma_start3A_92 = tpu.memref_squeeze %dma_start3A_91 : memref<1x128xf32, #tpu.memory_space<vmem>> -> memref<128xf32, #tpu.memory_space<vmem>>
      %dma_start3A_93 = arith.constant 0 : i32
      %dma_start3A_94 = tpu.memref_slice %arg6[%dma_start3A_88, %dma_start3A_93] : memref<16x128xi32, #tpu.memory_space<vmem>> -> memref<1x128xi32, #tpu.memory_space<vmem>>
      %dma_start3A_95 = tpu.memref_squeeze %dma_start3A_94 : memref<1x128xi32, #tpu.memory_space<vmem>> -> memref<128xi32, #tpu.memory_space<vmem>>
      %dma_start3A_96 = arith.constant 0 : i32
      %dma_start3A_97 = tpu.memref_slice %arg2[%dma_start3A_96] : memref<25010001xf32, #tpu.memory_space<hbm>> -> memref<25010001xf32, #tpu.memory_space<hbm>>
      tpu.enqueue_indirect_dma source(%dma_start3A_97 : memref<25010001xf32, #tpu.memory_space<hbm>>) target(%dma_start3A_92 : memref<128xf32, #tpu.memory_space<vmem>>) offsets(%dma_start3A_95 : memref<128xi32, #tpu.memory_space<vmem>>) semaphore(%arg9 : memref<!tpu.dma_semaphore, #tpu.memory_space<semaphore_mem>>)
      %dma_start3A_98 = arith.constant 8 : i32
      %dma_start3A_99 = arith.constant 8 : i32
      %dma_start3A_100 = arith.constant 0 : i32
      %dma_start3A_101 = tpu.memref_slice %arg8[%dma_start3A_99, %dma_start3A_100] : memref<16x128xf32, #tpu.memory_space<vmem>> -> memref<1x128xf32, #tpu.memory_space<vmem>>
      %dma_start3A_102 = tpu.memref_squeeze %dma_start3A_101 : memref<1x128xf32, #tpu.memory_space<vmem>> -> memref<128xf32, #tpu.memory_space<vmem>>
      %dma_start3A_103 = arith.constant 0 : i32
      %dma_start3A_104 = tpu.memref_slice %arg6[%dma_start3A_98, %dma_start3A_103] : memref<16x128xi32, #tpu.memory_space<vmem>> -> memref<1x128xi32, #tpu.memory_space<vmem>>
      %dma_start3A_105 = tpu.memref_squeeze %dma_start3A_104 : memref<1x128xi32, #tpu.memory_space<vmem>> -> memref<128xi32, #tpu.memory_space<vmem>>
      %dma_start3A_106 = arith.constant 0 : i32
      %dma_start3A_107 = tpu.memref_slice %arg2[%dma_start3A_106] : memref<25010001xf32, #tpu.memory_space<hbm>> -> memref<25010001xf32, #tpu.memory_space<hbm>>
      tpu.enqueue_indirect_dma source(%dma_start3A_107 : memref<25010001xf32, #tpu.memory_space<hbm>>) target(%dma_start3A_102 : memref<128xf32, #tpu.memory_space<vmem>>) offsets(%dma_start3A_105 : memref<128xi32, #tpu.memory_space<vmem>>) semaphore(%arg9 : memref<!tpu.dma_semaphore, #tpu.memory_space<semaphore_mem>>)
      %dma_start3A_108 = arith.constant 9 : i32
      %dma_start3A_109 = arith.constant 9 : i32
      %dma_start3A_110 = arith.constant 0 : i32
      %dma_start3A_111 = tpu.memref_slice %arg8[%dma_start3A_109, %dma_start3A_110] : memref<16x128xf32, #tpu.memory_space<vmem>> -> memref<1x128xf32, #tpu.memory_space<vmem>>
      %dma_start3A_112 = tpu.memref_squeeze %dma_start3A_111 : memref<1x128xf32, #tpu.memory_space<vmem>> -> memref<128xf32, #tpu.memory_space<vmem>>
      %dma_start3A_113 = arith.constant 0 : i32
      %dma_start3A_114 = tpu.memref_slice %arg6[%dma_start3A_108, %dma_start3A_113] : memref<16x128xi32, #tpu.memory_space<vmem>> -> memref<1x128xi32, #tpu.memory_space<vmem>>
      %dma_start3A_115 = tpu.memref_squeeze %dma_start3A_114 : memref<1x128xi32, #tpu.memory_space<vmem>> -> memref<128xi32, #tpu.memory_space<vmem>>
      %dma_start3A_116 = arith.constant 0 : i32
      %dma_start3A_117 = tpu.memref_slice %arg2[%dma_start3A_116] : memref<25010001xf32, #tpu.memory_space<hbm>> -> memref<25010001xf32, #tpu.memory_space<hbm>>
      tpu.enqueue_indirect_dma source(%dma_start3A_117 : memref<25010001xf32, #tpu.memory_space<hbm>>) target(%dma_start3A_112 : memref<128xf32, #tpu.memory_space<vmem>>) offsets(%dma_start3A_115 : memref<128xi32, #tpu.memory_space<vmem>>) semaphore(%arg9 : memref<!tpu.dma_semaphore, #tpu.memory_space<semaphore_mem>>)
      %dma_start3A_118 = arith.constant 10 : i32
      %dma_start3A_119 = arith.constant 10 : i32
      %dma_start3A_120 = arith.constant 0 : i32
      %dma_start3A_121 = tpu.memref_slice %arg8[%dma_start3A_119, %dma_start3A_120] : memref<16x128xf32, #tpu.memory_space<vmem>> -> memref<1x128xf32, #tpu.memory_space<vmem>>
      %dma_start3A_122 = tpu.memref_squeeze %dma_start3A_121 : memref<1x128xf32, #tpu.memory_space<vmem>> -> memref<128xf32, #tpu.memory_space<vmem>>
      %dma_start3A_123 = arith.constant 0 : i32
      %dma_start3A_124 = tpu.memref_slice %arg6[%dma_start3A_118, %dma_start3A_123] : memref<16x128xi32, #tpu.memory_space<vmem>> -> memref<1x128xi32, #tpu.memory_space<vmem>>
      %dma_start3A_125 = tpu.memref_squeeze %dma_start3A_124 : memref<1x128xi32, #tpu.memory_space<vmem>> -> memref<128xi32, #tpu.memory_space<vmem>>
      %dma_start3A_126 = arith.constant 0 : i32
      %dma_start3A_127 = tpu.memref_slice %arg2[%dma_start3A_126] : memref<25010001xf32, #tpu.memory_space<hbm>> -> memref<25010001xf32, #tpu.memory_space<hbm>>
      tpu.enqueue_indirect_dma source(%dma_start3A_127 : memref<25010001xf32, #tpu.memory_space<hbm>>) target(%dma_start3A_122 : memref<128xf32, #tpu.memory_space<vmem>>) offsets(%dma_start3A_125 : memref<128xi32, #tpu.memory_space<vmem>>) semaphore(%arg9 : memref<!tpu.dma_semaphore, #tpu.memory_space<semaphore_mem>>)
      %dma_start3A_128 = arith.constant 11 : i32
      %dma_start3A_129 = arith.constant 11 : i32
      %dma_start3A_130 = arith.constant 0 : i32
      %dma_start3A_131 = tpu.memref_slice %arg8[%dma_start3A_129, %dma_start3A_130] : memref<16x128xf32, #tpu.memory_space<vmem>> -> memref<1x128xf32, #tpu.memory_space<vmem>>
      %dma_start3A_132 = tpu.memref_squeeze %dma_start3A_131 : memref<1x128xf32, #tpu.memory_space<vmem>> -> memref<128xf32, #tpu.memory_space<vmem>>
      %dma_start3A_133 = arith.constant 0 : i32
      %dma_start3A_134 = tpu.memref_slice %arg6[%dma_start3A_128, %dma_start3A_133] : memref<16x128xi32, #tpu.memory_space<vmem>> -> memref<1x128xi32, #tpu.memory_space<vmem>>
      %dma_start3A_135 = tpu.memref_squeeze %dma_start3A_134 : memref<1x128xi32, #tpu.memory_space<vmem>> -> memref<128xi32, #tpu.memory_space<vmem>>
      %dma_start3A_136 = arith.constant 0 : i32
      %dma_start3A_137 = tpu.memref_slice %arg2[%dma_start3A_136] : memref<25010001xf32, #tpu.memory_space<hbm>> -> memref<25010001xf32, #tpu.memory_space<hbm>>
      tpu.enqueue_indirect_dma source(%dma_start3A_137 : memref<25010001xf32, #tpu.memory_space<hbm>>) target(%dma_start3A_132 : memref<128xf32, #tpu.memory_space<vmem>>) offsets(%dma_start3A_135 : memref<128xi32, #tpu.memory_space<vmem>>) semaphore(%arg9 : memref<!tpu.dma_semaphore, #tpu.memory_space<semaphore_mem>>)
      %dma_start3A_138 = arith.constant 12 : i32
      %dma_start3A_139 = arith.constant 12 : i32
      %dma_start3A_140 = arith.constant 0 : i32
      %dma_start3A_141 = tpu.memref_slice %arg8[%dma_start3A_139, %dma_start3A_140] : memref<16x128xf32, #tpu.memory_space<vmem>> -> memref<1x128xf32, #tpu.memory_space<vmem>>
      %dma_start3A_142 = tpu.memref_squeeze %dma_start3A_141 : memref<1x128xf32, #tpu.memory_space<vmem>> -> memref<128xf32, #tpu.memory_space<vmem>>
      %dma_start3A_143 = arith.constant 0 : i32
      %dma_start3A_144 = tpu.memref_slice %arg6[%dma_start3A_138, %dma_start3A_143] : memref<16x128xi32, #tpu.memory_space<vmem>> -> memref<1x128xi32, #tpu.memory_space<vmem>>
      %dma_start3A_145 = tpu.memref_squeeze %dma_start3A_144 : memref<1x128xi32, #tpu.memory_space<vmem>> -> memref<128xi32, #tpu.memory_space<vmem>>
      %dma_start3A_146 = arith.constant 0 : i32
      %dma_start3A_147 = tpu.memref_slice %arg2[%dma_start3A_146] : memref<25010001xf32, #tpu.memory_space<hbm>> -> memref<25010001xf32, #tpu.memory_space<hbm>>
      tpu.enqueue_indirect_dma source(%dma_start3A_147 : memref<25010001xf32, #tpu.memory_space<hbm>>) target(%dma_start3A_142 : memref<128xf32, #tpu.memory_space<vmem>>) offsets(%dma_start3A_145 : memref<128xi32, #tpu.memory_space<vmem>>) semaphore(%arg9 : memref<!tpu.dma_semaphore, #tpu.memory_space<semaphore_mem>>)
      %dma_start3A_148 = arith.constant 13 : i32
      %dma_start3A_149 = arith.constant 13 : i32
      %dma_start3A_150 = arith.constant 0 : i32
      %dma_start3A_151 = tpu.memref_slice %arg8[%dma_start3A_149, %dma_start3A_150] : memref<16x128xf32, #tpu.memory_space<vmem>> -> memref<1x128xf32, #tpu.memory_space<vmem>>
      %dma_start3A_152 = tpu.memref_squeeze %dma_start3A_151 : memref<1x128xf32, #tpu.memory_space<vmem>> -> memref<128xf32, #tpu.memory_space<vmem>>
      %dma_start3A_153 = arith.constant 0 : i32
      %dma_start3A_154 = tpu.memref_slice %arg6[%dma_start3A_148, %dma_start3A_153] : memref<16x128xi32, #tpu.memory_space<vmem>> -> memref<1x128xi32, #tpu.memory_space<vmem>>
      %dma_start3A_155 = tpu.memref_squeeze %dma_start3A_154 : memref<1x128xi32, #tpu.memory_space<vmem>> -> memref<128xi32, #tpu.memory_space<vmem>>
      %dma_start3A_156 = arith.constant 0 : i32
      %dma_start3A_157 = tpu.memref_slice %arg2[%dma_start3A_156] : memref<25010001xf32, #tpu.memory_space<hbm>> -> memref<25010001xf32, #tpu.memory_space<hbm>>
      tpu.enqueue_indirect_dma source(%dma_start3A_157 : memref<25010001xf32, #tpu.memory_space<hbm>>) target(%dma_start3A_152 : memref<128xf32, #tpu.memory_space<vmem>>) offsets(%dma_start3A_155 : memref<128xi32, #tpu.memory_space<vmem>>) semaphore(%arg9 : memref<!tpu.dma_semaphore, #tpu.memory_space<semaphore_mem>>)
      %dma_start3A_158 = arith.constant 14 : i32
      %dma_start3A_159 = arith.constant 14 : i32
      %dma_start3A_160 = arith.constant 0 : i32
      %dma_start3A_161 = tpu.memref_slice %arg8[%dma_start3A_159, %dma_start3A_160] : memref<16x128xf32, #tpu.memory_space<vmem>> -> memref<1x128xf32, #tpu.memory_space<vmem>>
      %dma_start3A_162 = tpu.memref_squeeze %dma_start3A_161 : memref<1x128xf32, #tpu.memory_space<vmem>> -> memref<128xf32, #tpu.memory_space<vmem>>
      %dma_start3A_163 = arith.constant 0 : i32
      %dma_start3A_164 = tpu.memref_slice %arg6[%dma_start3A_158, %dma_start3A_163] : memref<16x128xi32, #tpu.memory_space<vmem>> -> memref<1x128xi32, #tpu.memory_space<vmem>>
      %dma_start3A_165 = tpu.memref_squeeze %dma_start3A_164 : memref<1x128xi32, #tpu.memory_space<vmem>> -> memref<128xi32, #tpu.memory_space<vmem>>
      %dma_start3A_166 = arith.constant 0 : i32
      %dma_start3A_167 = tpu.memref_slice %arg2[%dma_start3A_166] : memref<25010001xf32, #tpu.memory_space<hbm>> -> memref<25010001xf32, #tpu.memory_space<hbm>>
      tpu.enqueue_indirect_dma source(%dma_start3A_167 : memref<25010001xf32, #tpu.memory_space<hbm>>) target(%dma_start3A_162 : memref<128xf32, #tpu.memory_space<vmem>>) offsets(%dma_start3A_165 : memref<128xi32, #tpu.memory_space<vmem>>) semaphore(%arg9 : memref<!tpu.dma_semaphore, #tpu.memory_space<semaphore_mem>>)
      %dma_start3A_168 = arith.constant 15 : i32
      %dma_start3A_169 = arith.constant 15 : i32
      %dma_start3A_170 = arith.constant 0 : i32
      %dma_start3A_171 = tpu.memref_slice %arg8[%dma_start3A_169, %dma_start3A_170] : memref<16x128xf32, #tpu.memory_space<vmem>> -> memref<1x128xf32, #tpu.memory_space<vmem>>
      %dma_start3A_172 = tpu.memref_squeeze %dma_start3A_171 : memref<1x128xf32, #tpu.memory_space<vmem>> -> memref<128xf32, #tpu.memory_space<vmem>>
      %dma_start3A_173 = arith.constant 0 : i32
      %dma_start3A_174 = tpu.memref_slice %arg6[%dma_start3A_168, %dma_start3A_173] : memref<16x128xi32, #tpu.memory_space<vmem>> -> memref<1x128xi32, #tpu.memory_space<vmem>>
      %dma_start3A_175 = tpu.memref_squeeze %dma_start3A_174 : memref<1x128xi32, #tpu.memory_space<vmem>> -> memref<128xi32, #tpu.memory_space<vmem>>
      %dma_start3A_176 = arith.constant 0 : i32
      %dma_start3A_177 = tpu.memref_slice %arg2[%dma_start3A_176] : memref<25010001xf32, #tpu.memory_space<hbm>> -> memref<25010001xf32, #tpu.memory_space<hbm>>
      tpu.enqueue_indirect_dma source(%dma_start3A_177 : memref<25010001xf32, #tpu.memory_space<hbm>>) target(%dma_start3A_172 : memref<128xf32, #tpu.memory_space<vmem>>) offsets(%dma_start3A_175 : memref<128xi32, #tpu.memory_space<vmem>>) semaphore(%arg9 : memref<!tpu.dma_semaphore, #tpu.memory_space<semaphore_mem>>)
      %dma_wait3A = arith.constant 0 : i32
      %dma_wait3A_178 = arith.constant 0 : i32
      %dma_wait3A_179 = arith.constant 0 : i32
      %dma_wait3A_180 = tpu.memref_slice %arg8[%dma_wait3A_178, %dma_wait3A_179] : memref<16x128xf32, #tpu.memory_space<vmem>> -> memref<1x128xf32, #tpu.memory_space<vmem>>
      %dma_wait3A_181 = tpu.memref_squeeze %dma_wait3A_180 : memref<1x128xf32, #tpu.memory_space<vmem>> -> memref<128xf32, #tpu.memory_space<vmem>>
      %dma_wait3A_182 = arith.constant 0 : i32
      %dma_wait3A_183 = tpu.memref_slice %arg6[%dma_wait3A, %dma_wait3A_182] : memref<16x128xi32, #tpu.memory_space<vmem>> -> memref<1x128xi32, #tpu.memory_space<vmem>>
      %dma_wait3A_184 = tpu.memref_squeeze %dma_wait3A_183 : memref<1x128xi32, #tpu.memory_space<vmem>> -> memref<128xi32, #tpu.memory_space<vmem>>
      %dma_wait3A_185 = arith.constant 0 : i32
      %dma_wait3A_186 = tpu.memref_slice %arg2[%dma_wait3A_185] : memref<25010001xf32, #tpu.memory_space<hbm>> -> memref<25010001xf32, #tpu.memory_space<hbm>>
      tpu.wait_indirect_dma semaphore(%arg9 : memref<!tpu.dma_semaphore, #tpu.memory_space<semaphore_mem>>) src(%dma_wait3A_186 : memref<25010001xf32, #tpu.memory_space<hbm>>) dst(%dma_wait3A_181 : memref<128xf32, #tpu.memory_space<vmem>>)
      %dma_wait3A_187 = arith.constant 1 : i32
      %dma_wait3A_188 = arith.constant 1 : i32
      %dma_wait3A_189 = arith.constant 0 : i32
      %dma_wait3A_190 = tpu.memref_slice %arg8[%dma_wait3A_188, %dma_wait3A_189] : memref<16x128xf32, #tpu.memory_space<vmem>> -> memref<1x128xf32, #tpu.memory_space<vmem>>
      %dma_wait3A_191 = tpu.memref_squeeze %dma_wait3A_190 : memref<1x128xf32, #tpu.memory_space<vmem>> -> memref<128xf32, #tpu.memory_space<vmem>>
      %dma_wait3A_192 = arith.constant 0 : i32
      %dma_wait3A_193 = tpu.memref_slice %arg6[%dma_wait3A_187, %dma_wait3A_192] : memref<16x128xi32, #tpu.memory_space<vmem>> -> memref<1x128xi32, #tpu.memory_space<vmem>>
      %dma_wait3A_194 = tpu.memref_squeeze %dma_wait3A_193 : memref<1x128xi32, #tpu.memory_space<vmem>> -> memref<128xi32, #tpu.memory_space<vmem>>
      %dma_wait3A_195 = arith.constant 0 : i32
      %dma_wait3A_196 = tpu.memref_slice %arg2[%dma_wait3A_195] : memref<25010001xf32, #tpu.memory_space<hbm>> -> memref<25010001xf32, #tpu.memory_space<hbm>>
      tpu.wait_indirect_dma semaphore(%arg9 : memref<!tpu.dma_semaphore, #tpu.memory_space<semaphore_mem>>) src(%dma_wait3A_196 : memref<25010001xf32, #tpu.memory_space<hbm>>) dst(%dma_wait3A_191 : memref<128xf32, #tpu.memory_space<vmem>>)
      %dma_wait3A_197 = arith.constant 2 : i32
      %dma_wait3A_198 = arith.constant 2 : i32
      %dma_wait3A_199 = arith.constant 0 : i32
      %dma_wait3A_200 = tpu.memref_slice %arg8[%dma_wait3A_198, %dma_wait3A_199] : memref<16x128xf32, #tpu.memory_space<vmem>> -> memref<1x128xf32, #tpu.memory_space<vmem>>
      %dma_wait3A_201 = tpu.memref_squeeze %dma_wait3A_200 : memref<1x128xf32, #tpu.memory_space<vmem>> -> memref<128xf32, #tpu.memory_space<vmem>>
      %dma_wait3A_202 = arith.constant 0 : i32
      %dma_wait3A_203 = tpu.memref_slice %arg6[%dma_wait3A_197, %dma_wait3A_202] : memref<16x128xi32, #tpu.memory_space<vmem>> -> memref<1x128xi32, #tpu.memory_space<vmem>>
      %dma_wait3A_204 = tpu.memref_squeeze %dma_wait3A_203 : memref<1x128xi32, #tpu.memory_space<vmem>> -> memref<128xi32, #tpu.memory_space<vmem>>
      %dma_wait3A_205 = arith.constant 0 : i32
      %dma_wait3A_206 = tpu.memref_slice %arg2[%dma_wait3A_205] : memref<25010001xf32, #tpu.memory_space<hbm>> -> memref<25010001xf32, #tpu.memory_space<hbm>>
      tpu.wait_indirect_dma semaphore(%arg9 : memref<!tpu.dma_semaphore, #tpu.memory_space<semaphore_mem>>) src(%dma_wait3A_206 : memref<25010001xf32, #tpu.memory_space<hbm>>) dst(%dma_wait3A_201 : memref<128xf32, #tpu.memory_space<vmem>>)
      %dma_wait3A_207 = arith.constant 3 : i32
      %dma_wait3A_208 = arith.constant 3 : i32
      %dma_wait3A_209 = arith.constant 0 : i32
      %dma_wait3A_210 = tpu.memref_slice %arg8[%dma_wait3A_208, %dma_wait3A_209] : memref<16x128xf32, #tpu.memory_space<vmem>> -> memref<1x128xf32, #tpu.memory_space<vmem>>
      %dma_wait3A_211 = tpu.memref_squeeze %dma_wait3A_210 : memref<1x128xf32, #tpu.memory_space<vmem>> -> memref<128xf32, #tpu.memory_space<vmem>>
      %dma_wait3A_212 = arith.constant 0 : i32
      %dma_wait3A_213 = tpu.memref_slice %arg6[%dma_wait3A_207, %dma_wait3A_212] : memref<16x128xi32, #tpu.memory_space<vmem>> -> memref<1x128xi32, #tpu.memory_space<vmem>>
      %dma_wait3A_214 = tpu.memref_squeeze %dma_wait3A_213 : memref<1x128xi32, #tpu.memory_space<vmem>> -> memref<128xi32, #tpu.memory_space<vmem>>
      %dma_wait3A_215 = arith.constant 0 : i32
      %dma_wait3A_216 = tpu.memref_slice %arg2[%dma_wait3A_215] : memref<25010001xf32, #tpu.memory_space<hbm>> -> memref<25010001xf32, #tpu.memory_space<hbm>>
      tpu.wait_indirect_dma semaphore(%arg9 : memref<!tpu.dma_semaphore, #tpu.memory_space<semaphore_mem>>) src(%dma_wait3A_216 : memref<25010001xf32, #tpu.memory_space<hbm>>) dst(%dma_wait3A_211 : memref<128xf32, #tpu.memory_space<vmem>>)
      %dma_wait3A_217 = arith.constant 4 : i32
      %dma_wait3A_218 = arith.constant 4 : i32
      %dma_wait3A_219 = arith.constant 0 : i32
      %dma_wait3A_220 = tpu.memref_slice %arg8[%dma_wait3A_218, %dma_wait3A_219] : memref<16x128xf32, #tpu.memory_space<vmem>> -> memref<1x128xf32, #tpu.memory_space<vmem>>
      %dma_wait3A_221 = tpu.memref_squeeze %dma_wait3A_220 : memref<1x128xf32, #tpu.memory_space<vmem>> -> memref<128xf32, #tpu.memory_space<vmem>>
      %dma_wait3A_222 = arith.constant 0 : i32
      %dma_wait3A_223 = tpu.memref_slice %arg6[%dma_wait3A_217, %dma_wait3A_222] : memref<16x128xi32, #tpu.memory_space<vmem>> -> memref<1x128xi32, #tpu.memory_space<vmem>>
      %dma_wait3A_224 = tpu.memref_squeeze %dma_wait3A_223 : memref<1x128xi32, #tpu.memory_space<vmem>> -> memref<128xi32, #tpu.memory_space<vmem>>
      %dma_wait3A_225 = arith.constant 0 : i32
      %dma_wait3A_226 = tpu.memref_slice %arg2[%dma_wait3A_225] : memref<25010001xf32, #tpu.memory_space<hbm>> -> memref<25010001xf32, #tpu.memory_space<hbm>>
      tpu.wait_indirect_dma semaphore(%arg9 : memref<!tpu.dma_semaphore, #tpu.memory_space<semaphore_mem>>) src(%dma_wait3A_226 : memref<25010001xf32, #tpu.memory_space<hbm>>) dst(%dma_wait3A_221 : memref<128xf32, #tpu.memory_space<vmem>>)
      %dma_wait3A_227 = arith.constant 5 : i32
      %dma_wait3A_228 = arith.constant 5 : i32
      %dma_wait3A_229 = arith.constant 0 : i32
      %dma_wait3A_230 = tpu.memref_slice %arg8[%dma_wait3A_228, %dma_wait3A_229] : memref<16x128xf32, #tpu.memory_space<vmem>> -> memref<1x128xf32, #tpu.memory_space<vmem>>
      %dma_wait3A_231 = tpu.memref_squeeze %dma_wait3A_230 : memref<1x128xf32, #tpu.memory_space<vmem>> -> memref<128xf32, #tpu.memory_space<vmem>>
      %dma_wait3A_232 = arith.constant 0 : i32
      %dma_wait3A_233 = tpu.memref_slice %arg6[%dma_wait3A_227, %dma_wait3A_232] : memref<16x128xi32, #tpu.memory_space<vmem>> -> memref<1x128xi32, #tpu.memory_space<vmem>>
      %dma_wait3A_234 = tpu.memref_squeeze %dma_wait3A_233 : memref<1x128xi32, #tpu.memory_space<vmem>> -> memref<128xi32, #tpu.memory_space<vmem>>
      %dma_wait3A_235 = arith.constant 0 : i32
      %dma_wait3A_236 = tpu.memref_slice %arg2[%dma_wait3A_235] : memref<25010001xf32, #tpu.memory_space<hbm>> -> memref<25010001xf32, #tpu.memory_space<hbm>>
      tpu.wait_indirect_dma semaphore(%arg9 : memref<!tpu.dma_semaphore, #tpu.memory_space<semaphore_mem>>) src(%dma_wait3A_236 : memref<25010001xf32, #tpu.memory_space<hbm>>) dst(%dma_wait3A_231 : memref<128xf32, #tpu.memory_space<vmem>>)
      %dma_wait3A_237 = arith.constant 6 : i32
      %dma_wait3A_238 = arith.constant 6 : i32
      %dma_wait3A_239 = arith.constant 0 : i32
      %dma_wait3A_240 = tpu.memref_slice %arg8[%dma_wait3A_238, %dma_wait3A_239] : memref<16x128xf32, #tpu.memory_space<vmem>> -> memref<1x128xf32, #tpu.memory_space<vmem>>
      %dma_wait3A_241 = tpu.memref_squeeze %dma_wait3A_240 : memref<1x128xf32, #tpu.memory_space<vmem>> -> memref<128xf32, #tpu.memory_space<vmem>>
      %dma_wait3A_242 = arith.constant 0 : i32
      %dma_wait3A_243 = tpu.memref_slice %arg6[%dma_wait3A_237, %dma_wait3A_242] : memref<16x128xi32, #tpu.memory_space<vmem>> -> memref<1x128xi32, #tpu.memory_space<vmem>>
      %dma_wait3A_244 = tpu.memref_squeeze %dma_wait3A_243 : memref<1x128xi32, #tpu.memory_space<vmem>> -> memref<128xi32, #tpu.memory_space<vmem>>
      %dma_wait3A_245 = arith.constant 0 : i32
      %dma_wait3A_246 = tpu.memref_slice %arg2[%dma_wait3A_245] : memref<25010001xf32, #tpu.memory_space<hbm>> -> memref<25010001xf32, #tpu.memory_space<hbm>>
      tpu.wait_indirect_dma semaphore(%arg9 : memref<!tpu.dma_semaphore, #tpu.memory_space<semaphore_mem>>) src(%dma_wait3A_246 : memref<25010001xf32, #tpu.memory_space<hbm>>) dst(%dma_wait3A_241 : memref<128xf32, #tpu.memory_space<vmem>>)
      %dma_wait3A_247 = arith.constant 7 : i32
      %dma_wait3A_248 = arith.constant 7 : i32
      %dma_wait3A_249 = arith.constant 0 : i32
      %dma_wait3A_250 = tpu.memref_slice %arg8[%dma_wait3A_248, %dma_wait3A_249] : memref<16x128xf32, #tpu.memory_space<vmem>> -> memref<1x128xf32, #tpu.memory_space<vmem>>
      %dma_wait3A_251 = tpu.memref_squeeze %dma_wait3A_250 : memref<1x128xf32, #tpu.memory_space<vmem>> -> memref<128xf32, #tpu.memory_space<vmem>>
      %dma_wait3A_252 = arith.constant 0 : i32
      %dma_wait3A_253 = tpu.memref_slice %arg6[%dma_wait3A_247, %dma_wait3A_252] : memref<16x128xi32, #tpu.memory_space<vmem>> -> memref<1x128xi32, #tpu.memory_space<vmem>>
      %dma_wait3A_254 = tpu.memref_squeeze %dma_wait3A_253 : memref<1x128xi32, #tpu.memory_space<vmem>> -> memref<128xi32, #tpu.memory_space<vmem>>
      %dma_wait3A_255 = arith.constant 0 : i32
      %dma_wait3A_256 = tpu.memref_slice %arg2[%dma_wait3A_255] : memref<25010001xf32, #tpu.memory_space<hbm>> -> memref<25010001xf32, #tpu.memory_space<hbm>>
      tpu.wait_indirect_dma semaphore(%arg9 : memref<!tpu.dma_semaphore, #tpu.memory_space<semaphore_mem>>) src(%dma_wait3A_256 : memref<25010001xf32, #tpu.memory_space<hbm>>) dst(%dma_wait3A_251 : memref<128xf32, #tpu.memory_space<vmem>>)
      %dma_wait3A_257 = arith.constant 8 : i32
      %dma_wait3A_258 = arith.constant 8 : i32
      %dma_wait3A_259 = arith.constant 0 : i32
      %dma_wait3A_260 = tpu.memref_slice %arg8[%dma_wait3A_258, %dma_wait3A_259] : memref<16x128xf32, #tpu.memory_space<vmem>> -> memref<1x128xf32, #tpu.memory_space<vmem>>
      %dma_wait3A_261 = tpu.memref_squeeze %dma_wait3A_260 : memref<1x128xf32, #tpu.memory_space<vmem>> -> memref<128xf32, #tpu.memory_space<vmem>>
      %dma_wait3A_262 = arith.constant 0 : i32
      %dma_wait3A_263 = tpu.memref_slice %arg6[%dma_wait3A_257, %dma_wait3A_262] : memref<16x128xi32, #tpu.memory_space<vmem>> -> memref<1x128xi32, #tpu.memory_space<vmem>>
      %dma_wait3A_264 = tpu.memref_squeeze %dma_wait3A_263 : memref<1x128xi32, #tpu.memory_space<vmem>> -> memref<128xi32, #tpu.memory_space<vmem>>
      %dma_wait3A_265 = arith.constant 0 : i32
      %dma_wait3A_266 = tpu.memref_slice %arg2[%dma_wait3A_265] : memref<25010001xf32, #tpu.memory_space<hbm>> -> memref<25010001xf32, #tpu.memory_space<hbm>>
      tpu.wait_indirect_dma semaphore(%arg9 : memref<!tpu.dma_semaphore, #tpu.memory_space<semaphore_mem>>) src(%dma_wait3A_266 : memref<25010001xf32, #tpu.memory_space<hbm>>) dst(%dma_wait3A_261 : memref<128xf32, #tpu.memory_space<vmem>>)
      %dma_wait3A_267 = arith.constant 9 : i32
      %dma_wait3A_268 = arith.constant 9 : i32
      %dma_wait3A_269 = arith.constant 0 : i32
      %dma_wait3A_270 = tpu.memref_slice %arg8[%dma_wait3A_268, %dma_wait3A_269] : memref<16x128xf32, #tpu.memory_space<vmem>> -> memref<1x128xf32, #tpu.memory_space<vmem>>
      %dma_wait3A_271 = tpu.memref_squeeze %dma_wait3A_270 : memref<1x128xf32, #tpu.memory_space<vmem>> -> memref<128xf32, #tpu.memory_space<vmem>>
      %dma_wait3A_272 = arith.constant 0 : i32
      %dma_wait3A_273 = tpu.memref_slice %arg6[%dma_wait3A_267, %dma_wait3A_272] : memref<16x128xi32, #tpu.memory_space<vmem>> -> memref<1x128xi32, #tpu.memory_space<vmem>>
      %dma_wait3A_274 = tpu.memref_squeeze %dma_wait3A_273 : memref<1x128xi32, #tpu.memory_space<vmem>> -> memref<128xi32, #tpu.memory_space<vmem>>
      %dma_wait3A_275 = arith.constant 0 : i32
      %dma_wait3A_276 = tpu.memref_slice %arg2[%dma_wait3A_275] : memref<25010001xf32, #tpu.memory_space<hbm>> -> memref<25010001xf32, #tpu.memory_space<hbm>>
      tpu.wait_indirect_dma semaphore(%arg9 : memref<!tpu.dma_semaphore, #tpu.memory_space<semaphore_mem>>) src(%dma_wait3A_276 : memref<25010001xf32, #tpu.memory_space<hbm>>) dst(%dma_wait3A_271 : memref<128xf32, #tpu.memory_space<vmem>>)
      %dma_wait3A_277 = arith.constant 10 : i32
      %dma_wait3A_278 = arith.constant 10 : i32
      %dma_wait3A_279 = arith.constant 0 : i32
      %dma_wait3A_280 = tpu.memref_slice %arg8[%dma_wait3A_278, %dma_wait3A_279] : memref<16x128xf32, #tpu.memory_space<vmem>> -> memref<1x128xf32, #tpu.memory_space<vmem>>
      %dma_wait3A_281 = tpu.memref_squeeze %dma_wait3A_280 : memref<1x128xf32, #tpu.memory_space<vmem>> -> memref<128xf32, #tpu.memory_space<vmem>>
      %dma_wait3A_282 = arith.constant 0 : i32
      %dma_wait3A_283 = tpu.memref_slice %arg6[%dma_wait3A_277, %dma_wait3A_282] : memref<16x128xi32, #tpu.memory_space<vmem>> -> memref<1x128xi32, #tpu.memory_space<vmem>>
      %dma_wait3A_284 = tpu.memref_squeeze %dma_wait3A_283 : memref<1x128xi32, #tpu.memory_space<vmem>> -> memref<128xi32, #tpu.memory_space<vmem>>
      %dma_wait3A_285 = arith.constant 0 : i32
      %dma_wait3A_286 = tpu.memref_slice %arg2[%dma_wait3A_285] : memref<25010001xf32, #tpu.memory_space<hbm>> -> memref<25010001xf32, #tpu.memory_space<hbm>>
      tpu.wait_indirect_dma semaphore(%arg9 : memref<!tpu.dma_semaphore, #tpu.memory_space<semaphore_mem>>) src(%dma_wait3A_286 : memref<25010001xf32, #tpu.memory_space<hbm>>) dst(%dma_wait3A_281 : memref<128xf32, #tpu.memory_space<vmem>>)
      %dma_wait3A_287 = arith.constant 11 : i32
      %dma_wait3A_288 = arith.constant 11 : i32
      %dma_wait3A_289 = arith.constant 0 : i32
      %dma_wait3A_290 = tpu.memref_slice %arg8[%dma_wait3A_288, %dma_wait3A_289] : memref<16x128xf32, #tpu.memory_space<vmem>> -> memref<1x128xf32, #tpu.memory_space<vmem>>
      %dma_wait3A_291 = tpu.memref_squeeze %dma_wait3A_290 : memref<1x128xf32, #tpu.memory_space<vmem>> -> memref<128xf32, #tpu.memory_space<vmem>>
      %dma_wait3A_292 = arith.constant 0 : i32
      %dma_wait3A_293 = tpu.memref_slice %arg6[%dma_wait3A_287, %dma_wait3A_292] : memref<16x128xi32, #tpu.memory_space<vmem>> -> memref<1x128xi32, #tpu.memory_space<vmem>>
      %dma_wait3A_294 = tpu.memref_squeeze %dma_wait3A_293 : memref<1x128xi32, #tpu.memory_space<vmem>> -> memref<128xi32, #tpu.memory_space<vmem>>
      %dma_wait3A_295 = arith.constant 0 : i32
      %dma_wait3A_296 = tpu.memref_slice %arg2[%dma_wait3A_295] : memref<25010001xf32, #tpu.memory_space<hbm>> -> memref<25010001xf32, #tpu.memory_space<hbm>>
      tpu.wait_indirect_dma semaphore(%arg9 : memref<!tpu.dma_semaphore, #tpu.memory_space<semaphore_mem>>) src(%dma_wait3A_296 : memref<25010001xf32, #tpu.memory_space<hbm>>) dst(%dma_wait3A_291 : memref<128xf32, #tpu.memory_space<vmem>>)
      %dma_wait3A_297 = arith.constant 12 : i32
      %dma_wait3A_298 = arith.constant 12 : i32
      %dma_wait3A_299 = arith.constant 0 : i32
      %dma_wait3A_300 = tpu.memref_slice %arg8[%dma_wait3A_298, %dma_wait3A_299] : memref<16x128xf32, #tpu.memory_space<vmem>> -> memref<1x128xf32, #tpu.memory_space<vmem>>
      %dma_wait3A_301 = tpu.memref_squeeze %dma_wait3A_300 : memref<1x128xf32, #tpu.memory_space<vmem>> -> memref<128xf32, #tpu.memory_space<vmem>>
      %dma_wait3A_302 = arith.constant 0 : i32
      %dma_wait3A_303 = tpu.memref_slice %arg6[%dma_wait3A_297, %dma_wait3A_302] : memref<16x128xi32, #tpu.memory_space<vmem>> -> memref<1x128xi32, #tpu.memory_space<vmem>>
      %dma_wait3A_304 = tpu.memref_squeeze %dma_wait3A_303 : memref<1x128xi32, #tpu.memory_space<vmem>> -> memref<128xi32, #tpu.memory_space<vmem>>
      %dma_wait3A_305 = arith.constant 0 : i32
      %dma_wait3A_306 = tpu.memref_slice %arg2[%dma_wait3A_305] : memref<25010001xf32, #tpu.memory_space<hbm>> -> memref<25010001xf32, #tpu.memory_space<hbm>>
      tpu.wait_indirect_dma semaphore(%arg9 : memref<!tpu.dma_semaphore, #tpu.memory_space<semaphore_mem>>) src(%dma_wait3A_306 : memref<25010001xf32, #tpu.memory_space<hbm>>) dst(%dma_wait3A_301 : memref<128xf32, #tpu.memory_space<vmem>>)
      %dma_wait3A_307 = arith.constant 13 : i32
      %dma_wait3A_308 = arith.constant 13 : i32
      %dma_wait3A_309 = arith.constant 0 : i32
      %dma_wait3A_310 = tpu.memref_slice %arg8[%dma_wait3A_308, %dma_wait3A_309] : memref<16x128xf32, #tpu.memory_space<vmem>> -> memref<1x128xf32, #tpu.memory_space<vmem>>
      %dma_wait3A_311 = tpu.memref_squeeze %dma_wait3A_310 : memref<1x128xf32, #tpu.memory_space<vmem>> -> memref<128xf32, #tpu.memory_space<vmem>>
      %dma_wait3A_312 = arith.constant 0 : i32
      %dma_wait3A_313 = tpu.memref_slice %arg6[%dma_wait3A_307, %dma_wait3A_312] : memref<16x128xi32, #tpu.memory_space<vmem>> -> memref<1x128xi32, #tpu.memory_space<vmem>>
      %dma_wait3A_314 = tpu.memref_squeeze %dma_wait3A_313 : memref<1x128xi32, #tpu.memory_space<vmem>> -> memref<128xi32, #tpu.memory_space<vmem>>
      %dma_wait3A_315 = arith.constant 0 : i32
      %dma_wait3A_316 = tpu.memref_slice %arg2[%dma_wait3A_315] : memref<25010001xf32, #tpu.memory_space<hbm>> -> memref<25010001xf32, #tpu.memory_space<hbm>>
      tpu.wait_indirect_dma semaphore(%arg9 : memref<!tpu.dma_semaphore, #tpu.memory_space<semaphore_mem>>) src(%dma_wait3A_316 : memref<25010001xf32, #tpu.memory_space<hbm>>) dst(%dma_wait3A_311 : memref<128xf32, #tpu.memory_space<vmem>>)
      %dma_wait3A_317 = arith.constant 14 : i32
      %dma_wait3A_318 = arith.constant 14 : i32
      %dma_wait3A_319 = arith.constant 0 : i32
      %dma_wait3A_320 = tpu.memref_slice %arg8[%dma_wait3A_318, %dma_wait3A_319] : memref<16x128xf32, #tpu.memory_space<vmem>> -> memref<1x128xf32, #tpu.memory_space<vmem>>
      %dma_wait3A_321 = tpu.memref_squeeze %dma_wait3A_320 : memref<1x128xf32, #tpu.memory_space<vmem>> -> memref<128xf32, #tpu.memory_space<vmem>>
      %dma_wait3A_322 = arith.constant 0 : i32
      %dma_wait3A_323 = tpu.memref_slice %arg6[%dma_wait3A_317, %dma_wait3A_322] : memref<16x128xi32, #tpu.memory_space<vmem>> -> memref<1x128xi32, #tpu.memory_space<vmem>>
      %dma_wait3A_324 = tpu.memref_squeeze %dma_wait3A_323 : memref<1x128xi32, #tpu.memory_space<vmem>> -> memref<128xi32, #tpu.memory_space<vmem>>
      %dma_wait3A_325 = arith.constant 0 : i32
      %dma_wait3A_326 = tpu.memref_slice %arg2[%dma_wait3A_325] : memref<25010001xf32, #tpu.memory_space<hbm>> -> memref<25010001xf32, #tpu.memory_space<hbm>>
      tpu.wait_indirect_dma semaphore(%arg9 : memref<!tpu.dma_semaphore, #tpu.memory_space<semaphore_mem>>) src(%dma_wait3A_326 : memref<25010001xf32, #tpu.memory_space<hbm>>) dst(%dma_wait3A_321 : memref<128xf32, #tpu.memory_space<vmem>>)
      %dma_wait3A_327 = arith.constant 15 : i32
      %dma_wait3A_328 = arith.constant 15 : i32
      %dma_wait3A_329 = arith.constant 0 : i32
      %dma_wait3A_330 = tpu.memref_slice %arg8[%dma_wait3A_328, %dma_wait3A_329] : memref<16x128xf32, #tpu.memory_space<vmem>> -> memref<1x128xf32, #tpu.memory_space<vmem>>
      %dma_wait3A_331 = tpu.memref_squeeze %dma_wait3A_330 : memref<1x128xf32, #tpu.memory_space<vmem>> -> memref<128xf32, #tpu.memory_space<vmem>>
      %dma_wait3A_332 = arith.constant 0 : i32
      %dma_wait3A_333 = tpu.memref_slice %arg6[%dma_wait3A_327, %dma_wait3A_332] : memref<16x128xi32, #tpu.memory_space<vmem>> -> memref<1x128xi32, #tpu.memory_space<vmem>>
      %dma_wait3A_334 = tpu.memref_squeeze %dma_wait3A_333 : memref<1x128xi32, #tpu.memory_space<vmem>> -> memref<128xi32, #tpu.memory_space<vmem>>
      %dma_wait3A_335 = arith.constant 0 : i32
      %dma_wait3A_336 = tpu.memref_slice %arg2[%dma_wait3A_335] : memref<25010001xf32, #tpu.memory_space<hbm>> -> memref<25010001xf32, #tpu.memory_space<hbm>>
      tpu.wait_indirect_dma semaphore(%arg9 : memref<!tpu.dma_semaphore, #tpu.memory_space<semaphore_mem>>) src(%dma_wait3A_336 : memref<25010001xf32, #tpu.memory_space<hbm>>) dst(%dma_wait3A_331 : memref<128xf32, #tpu.memory_space<vmem>>)
      %scan3A_337 = arith.constant 0 : i32
      %scan3A_338 = arith.constant 0 : i32
      %scan3A_339 = arith.constant 8 : i32
      %scan3A_340 = arith.addi %scan3A_338, %scan3A_339 : i32
      %scan3A_341 = arith.constant 1 : i32
      scf.for %scan3A_343 = %scan3A_338 to %scan3A_340 step %scan3A_341  : i32 {
        %mul3A_344 = arith.constant 16 : i32
        %mul3A_345 = arith.muli %scan3A_343, %mul3A_344 : i32
        %get3A = arith.constant 0 : i32
        %get3A_346 = arith.index_cast %get3A : i32 to index
        %get3A_347 = arith.index_cast %mul3A_345 : i32 to index
        %get3A_348 = tpu.vector_load %arg8[%get3A_346, %get3A_347] {strides = array<i32>} : memref<16x128xf32, #tpu.memory_space<vmem>>, vector<1x16xf32>,
        %get3A_349 = vector.shape_cast %get3A_348 : vector<1x16xf32> to vector<16xf32>
        %mul3A_350 = arith.constant 16 : i32
        %mul3A_351 = arith.muli %scan3A_343, %mul3A_350 : i32
        %get3A_352 = arith.constant 0 : i32
        %get3A_353 = arith.index_cast %get3A_352 : i32 to index
        %get3A_354 = arith.index_cast %mul3A_351 : i32 to index
        %get3A_355 = tpu.vector_load %arg7[%get3A_353, %get3A_354] {strides = array<i32>} : memref<16x128xf32, #tpu.memory_space<vmem>>, vector<1x16xf32>,
        %get3A_356 = vector.shape_cast %get3A_355 : vector<1x16xf32> to vector<16xf32>
        %mul3A_357 = arith.mulf %get3A_349, %get3A_356 : vector<16xf32>
        %mul3A_358 = arith.constant 16 : i32
        %mul3A_359 = arith.muli %scan3A_343, %mul3A_358 : i32
        %swap3A = arith.constant 0 : i32
        %swap3A_360 = arith.index_cast %swap3A : i32 to index
        %swap3A_361 = arith.index_cast %mul3A_359 : i32 to index
        %swap3A_362 = tpu.vector_load %arg8[%swap3A_360, %swap3A_361] {strides = array<i32>} : memref<16x128xf32, #tpu.memory_space<vmem>>, vector<1x16xf32>,
        %swap3A_363 = vector.shape_cast %swap3A_362 : vector<1x16xf32> to vector<16xf32>
        %swap3A_364 = vector.shape_cast %mul3A_357 : vector<16xf32> to vector<1x16xf32>
        tpu.vector_store %arg8[%swap3A_360, %swap3A_361], %swap3A_364 {strides = array<i32>} : memref<16x128xf32, #tpu.memory_space<vmem>>, vector<1x16xf32>,
        %mul3A_365 = arith.constant 16 : i32
        %mul3A_366 = arith.muli %scan3A_343, %mul3A_365 : i32
        %get3A_367 = arith.constant 1 : i32
        %get3A_368 = arith.index_cast %get3A_367 : i32 to index
        %get3A_369 = arith.index_cast %mul3A_366 : i32 to index
        %get3A_370 = tpu.vector_load %arg8[%get3A_368, %get3A_369] {strides = array<i32>} : memref<16x128xf32, #tpu.memory_space<vmem>>, vector<1x16xf32>,
        %get3A_371 = vector.shape_cast %get3A_370 : vector<1x16xf32> to vector<16xf32>
        %mul3A_372 = arith.constant 16 : i32
        %mul3A_373 = arith.muli %scan3A_343, %mul3A_372 : i32
        %get3A_374 = arith.constant 1 : i32
        %get3A_375 = arith.index_cast %get3A_374 : i32 to index
        %get3A_376 = arith.index_cast %mul3A_373 : i32 to index
        %get3A_377 = tpu.vector_load %arg7[%get3A_375, %get3A_376] {strides = array<i32>} : memref<16x128xf32, #tpu.memory_space<vmem>>, vector<1x16xf32>,
        %get3A_378 = vector.shape_cast %get3A_377 : vector<1x16xf32> to vector<16xf32>
        %mul3A_379 = arith.mulf %get3A_371, %get3A_378 : vector<16xf32>
        %mul3A_380 = arith.constant 16 : i32
        %mul3A_381 = arith.muli %scan3A_343, %mul3A_380 : i32
        %swap3A_382 = arith.constant 1 : i32
        %swap3A_383 = arith.index_cast %swap3A_382 : i32 to index
        %swap3A_384 = arith.index_cast %mul3A_381 : i32 to index
        %swap3A_385 = tpu.vector_load %arg8[%swap3A_383, %swap3A_384] {strides = array<i32>} : memref<16x128xf32, #tpu.memory_space<vmem>>, vector<1x16xf32>,
        %swap3A_386 = vector.shape_cast %swap3A_385 : vector<1x16xf32> to vector<16xf32>
        %swap3A_387 = vector.shape_cast %mul3A_379 : vector<16xf32> to vector<1x16xf32>
        tpu.vector_store %arg8[%swap3A_383, %swap3A_384], %swap3A_387 {strides = array<i32>} : memref<16x128xf32, #tpu.memory_space<vmem>>, vector<1x16xf32>,
        %mul3A_388 = arith.constant 16 : i32
        %mul3A_389 = arith.muli %scan3A_343, %mul3A_388 : i32
        %get3A_390 = arith.constant 2 : i32
        %get3A_391 = arith.index_cast %get3A_390 : i32 to index
        %get3A_392 = arith.index_cast %mul3A_389 : i32 to index
        %get3A_393 = tpu.vector_load %arg8[%get3A_391, %get3A_392] {strides = array<i32>} : memref<16x128xf32, #tpu.memory_space<vmem>>, vector<1x16xf32>,
        %get3A_394 = vector.shape_cast %get3A_393 : vector<1x16xf32> to vector<16xf32>
        %mul3A_395 = arith.constant 16 : i32
        %mul3A_396 = arith.muli %scan3A_343, %mul3A_395 : i32
        %get3A_397 = arith.constant 2 : i32
        %get3A_398 = arith.index_cast %get3A_397 : i32 to index
        %get3A_399 = arith.index_cast %mul3A_396 : i32 to index
        %get3A_400 = tpu.vector_load %arg7[%get3A_398, %get3A_399] {strides = array<i32>} : memref<16x128xf32, #tpu.memory_space<vmem>>, vector<1x16xf32>,
        %get3A_401 = vector.shape_cast %get3A_400 : vector<1x16xf32> to vector<16xf32>
        %mul3A_402 = arith.mulf %get3A_394, %get3A_401 : vector<16xf32>
        %mul3A_403 = arith.constant 16 : i32
        %mul3A_404 = arith.muli %scan3A_343, %mul3A_403 : i32
        %swap3A_405 = arith.constant 2 : i32
        %swap3A_406 = arith.index_cast %swap3A_405 : i32 to index
        %swap3A_407 = arith.index_cast %mul3A_404 : i32 to index
        %swap3A_408 = tpu.vector_load %arg8[%swap3A_406, %swap3A_407] {strides = array<i32>} : memref<16x128xf32, #tpu.memory_space<vmem>>, vector<1x16xf32>,
        %swap3A_409 = vector.shape_cast %swap3A_408 : vector<1x16xf32> to vector<16xf32>
        %swap3A_410 = vector.shape_cast %mul3A_402 : vector<16xf32> to vector<1x16xf32>
        tpu.vector_store %arg8[%swap3A_406, %swap3A_407], %swap3A_410 {strides = array<i32>} : memref<16x128xf32, #tpu.memory_space<vmem>>, vector<1x16xf32>,
        %mul3A_411 = arith.constant 16 : i32
        %mul3A_412 = arith.muli %scan3A_343, %mul3A_411 : i32
        %get3A_413 = arith.constant 3 : i32
        %get3A_414 = arith.index_cast %get3A_413 : i32 to index
        %get3A_415 = arith.index_cast %mul3A_412 : i32 to index
        %get3A_416 = tpu.vector_load %arg8[%get3A_414, %get3A_415] {strides = array<i32>} : memref<16x128xf32, #tpu.memory_space<vmem>>, vector<1x16xf32>,
        %get3A_417 = vector.shape_cast %get3A_416 : vector<1x16xf32> to vector<16xf32>
        %mul3A_418 = arith.constant 16 : i32
        %mul3A_419 = arith.muli %scan3A_343, %mul3A_418 : i32
        %get3A_420 = arith.constant 3 : i32
        %get3A_421 = arith.index_cast %get3A_420 : i32 to index
        %get3A_422 = arith.index_cast %mul3A_419 : i32 to index
        %get3A_423 = tpu.vector_load %arg7[%get3A_421, %get3A_422] {strides = array<i32>} : memref<16x128xf32, #tpu.memory_space<vmem>>, vector<1x16xf32>,
        %get3A_424 = vector.shape_cast %get3A_423 : vector<1x16xf32> to vector<16xf32>
        %mul3A_425 = arith.mulf %get3A_417, %get3A_424 : vector<16xf32>
        %mul3A_426 = arith.constant 16 : i32
        %mul3A_427 = arith.muli %scan3A_343, %mul3A_426 : i32
        %swap3A_428 = arith.constant 3 : i32
        %swap3A_429 = arith.index_cast %swap3A_428 : i32 to index
        %swap3A_430 = arith.index_cast %mul3A_427 : i32 to index
        %swap3A_431 = tpu.vector_load %arg8[%swap3A_429, %swap3A_430] {strides = array<i32>} : memref<16x128xf32, #tpu.memory_space<vmem>>, vector<1x16xf32>,
        %swap3A_432 = vector.shape_cast %swap3A_431 : vector<1x16xf32> to vector<16xf32>
        %swap3A_433 = vector.shape_cast %mul3A_425 : vector<16xf32> to vector<1x16xf32>
        tpu.vector_store %arg8[%swap3A_429, %swap3A_430], %swap3A_433 {strides = array<i32>} : memref<16x128xf32, #tpu.memory_space<vmem>>, vector<1x16xf32>,
        %mul3A_434 = arith.constant 16 : i32
        %mul3A_435 = arith.muli %scan3A_343, %mul3A_434 : i32
        %get3A_436 = arith.constant 4 : i32
        %get3A_437 = arith.index_cast %get3A_436 : i32 to index
        %get3A_438 = arith.index_cast %mul3A_435 : i32 to index
        %get3A_439 = tpu.vector_load %arg8[%get3A_437, %get3A_438] {strides = array<i32>} : memref<16x128xf32, #tpu.memory_space<vmem>>, vector<1x16xf32>,
        %get3A_440 = vector.shape_cast %get3A_439 : vector<1x16xf32> to vector<16xf32>
        %mul3A_441 = arith.constant 16 : i32
        %mul3A_442 = arith.muli %scan3A_343, %mul3A_441 : i32
        %get3A_443 = arith.constant 4 : i32
        %get3A_444 = arith.index_cast %get3A_443 : i32 to index
        %get3A_445 = arith.index_cast %mul3A_442 : i32 to index
        %get3A_446 = tpu.vector_load %arg7[%get3A_444, %get3A_445] {strides = array<i32>} : memref<16x128xf32, #tpu.memory_space<vmem>>, vector<1x16xf32>,
        %get3A_447 = vector.shape_cast %get3A_446 : vector<1x16xf32> to vector<16xf32>
        %mul3A_448 = arith.mulf %get3A_440, %get3A_447 : vector<16xf32>
        %mul3A_449 = arith.constant 16 : i32
        %mul3A_450 = arith.muli %scan3A_343, %mul3A_449 : i32
        %swap3A_451 = arith.constant 4 : i32
        %swap3A_452 = arith.index_cast %swap3A_451 : i32 to index
        %swap3A_453 = arith.index_cast %mul3A_450 : i32 to index
        %swap3A_454 = tpu.vector_load %arg8[%swap3A_452, %swap3A_453] {strides = array<i32>} : memref<16x128xf32, #tpu.memory_space<vmem>>, vector<1x16xf32>,
        %swap3A_455 = vector.shape_cast %swap3A_454 : vector<1x16xf32> to vector<16xf32>
        %swap3A_456 = vector.shape_cast %mul3A_448 : vector<16xf32> to vector<1x16xf32>
        tpu.vector_store %arg8[%swap3A_452, %swap3A_453], %swap3A_456 {strides = array<i32>} : memref<16x128xf32, #tpu.memory_space<vmem>>, vector<1x16xf32>,
        %mul3A_457 = arith.constant 16 : i32
        %mul3A_458 = arith.muli %scan3A_343, %mul3A_457 : i32
        %get3A_459 = arith.constant 5 : i32
        %get3A_460 = arith.index_cast %get3A_459 : i32 to index
        %get3A_461 = arith.index_cast %mul3A_458 : i32 to index
        %get3A_462 = tpu.vector_load %arg8[%get3A_460, %get3A_461] {strides = array<i32>} : memref<16x128xf32, #tpu.memory_space<vmem>>, vector<1x16xf32>,
        %get3A_463 = vector.shape_cast %get3A_462 : vector<1x16xf32> to vector<16xf32>
        %mul3A_464 = arith.constant 16 : i32
        %mul3A_465 = arith.muli %scan3A_343, %mul3A_464 : i32
        %get3A_466 = arith.constant 5 : i32
        %get3A_467 = arith.index_cast %get3A_466 : i32 to index
        %get3A_468 = arith.index_cast %mul3A_465 : i32 to index
        %get3A_469 = tpu.vector_load %arg7[%get3A_467, %get3A_468] {strides = array<i32>} : memref<16x128xf32, #tpu.memory_space<vmem>>, vector<1x16xf32>,
        %get3A_470 = vector.shape_cast %get3A_469 : vector<1x16xf32> to vector<16xf32>
        %mul3A_471 = arith.mulf %get3A_463, %get3A_470 : vector<16xf32>
        %mul3A_472 = arith.constant 16 : i32
        %mul3A_473 = arith.muli %scan3A_343, %mul3A_472 : i32
        %swap3A_474 = arith.constant 5 : i32
        %swap3A_475 = arith.index_cast %swap3A_474 : i32 to index
        %swap3A_476 = arith.index_cast %mul3A_473 : i32 to index
        %swap3A_477 = tpu.vector_load %arg8[%swap3A_475, %swap3A_476] {strides = array<i32>} : memref<16x128xf32, #tpu.memory_space<vmem>>, vector<1x16xf32>,
        %swap3A_478 = vector.shape_cast %swap3A_477 : vector<1x16xf32> to vector<16xf32>
        %swap3A_479 = vector.shape_cast %mul3A_471 : vector<16xf32> to vector<1x16xf32>
        tpu.vector_store %arg8[%swap3A_475, %swap3A_476], %swap3A_479 {strides = array<i32>} : memref<16x128xf32, #tpu.memory_space<vmem>>, vector<1x16xf32>,
        %mul3A_480 = arith.constant 16 : i32
        %mul3A_481 = arith.muli %scan3A_343, %mul3A_480 : i32
        %get3A_482 = arith.constant 6 : i32
        %get3A_483 = arith.index_cast %get3A_482 : i32 to index
        %get3A_484 = arith.index_cast %mul3A_481 : i32 to index
        %get3A_485 = tpu.vector_load %arg8[%get3A_483, %get3A_484] {strides = array<i32>} : memref<16x128xf32, #tpu.memory_space<vmem>>, vector<1x16xf32>,
        %get3A_486 = vector.shape_cast %get3A_485 : vector<1x16xf32> to vector<16xf32>
        %mul3A_487 = arith.constant 16 : i32
        %mul3A_488 = arith.muli %scan3A_343, %mul3A_487 : i32
        %get3A_489 = arith.constant 6 : i32
        %get3A_490 = arith.index_cast %get3A_489 : i32 to index
        %get3A_491 = arith.index_cast %mul3A_488 : i32 to index
        %get3A_492 = tpu.vector_load %arg7[%get3A_490, %get3A_491] {strides = array<i32>} : memref<16x128xf32, #tpu.memory_space<vmem>>, vector<1x16xf32>,
        %get3A_493 = vector.shape_cast %get3A_492 : vector<1x16xf32> to vector<16xf32>
        %mul3A_494 = arith.mulf %get3A_486, %get3A_493 : vector<16xf32>
        %mul3A_495 = arith.constant 16 : i32
        %mul3A_496 = arith.muli %scan3A_343, %mul3A_495 : i32
        %swap3A_497 = arith.constant 6 : i32
        %swap3A_498 = arith.index_cast %swap3A_497 : i32 to index
        %swap3A_499 = arith.index_cast %mul3A_496 : i32 to index
        %swap3A_500 = tpu.vector_load %arg8[%swap3A_498, %swap3A_499] {strides = array<i32>} : memref<16x128xf32, #tpu.memory_space<vmem>>, vector<1x16xf32>,
        %swap3A_501 = vector.shape_cast %swap3A_500 : vector<1x16xf32> to vector<16xf32>
        %swap3A_502 = vector.shape_cast %mul3A_494 : vector<16xf32> to vector<1x16xf32>
        tpu.vector_store %arg8[%swap3A_498, %swap3A_499], %swap3A_502 {strides = array<i32>} : memref<16x128xf32, #tpu.memory_space<vmem>>, vector<1x16xf32>,
        %mul3A_503 = arith.constant 16 : i32
        %mul3A_504 = arith.muli %scan3A_343, %mul3A_503 : i32
        %get3A_505 = arith.constant 7 : i32
        %get3A_506 = arith.index_cast %get3A_505 : i32 to index
        %get3A_507 = arith.index_cast %mul3A_504 : i32 to index
        %get3A_508 = tpu.vector_load %arg8[%get3A_506, %get3A_507] {strides = array<i32>} : memref<16x128xf32, #tpu.memory_space<vmem>>, vector<1x16xf32>,
        %get3A_509 = vector.shape_cast %get3A_508 : vector<1x16xf32> to vector<16xf32>
        %mul3A_510 = arith.constant 16 : i32
        %mul3A_511 = arith.muli %scan3A_343, %mul3A_510 : i32
        %get3A_512 = arith.constant 7 : i32
        %get3A_513 = arith.index_cast %get3A_512 : i32 to index
        %get3A_514 = arith.index_cast %mul3A_511 : i32 to index
        %get3A_515 = tpu.vector_load %arg7[%get3A_513, %get3A_514] {strides = array<i32>} : memref<16x128xf32, #tpu.memory_space<vmem>>, vector<1x16xf32>,
        %get3A_516 = vector.shape_cast %get3A_515 : vector<1x16xf32> to vector<16xf32>
        %mul3A_517 = arith.mulf %get3A_509, %get3A_516 : vector<16xf32>
        %mul3A_518 = arith.constant 16 : i32
        %mul3A_519 = arith.muli %scan3A_343, %mul3A_518 : i32
        %swap3A_520 = arith.constant 7 : i32
        %swap3A_521 = arith.index_cast %swap3A_520 : i32 to index
        %swap3A_522 = arith.index_cast %mul3A_519 : i32 to index
        %swap3A_523 = tpu.vector_load %arg8[%swap3A_521, %swap3A_522] {strides = array<i32>} : memref<16x128xf32, #tpu.memory_space<vmem>>, vector<1x16xf32>,
        %swap3A_524 = vector.shape_cast %swap3A_523 : vector<1x16xf32> to vector<16xf32>
        %swap3A_525 = vector.shape_cast %mul3A_517 : vector<16xf32> to vector<1x16xf32>
        tpu.vector_store %arg8[%swap3A_521, %swap3A_522], %swap3A_525 {strides = array<i32>} : memref<16x128xf32, #tpu.memory_space<vmem>>, vector<1x16xf32>,
        %mul3A_526 = arith.constant 16 : i32
        %mul3A_527 = arith.muli %scan3A_343, %mul3A_526 : i32
        %get3A_528 = arith.constant 8 : i32
        %get3A_529 = arith.index_cast %get3A_528 : i32 to index
        %get3A_530 = arith.index_cast %mul3A_527 : i32 to index
        %get3A_531 = tpu.vector_load %arg8[%get3A_529, %get3A_530] {strides = array<i32>} : memref<16x128xf32, #tpu.memory_space<vmem>>, vector<1x16xf32>,
        %get3A_532 = vector.shape_cast %get3A_531 : vector<1x16xf32> to vector<16xf32>
        %mul3A_533 = arith.constant 16 : i32
        %mul3A_534 = arith.muli %scan3A_343, %mul3A_533 : i32
        %get3A_535 = arith.constant 8 : i32
        %get3A_536 = arith.index_cast %get3A_535 : i32 to index
        %get3A_537 = arith.index_cast %mul3A_534 : i32 to index
        %get3A_538 = tpu.vector_load %arg7[%get3A_536, %get3A_537] {strides = array<i32>} : memref<16x128xf32, #tpu.memory_space<vmem>>, vector<1x16xf32>,
        %get3A_539 = vector.shape_cast %get3A_538 : vector<1x16xf32> to vector<16xf32>
        %mul3A_540 = arith.mulf %get3A_532, %get3A_539 : vector<16xf32>
        %mul3A_541 = arith.constant 16 : i32
        %mul3A_542 = arith.muli %scan3A_343, %mul3A_541 : i32
        %swap3A_543 = arith.constant 8 : i32
        %swap3A_544 = arith.index_cast %swap3A_543 : i32 to index
        %swap3A_545 = arith.index_cast %mul3A_542 : i32 to index
        %swap3A_546 = tpu.vector_load %arg8[%swap3A_544, %swap3A_545] {strides = array<i32>} : memref<16x128xf32, #tpu.memory_space<vmem>>, vector<1x16xf32>,
        %swap3A_547 = vector.shape_cast %swap3A_546 : vector<1x16xf32> to vector<16xf32>
        %swap3A_548 = vector.shape_cast %mul3A_540 : vector<16xf32> to vector<1x16xf32>
        tpu.vector_store %arg8[%swap3A_544, %swap3A_545], %swap3A_548 {strides = array<i32>} : memref<16x128xf32, #tpu.memory_space<vmem>>, vector<1x16xf32>,
        %mul3A_549 = arith.constant 16 : i32
        %mul3A_550 = arith.muli %scan3A_343, %mul3A_549 : i32
        %get3A_551 = arith.constant 9 : i32
        %get3A_552 = arith.index_cast %get3A_551 : i32 to index
        %get3A_553 = arith.index_cast %mul3A_550 : i32 to index
        %get3A_554 = tpu.vector_load %arg8[%get3A_552, %get3A_553] {strides = array<i32>} : memref<16x128xf32, #tpu.memory_space<vmem>>, vector<1x16xf32>,
        %get3A_555 = vector.shape_cast %get3A_554 : vector<1x16xf32> to vector<16xf32>
        %mul3A_556 = arith.constant 16 : i32
        %mul3A_557 = arith.muli %scan3A_343, %mul3A_556 : i32
        %get3A_558 = arith.constant 9 : i32
        %get3A_559 = arith.index_cast %get3A_558 : i32 to index
        %get3A_560 = arith.index_cast %mul3A_557 : i32 to index
        %get3A_561 = tpu.vector_load %arg7[%get3A_559, %get3A_560] {strides = array<i32>} : memref<16x128xf32, #tpu.memory_space<vmem>>, vector<1x16xf32>,
        %get3A_562 = vector.shape_cast %get3A_561 : vector<1x16xf32> to vector<16xf32>
        %mul3A_563 = arith.mulf %get3A_555, %get3A_562 : vector<16xf32>
        %mul3A_564 = arith.constant 16 : i32
        %mul3A_565 = arith.muli %scan3A_343, %mul3A_564 : i32
        %swap3A_566 = arith.constant 9 : i32
        %swap3A_567 = arith.index_cast %swap3A_566 : i32 to index
        %swap3A_568 = arith.index_cast %mul3A_565 : i32 to index
        %swap3A_569 = tpu.vector_load %arg8[%swap3A_567, %swap3A_568] {strides = array<i32>} : memref<16x128xf32, #tpu.memory_space<vmem>>, vector<1x16xf32>,
        %swap3A_570 = vector.shape_cast %swap3A_569 : vector<1x16xf32> to vector<16xf32>
        %swap3A_571 = vector.shape_cast %mul3A_563 : vector<16xf32> to vector<1x16xf32>
        tpu.vector_store %arg8[%swap3A_567, %swap3A_568], %swap3A_571 {strides = array<i32>} : memref<16x128xf32, #tpu.memory_space<vmem>>, vector<1x16xf32>,
        %mul3A_572 = arith.constant 16 : i32
        %mul3A_573 = arith.muli %scan3A_343, %mul3A_572 : i32
        %get3A_574 = arith.constant 10 : i32
        %get3A_575 = arith.index_cast %get3A_574 : i32 to index
        %get3A_576 = arith.index_cast %mul3A_573 : i32 to index
        %get3A_577 = tpu.vector_load %arg8[%get3A_575, %get3A_576] {strides = array<i32>} : memref<16x128xf32, #tpu.memory_space<vmem>>, vector<1x16xf32>,
        %get3A_578 = vector.shape_cast %get3A_577 : vector<1x16xf32> to vector<16xf32>
        %mul3A_579 = arith.constant 16 : i32
        %mul3A_580 = arith.muli %scan3A_343, %mul3A_579 : i32
        %get3A_581 = arith.constant 10 : i32
        %get3A_582 = arith.index_cast %get3A_581 : i32 to index
        %get3A_583 = arith.index_cast %mul3A_580 : i32 to index
        %get3A_584 = tpu.vector_load %arg7[%get3A_582, %get3A_583] {strides = array<i32>} : memref<16x128xf32, #tpu.memory_space<vmem>>, vector<1x16xf32>,
        %get3A_585 = vector.shape_cast %get3A_584 : vector<1x16xf32> to vector<16xf32>
        %mul3A_586 = arith.mulf %get3A_578, %get3A_585 : vector<16xf32>
        %mul3A_587 = arith.constant 16 : i32
        %mul3A_588 = arith.muli %scan3A_343, %mul3A_587 : i32
        %swap3A_589 = arith.constant 10 : i32
        %swap3A_590 = arith.index_cast %swap3A_589 : i32 to index
        %swap3A_591 = arith.index_cast %mul3A_588 : i32 to index
        %swap3A_592 = tpu.vector_load %arg8[%swap3A_590, %swap3A_591] {strides = array<i32>} : memref<16x128xf32, #tpu.memory_space<vmem>>, vector<1x16xf32>,
        %swap3A_593 = vector.shape_cast %swap3A_592 : vector<1x16xf32> to vector<16xf32>
        %swap3A_594 = vector.shape_cast %mul3A_586 : vector<16xf32> to vector<1x16xf32>
        tpu.vector_store %arg8[%swap3A_590, %swap3A_591], %swap3A_594 {strides = array<i32>} : memref<16x128xf32, #tpu.memory_space<vmem>>, vector<1x16xf32>,
        %mul3A_595 = arith.constant 16 : i32
        %mul3A_596 = arith.muli %scan3A_343, %mul3A_595 : i32
        %get3A_597 = arith.constant 11 : i32
        %get3A_598 = arith.index_cast %get3A_597 : i32 to index
        %get3A_599 = arith.index_cast %mul3A_596 : i32 to index
        %get3A_600 = tpu.vector_load %arg8[%get3A_598, %get3A_599] {strides = array<i32>} : memref<16x128xf32, #tpu.memory_space<vmem>>, vector<1x16xf32>,
        %get3A_601 = vector.shape_cast %get3A_600 : vector<1x16xf32> to vector<16xf32>
        %mul3A_602 = arith.constant 16 : i32
        %mul3A_603 = arith.muli %scan3A_343, %mul3A_602 : i32
        %get3A_604 = arith.constant 11 : i32
        %get3A_605 = arith.index_cast %get3A_604 : i32 to index
        %get3A_606 = arith.index_cast %mul3A_603 : i32 to index
        %get3A_607 = tpu.vector_load %arg7[%get3A_605, %get3A_606] {strides = array<i32>} : memref<16x128xf32, #tpu.memory_space<vmem>>, vector<1x16xf32>,
        %get3A_608 = vector.shape_cast %get3A_607 : vector<1x16xf32> to vector<16xf32>
        %mul3A_609 = arith.mulf %get3A_601, %get3A_608 : vector<16xf32>
        %mul3A_610 = arith.constant 16 : i32
        %mul3A_611 = arith.muli %scan3A_343, %mul3A_610 : i32
        %swap3A_612 = arith.constant 11 : i32
        %swap3A_613 = arith.index_cast %swap3A_612 : i32 to index
        %swap3A_614 = arith.index_cast %mul3A_611 : i32 to index
        %swap3A_615 = tpu.vector_load %arg8[%swap3A_613, %swap3A_614] {strides = array<i32>} : memref<16x128xf32, #tpu.memory_space<vmem>>, vector<1x16xf32>,
        %swap3A_616 = vector.shape_cast %swap3A_615 : vector<1x16xf32> to vector<16xf32>
        %swap3A_617 = vector.shape_cast %mul3A_609 : vector<16xf32> to vector<1x16xf32>
        tpu.vector_store %arg8[%swap3A_613, %swap3A_614], %swap3A_617 {strides = array<i32>} : memref<16x128xf32, #tpu.memory_space<vmem>>, vector<1x16xf32>,
        %mul3A_618 = arith.constant 16 : i32
        %mul3A_619 = arith.muli %scan3A_343, %mul3A_618 : i32
        %get3A_620 = arith.constant 12 : i32
        %get3A_621 = arith.index_cast %get3A_620 : i32 to index
        %get3A_622 = arith.index_cast %mul3A_619 : i32 to index
        %get3A_623 = tpu.vector_load %arg8[%get3A_621, %get3A_622] {strides = array<i32>} : memref<16x128xf32, #tpu.memory_space<vmem>>, vector<1x16xf32>,
        %get3A_624 = vector.shape_cast %get3A_623 : vector<1x16xf32> to vector<16xf32>
        %mul3A_625 = arith.constant 16 : i32
        %mul3A_626 = arith.muli %scan3A_343, %mul3A_625 : i32
        %get3A_627 = arith.constant 12 : i32
        %get3A_628 = arith.index_cast %get3A_627 : i32 to index
        %get3A_629 = arith.index_cast %mul3A_626 : i32 to index
        %get3A_630 = tpu.vector_load %arg7[%get3A_628, %get3A_629] {strides = array<i32>} : memref<16x128xf32, #tpu.memory_space<vmem>>, vector<1x16xf32>,
        %get3A_631 = vector.shape_cast %get3A_630 : vector<1x16xf32> to vector<16xf32>
        %mul3A_632 = arith.mulf %get3A_624, %get3A_631 : vector<16xf32>
        %mul3A_633 = arith.constant 16 : i32
        %mul3A_634 = arith.muli %scan3A_343, %mul3A_633 : i32
        %swap3A_635 = arith.constant 12 : i32
        %swap3A_636 = arith.index_cast %swap3A_635 : i32 to index
        %swap3A_637 = arith.index_cast %mul3A_634 : i32 to index
        %swap3A_638 = tpu.vector_load %arg8[%swap3A_636, %swap3A_637] {strides = array<i32>} : memref<16x128xf32, #tpu.memory_space<vmem>>, vector<1x16xf32>,
        %swap3A_639 = vector.shape_cast %swap3A_638 : vector<1x16xf32> to vector<16xf32>
        %swap3A_640 = vector.shape_cast %mul3A_632 : vector<16xf32> to vector<1x16xf32>
        tpu.vector_store %arg8[%swap3A_636, %swap3A_637], %swap3A_640 {strides = array<i32>} : memref<16x128xf32, #tpu.memory_space<vmem>>, vector<1x16xf32>,
        %mul3A_641 = arith.constant 16 : i32
        %mul3A_642 = arith.muli %scan3A_343, %mul3A_641 : i32
        %get3A_643 = arith.constant 13 : i32
        %get3A_644 = arith.index_cast %get3A_643 : i32 to index
        %get3A_645 = arith.index_cast %mul3A_642 : i32 to index
        %get3A_646 = tpu.vector_load %arg8[%get3A_644, %get3A_645] {strides = array<i32>} : memref<16x128xf32, #tpu.memory_space<vmem>>, vector<1x16xf32>,
        %get3A_647 = vector.shape_cast %get3A_646 : vector<1x16xf32> to vector<16xf32>
        %mul3A_648 = arith.constant 16 : i32
        %mul3A_649 = arith.muli %scan3A_343, %mul3A_648 : i32
        %get3A_650 = arith.constant 13 : i32
        %get3A_651 = arith.index_cast %get3A_650 : i32 to index
        %get3A_652 = arith.index_cast %mul3A_649 : i32 to index
        %get3A_653 = tpu.vector_load %arg7[%get3A_651, %get3A_652] {strides = array<i32>} : memref<16x128xf32, #tpu.memory_space<vmem>>, vector<1x16xf32>,
        %get3A_654 = vector.shape_cast %get3A_653 : vector<1x16xf32> to vector<16xf32>
        %mul3A_655 = arith.mulf %get3A_647, %get3A_654 : vector<16xf32>
        %mul3A_656 = arith.constant 16 : i32
        %mul3A_657 = arith.muli %scan3A_343, %mul3A_656 : i32
        %swap3A_658 = arith.constant 13 : i32
        %swap3A_659 = arith.index_cast %swap3A_658 : i32 to index
        %swap3A_660 = arith.index_cast %mul3A_657 : i32 to index
        %swap3A_661 = tpu.vector_load %arg8[%swap3A_659, %swap3A_660] {strides = array<i32>} : memref<16x128xf32, #tpu.memory_space<vmem>>, vector<1x16xf32>,
        %swap3A_662 = vector.shape_cast %swap3A_661 : vector<1x16xf32> to vector<16xf32>
        %swap3A_663 = vector.shape_cast %mul3A_655 : vector<16xf32> to vector<1x16xf32>
        tpu.vector_store %arg8[%swap3A_659, %swap3A_660], %swap3A_663 {strides = array<i32>} : memref<16x128xf32, #tpu.memory_space<vmem>>, vector<1x16xf32>,
        %mul3A_664 = arith.constant 16 : i32
        %mul3A_665 = arith.muli %scan3A_343, %mul3A_664 : i32
        %get3A_666 = arith.constant 14 : i32
        %get3A_667 = arith.index_cast %get3A_666 : i32 to index
        %get3A_668 = arith.index_cast %mul3A_665 : i32 to index
        %get3A_669 = tpu.vector_load %arg8[%get3A_667, %get3A_668] {strides = array<i32>} : memref<16x128xf32, #tpu.memory_space<vmem>>, vector<1x16xf32>,
        %get3A_670 = vector.shape_cast %get3A_669 : vector<1x16xf32> to vector<16xf32>
        %mul3A_671 = arith.constant 16 : i32
        %mul3A_672 = arith.muli %scan3A_343, %mul3A_671 : i32
        %get3A_673 = arith.constant 14 : i32
        %get3A_674 = arith.index_cast %get3A_673 : i32 to index
        %get3A_675 = arith.index_cast %mul3A_672 : i32 to index
        %get3A_676 = tpu.vector_load %arg7[%get3A_674, %get3A_675] {strides = array<i32>} : memref<16x128xf32, #tpu.memory_space<vmem>>, vector<1x16xf32>,
        %get3A_677 = vector.shape_cast %get3A_676 : vector<1x16xf32> to vector<16xf32>
        %mul3A_678 = arith.mulf %get3A_670, %get3A_677 : vector<16xf32>
        %mul3A_679 = arith.constant 16 : i32
        %mul3A_680 = arith.muli %scan3A_343, %mul3A_679 : i32
        %swap3A_681 = arith.constant 14 : i32
        %swap3A_682 = arith.index_cast %swap3A_681 : i32 to index
        %swap3A_683 = arith.index_cast %mul3A_680 : i32 to index
        %swap3A_684 = tpu.vector_load %arg8[%swap3A_682, %swap3A_683] {strides = array<i32>} : memref<16x128xf32, #tpu.memory_space<vmem>>, vector<1x16xf32>,
        %swap3A_685 = vector.shape_cast %swap3A_684 : vector<1x16xf32> to vector<16xf32>
        %swap3A_686 = vector.shape_cast %mul3A_678 : vector<16xf32> to vector<1x16xf32>
        tpu.vector_store %arg8[%swap3A_682, %swap3A_683], %swap3A_686 {strides = array<i32>} : memref<16x128xf32, #tpu.memory_space<vmem>>, vector<1x16xf32>,
        %mul3A_687 = arith.constant 16 : i32
        %mul3A_688 = arith.muli %scan3A_343, %mul3A_687 : i32
        %get3A_689 = arith.constant 15 : i32
        %get3A_690 = arith.index_cast %get3A_689 : i32 to index
        %get3A_691 = arith.index_cast %mul3A_688 : i32 to index
        %get3A_692 = tpu.vector_load %arg8[%get3A_690, %get3A_691] {strides = array<i32>} : memref<16x128xf32, #tpu.memory_space<vmem>>, vector<1x16xf32>,
        %get3A_693 = vector.shape_cast %get3A_692 : vector<1x16xf32> to vector<16xf32>
        %mul3A_694 = arith.constant 16 : i32
        %mul3A_695 = arith.muli %scan3A_343, %mul3A_694 : i32
        %get3A_696 = arith.constant 15 : i32
        %get3A_697 = arith.index_cast %get3A_696 : i32 to index
        %get3A_698 = arith.index_cast %mul3A_695 : i32 to index
        %get3A_699 = tpu.vector_load %arg7[%get3A_697, %get3A_698] {strides = array<i32>} : memref<16x128xf32, #tpu.memory_space<vmem>>, vector<1x16xf32>,
        %get3A_700 = vector.shape_cast %get3A_699 : vector<1x16xf32> to vector<16xf32>
        %mul3A_701 = arith.mulf %get3A_693, %get3A_700 : vector<16xf32>
        %mul3A_702 = arith.constant 16 : i32
        %mul3A_703 = arith.muli %scan3A_343, %mul3A_702 : i32
        %swap3A_704 = arith.constant 15 : i32
        %swap3A_705 = arith.index_cast %swap3A_704 : i32 to index
        %swap3A_706 = arith.index_cast %mul3A_703 : i32 to index
        %swap3A_707 = tpu.vector_load %arg8[%swap3A_705, %swap3A_706] {strides = array<i32>} : memref<16x128xf32, #tpu.memory_space<vmem>>, vector<1x16xf32>,
        %swap3A_708 = vector.shape_cast %swap3A_707 : vector<1x16xf32> to vector<16xf32>
        %swap3A_709 = vector.shape_cast %mul3A_701 : vector<16xf32> to vector<1x16xf32>
        tpu.vector_store %arg8[%swap3A_705, %swap3A_706], %swap3A_709 {strides = array<i32>} : memref<16x128xf32, #tpu.memory_space<vmem>>, vector<1x16xf32>,
      }
      %scan3A_342 = arith.constant 8 : i32
      "tpu.region"() ({
        %run_scoped3A = tpu.sem_alloc : memref<!tpu.dma_semaphore, #tpu.memory_space<semaphore_mem>>
        %dma_start3A_343 = arith.constant 0 : i32
        %dma_start3A_344 = arith.constant 0 : i32
        %dma_start3A_345 = tpu.memref_slice %arg8[%dma_start3A_343, %dma_start3A_344] : memref<16x128xf32, #tpu.memory_space<vmem>> -> memref<16x128xf32, #tpu.memory_space<vmem>>
        %dma_start3A_346 = arith.constant 0 : i32
        %dma_start3A_347 = tpu.memref_slice %arg5[%mul3A_18, %dma_start3A_346] : memref<31250x128xf32, #tpu.memory_space<hbm>> -> memref<16x128xf32, #tpu.memory_space<hbm>>
        %dma_start3A_348 = arith.constant 0 : i32
        %dma_start3A_349 = tpu.memref_slice %arg5[%mul3A_18, %dma_start3A_348] : memref<31250x128xf32, #tpu.memory_space<hbm>> -> memref<16x128xf32, #tpu.memory_space<hbm>>
        %dma_start3A_350 = arith.constant 0 : i32
        %dma_start3A_351 = arith.constant 0 : i32
        %dma_start3A_352 = tpu.memref_slice %arg8[%dma_start3A_350, %dma_start3A_351] : memref<16x128xf32, #tpu.memory_space<vmem>> -> memref<16x128xf32, #tpu.memory_space<vmem>>
        tpu.enqueue_dma source(%dma_start3A_352 : memref<16x128xf32, #tpu.memory_space<vmem>>) target(%dma_start3A_349 : memref<16x128xf32, #tpu.memory_space<hbm>>) target_semaphore(%run_scoped3A : memref<!tpu.dma_semaphore, #tpu.memory_space<semaphore_mem>>)
        %dma_wait3A_353 = arith.constant 0 : i32
        %dma_wait3A_354 = arith.constant 0 : i32
        %dma_wait3A_355 = tpu.memref_slice %arg8[%dma_wait3A_353, %dma_wait3A_354] : memref<16x128xf32, #tpu.memory_space<vmem>> -> memref<16x128xf32, #tpu.memory_space<vmem>>
        %dma_wait3A_356 = arith.constant 0 : i32
        %dma_wait3A_357 = tpu.memref_slice %arg5[%mul3A_18, %dma_wait3A_356] : memref<31250x128xf32, #tpu.memory_space<hbm>> -> memref<16x128xf32, #tpu.memory_space<hbm>>
        %dma_wait3A_358 = arith.constant 0 : i32
        %dma_wait3A_359 = tpu.memref_slice %arg5[%mul3A_18, %dma_wait3A_358] : memref<31250x128xf32, #tpu.memory_space<hbm>> -> memref<16x128xf32, #tpu.memory_space<hbm>>
        %dma_wait3A_360 = arith.constant 0 : i32
        %dma_wait3A_361 = arith.constant 0 : i32
        %dma_wait3A_362 = tpu.memref_slice %arg8[%dma_wait3A_360, %dma_wait3A_361] : memref<16x128xf32, #tpu.memory_space<vmem>> -> memref<16x128xf32, #tpu.memory_space<vmem>>
        tpu.wait_dma2 semaphore(%run_scoped3A : memref<!tpu.dma_semaphore, #tpu.memory_space<semaphore_mem>>) src(%dma_wait3A_362 : memref<16x128xf32, #tpu.memory_space<vmem>>) dst(%dma_wait3A_359 : memref<16x128xf32, #tpu.memory_space<hbm>>)
        tpu.yield
      }) : () -> ()
    }
    %scan3A_5 = arith.constant 61 : i32
    %eq3A = arith.constant 0 : i32
    %eq3A_6 = arith.cmpi eq, %add3A, %eq3A : i32
    %convert_element_type3A = arith.extui %eq3A_6 : i1 to i32
    %cond3A = arith.constant 0 : i32
    %cond3A_7 = arith.cmpi ne, %convert_element_type3A, %cond3A : i32
    scf.if %cond3A_7 {
      "tpu.region"() ({
        %run_scoped3A = tpu.sem_alloc : memref<!tpu.dma_semaphore, #tpu.memory_space<semaphore_mem>>
        %dma_start3A_337 = arith.constant 0 : i32
        %dma_start3A_338 = arith.constant 0 : i32
        %dma_start3A_339 = tpu.memref_slice %arg6[%dma_start3A_337, %dma_start3A_338] : memref<16x128xi32, #tpu.memory_space<vmem>> -> memref<16x128xi32, #tpu.memory_space<vmem>>
        %dma_start3A_340 = arith.constant 31232 : i32
        %dma_start3A_341 = arith.constant 0 : i32
        %dma_start3A_342 = tpu.memref_slice %arg3[%dma_start3A_340, %dma_start3A_341] : memref<31250x128xi32, #tpu.memory_space<hbm>> -> memref<16x128xi32, #tpu.memory_space<hbm>>
        %dma_start3A_343 = arith.constant 0 : i32
        %dma_start3A_344 = arith.constant 0 : i32
        %dma_start3A_345 = tpu.memref_slice %arg6[%dma_start3A_343, %dma_start3A_344] : memref<16x128xi32, #tpu.memory_space<vmem>> -> memref<16x128xi32, #tpu.memory_space<vmem>>
        %dma_start3A_346 = arith.constant 31232 : i32
        %dma_start3A_347 = arith.constant 0 : i32
        %dma_start3A_348 = tpu.memref_slice %arg3[%dma_start3A_346, %dma_start3A_347] : memref<31250x128xi32, #tpu.memory_space<hbm>> -> memref<16x128xi32, #tpu.memory_space<hbm>>
        tpu.enqueue_dma source(%dma_start3A_348 : memref<16x128xi32, #tpu.memory_space<hbm>>) target(%dma_start3A_345 : memref<16x128xi32, #tpu.memory_space<vmem>>) target_semaphore(%run_scoped3A : memref<!tpu.dma_semaphore, #tpu.memory_space<semaphore_mem>>)
        %dma_wait3A_349 = arith.constant 0 : i32
        %dma_wait3A_350 = arith.constant 0 : i32
        %dma_wait3A_351 = tpu.memref_slice %arg6[%dma_wait3A_349, %dma_wait3A_350] : memref<16x128xi32, #tpu.memory_space<vmem>> -> memref<16x128xi32, #tpu.memory_space<vmem>>
        %dma_wait3A_352 = arith.constant 31232 : i32
        %dma_wait3A_353 = arith.constant 0 : i32
        %dma_wait3A_354 = tpu.memref_slice %arg3[%dma_wait3A_352, %dma_wait3A_353] : memref<31250x128xi32, #tpu.memory_space<hbm>> -> memref<16x128xi32, #tpu.memory_space<hbm>>
        %dma_wait3A_355 = arith.constant 0 : i32
        %dma_wait3A_356 = arith.constant 0 : i32
        %dma_wait3A_357 = tpu.memref_slice %arg6[%dma_wait3A_355, %dma_wait3A_356] : memref<16x128xi32, #tpu.memory_space<vmem>> -> memref<16x128xi32, #tpu.memory_space<vmem>>
        %dma_wait3A_358 = arith.constant 31232 : i32
        %dma_wait3A_359 = arith.constant 0 : i32
        %dma_wait3A_360 = tpu.memref_slice %arg3[%dma_wait3A_358, %dma_wait3A_359] : memref<31250x128xi32, #tpu.memory_space<hbm>> -> memref<16x128xi32, #tpu.memory_space<hbm>>
        tpu.wait_dma2 semaphore(%run_scoped3A : memref<!tpu.dma_semaphore, #tpu.memory_space<semaphore_mem>>) src(%dma_wait3A_360 : memref<16x128xi32, #tpu.memory_space<hbm>>) dst(%dma_wait3A_357 : memref<16x128xi32, #tpu.memory_space<vmem>>)
        tpu.yield
      }) : () -> ()
      "tpu.region"() ({
        %run_scoped3A = tpu.sem_alloc : memref<!tpu.dma_semaphore, #tpu.memory_space<semaphore_mem>>
        %dma_start3A_337 = arith.constant 0 : i32
        %dma_start3A_338 = arith.constant 0 : i32
        %dma_start3A_339 = tpu.memref_slice %arg7[%dma_start3A_337, %dma_start3A_338] : memref<16x128xf32, #tpu.memory_space<vmem>> -> memref<16x128xf32, #tpu.memory_space<vmem>>
        %dma_start3A_340 = arith.constant 31232 : i32
        %dma_start3A_341 = arith.constant 0 : i32
        %dma_start3A_342 = tpu.memref_slice %arg4[%dma_start3A_340, %dma_start3A_341] : memref<31250x128xf32, #tpu.memory_space<hbm>> -> memref<16x128xf32, #tpu.memory_space<hbm>>
        %dma_start3A_343 = arith.constant 0 : i32
        %dma_start3A_344 = arith.constant 0 : i32
        %dma_start3A_345 = tpu.memref_slice %arg7[%dma_start3A_343, %dma_start3A_344] : memref<16x128xf32, #tpu.memory_space<vmem>> -> memref<16x128xf32, #tpu.memory_space<vmem>>
        %dma_start3A_346 = arith.constant 31232 : i32
        %dma_start3A_347 = arith.constant 0 : i32
        %dma_start3A_348 = tpu.memref_slice %arg4[%dma_start3A_346, %dma_start3A_347] : memref<31250x128xf32, #tpu.memory_space<hbm>> -> memref<16x128xf32, #tpu.memory_space<hbm>>
        tpu.enqueue_dma source(%dma_start3A_348 : memref<16x128xf32, #tpu.memory_space<hbm>>) target(%dma_start3A_345 : memref<16x128xf32, #tpu.memory_space<vmem>>) target_semaphore(%run_scoped3A : memref<!tpu.dma_semaphore, #tpu.memory_space<semaphore_mem>>)
        %dma_wait3A_349 = arith.constant 0 : i32
        %dma_wait3A_350 = arith.constant 0 : i32
        %dma_wait3A_351 = tpu.memref_slice %arg7[%dma_wait3A_349, %dma_wait3A_350] : memref<16x128xf32, #tpu.memory_space<vmem>> -> memref<16x128xf32, #tpu.memory_space<vmem>>
        %dma_wait3A_352 = arith.constant 31232 : i32
        %dma_wait3A_353 = arith.constant 0 : i32
        %dma_wait3A_354 = tpu.memref_slice %arg4[%dma_wait3A_352, %dma_wait3A_353] : memref<31250x128xf32, #tpu.memory_space<hbm>> -> memref<16x128xf32, #tpu.memory_space<hbm>>
        %dma_wait3A_355 = arith.constant 0 : i32
        %dma_wait3A_356 = arith.constant 0 : i32
        %dma_wait3A_357 = tpu.memref_slice %arg7[%dma_wait3A_355, %dma_wait3A_356] : memref<16x128xf32, #tpu.memory_space<vmem>> -> memref<16x128xf32, #tpu.memory_space<vmem>>
        %dma_wait3A_358 = arith.constant 31232 : i32
        %dma_wait3A_359 = arith.constant 0 : i32
        %dma_wait3A_360 = tpu.memref_slice %arg4[%dma_wait3A_358, %dma_wait3A_359] : memref<31250x128xf32, #tpu.memory_space<hbm>> -> memref<16x128xf32, #tpu.memory_space<hbm>>
        tpu.wait_dma2 semaphore(%run_scoped3A : memref<!tpu.dma_semaphore, #tpu.memory_space<semaphore_mem>>) src(%dma_wait3A_360 : memref<16x128xf32, #tpu.memory_space<hbm>>) dst(%dma_wait3A_357 : memref<16x128xf32, #tpu.memory_space<vmem>>)
        tpu.yield
      }) : () -> ()
      %dma_start3A = arith.constant 0 : i32
      %dma_start3A_13 = arith.constant 0 : i32
      %dma_start3A_14 = arith.constant 0 : i32
      %dma_start3A_15 = tpu.memref_slice %arg8[%dma_start3A_13, %dma_start3A_14] : memref<16x128xf32, #tpu.memory_space<vmem>> -> memref<1x128xf32, #tpu.memory_space<vmem>>
      %dma_start3A_16 = tpu.memref_squeeze %dma_start3A_15 : memref<1x128xf32, #tpu.memory_space<vmem>> -> memref<128xf32, #tpu.memory_space<vmem>>
      %dma_start3A_17 = arith.constant 0 : i32
      %dma_start3A_18 = tpu.memref_slice %arg6[%dma_start3A, %dma_start3A_17] : memref<16x128xi32, #tpu.memory_space<vmem>> -> memref<1x128xi32, #tpu.memory_space<vmem>>
      %dma_start3A_19 = tpu.memref_squeeze %dma_start3A_18 : memref<1x128xi32, #tpu.memory_space<vmem>> -> memref<128xi32, #tpu.memory_space<vmem>>
      %dma_start3A_20 = arith.constant 0 : i32
      %dma_start3A_21 = tpu.memref_slice %arg2[%dma_start3A_20] : memref<25010001xf32, #tpu.memory_space<hbm>> -> memref<25010001xf32, #tpu.memory_space<hbm>>
      tpu.enqueue_indirect_dma source(%dma_start3A_21 : memref<25010001xf32, #tpu.memory_space<hbm>>) target(%dma_start3A_16 : memref<128xf32, #tpu.memory_space<vmem>>) offsets(%dma_start3A_19 : memref<128xi32, #tpu.memory_space<vmem>>) semaphore(%arg9 : memref<!tpu.dma_semaphore, #tpu.memory_space<semaphore_mem>>)
      %dma_start3A_22 = arith.constant 1 : i32
      %dma_start3A_23 = arith.constant 1 : i32
      %dma_start3A_24 = arith.constant 0 : i32
      %dma_start3A_25 = tpu.memref_slice %arg8[%dma_start3A_23, %dma_start3A_24] : memref<16x128xf32, #tpu.memory_space<vmem>> -> memref<1x128xf32, #tpu.memory_space<vmem>>
      %dma_start3A_26 = tpu.memref_squeeze %dma_start3A_25 : memref<1x128xf32, #tpu.memory_space<vmem>> -> memref<128xf32, #tpu.memory_space<vmem>>
      %dma_start3A_27 = arith.constant 0 : i32
      %dma_start3A_28 = tpu.memref_slice %arg6[%dma_start3A_22, %dma_start3A_27] : memref<16x128xi32, #tpu.memory_space<vmem>> -> memref<1x128xi32, #tpu.memory_space<vmem>>
      %dma_start3A_29 = tpu.memref_squeeze %dma_start3A_28 : memref<1x128xi32, #tpu.memory_space<vmem>> -> memref<128xi32, #tpu.memory_space<vmem>>
      %dma_start3A_30 = arith.constant 0 : i32
      %dma_start3A_31 = tpu.memref_slice %arg2[%dma_start3A_30] : memref<25010001xf32, #tpu.memory_space<hbm>> -> memref<25010001xf32, #tpu.memory_space<hbm>>
      tpu.enqueue_indirect_dma source(%dma_start3A_31 : memref<25010001xf32, #tpu.memory_space<hbm>>) target(%dma_start3A_26 : memref<128xf32, #tpu.memory_space<vmem>>) offsets(%dma_start3A_29 : memref<128xi32, #tpu.memory_space<vmem>>) semaphore(%arg9 : memref<!tpu.dma_semaphore, #tpu.memory_space<semaphore_mem>>)
      %dma_start3A_32 = arith.constant 2 : i32
      %dma_start3A_33 = arith.constant 2 : i32
      %dma_start3A_34 = arith.constant 0 : i32
      %dma_start3A_35 = tpu.memref_slice %arg8[%dma_start3A_33, %dma_start3A_34] : memref<16x128xf32, #tpu.memory_space<vmem>> -> memref<1x128xf32, #tpu.memory_space<vmem>>
      %dma_start3A_36 = tpu.memref_squeeze %dma_start3A_35 : memref<1x128xf32, #tpu.memory_space<vmem>> -> memref<128xf32, #tpu.memory_space<vmem>>
      %dma_start3A_37 = arith.constant 0 : i32
      %dma_start3A_38 = tpu.memref_slice %arg6[%dma_start3A_32, %dma_start3A_37] : memref<16x128xi32, #tpu.memory_space<vmem>> -> memref<1x128xi32, #tpu.memory_space<vmem>>
      %dma_start3A_39 = tpu.memref_squeeze %dma_start3A_38 : memref<1x128xi32, #tpu.memory_space<vmem>> -> memref<128xi32, #tpu.memory_space<vmem>>
      %dma_start3A_40 = arith.constant 0 : i32
      %dma_start3A_41 = tpu.memref_slice %arg2[%dma_start3A_40] : memref<25010001xf32, #tpu.memory_space<hbm>> -> memref<25010001xf32, #tpu.memory_space<hbm>>
      tpu.enqueue_indirect_dma source(%dma_start3A_41 : memref<25010001xf32, #tpu.memory_space<hbm>>) target(%dma_start3A_36 : memref<128xf32, #tpu.memory_space<vmem>>) offsets(%dma_start3A_39 : memref<128xi32, #tpu.memory_space<vmem>>) semaphore(%arg9 : memref<!tpu.dma_semaphore, #tpu.memory_space<semaphore_mem>>)
      %dma_start3A_42 = arith.constant 3 : i32
      %dma_start3A_43 = arith.constant 3 : i32
      %dma_start3A_44 = arith.constant 0 : i32
      %dma_start3A_45 = tpu.memref_slice %arg8[%dma_start3A_43, %dma_start3A_44] : memref<16x128xf32, #tpu.memory_space<vmem>> -> memref<1x128xf32, #tpu.memory_space<vmem>>
      %dma_start3A_46 = tpu.memref_squeeze %dma_start3A_45 : memref<1x128xf32, #tpu.memory_space<vmem>> -> memref<128xf32, #tpu.memory_space<vmem>>
      %dma_start3A_47 = arith.constant 0 : i32
      %dma_start3A_48 = tpu.memref_slice %arg6[%dma_start3A_42, %dma_start3A_47] : memref<16x128xi32, #tpu.memory_space<vmem>> -> memref<1x128xi32, #tpu.memory_space<vmem>>
      %dma_start3A_49 = tpu.memref_squeeze %dma_start3A_48 : memref<1x128xi32, #tpu.memory_space<vmem>> -> memref<128xi32, #tpu.memory_space<vmem>>
      %dma_start3A_50 = arith.constant 0 : i32
      %dma_start3A_51 = tpu.memref_slice %arg2[%dma_start3A_50] : memref<25010001xf32, #tpu.memory_space<hbm>> -> memref<25010001xf32, #tpu.memory_space<hbm>>
      tpu.enqueue_indirect_dma source(%dma_start3A_51 : memref<25010001xf32, #tpu.memory_space<hbm>>) target(%dma_start3A_46 : memref<128xf32, #tpu.memory_space<vmem>>) offsets(%dma_start3A_49 : memref<128xi32, #tpu.memory_space<vmem>>) semaphore(%arg9 : memref<!tpu.dma_semaphore, #tpu.memory_space<semaphore_mem>>)
      %dma_start3A_52 = arith.constant 4 : i32
      %dma_start3A_53 = arith.constant 4 : i32
      %dma_start3A_54 = arith.constant 0 : i32
      %dma_start3A_55 = tpu.memref_slice %arg8[%dma_start3A_53, %dma_start3A_54] : memref<16x128xf32, #tpu.memory_space<vmem>> -> memref<1x128xf32, #tpu.memory_space<vmem>>
      %dma_start3A_56 = tpu.memref_squeeze %dma_start3A_55 : memref<1x128xf32, #tpu.memory_space<vmem>> -> memref<128xf32, #tpu.memory_space<vmem>>
      %dma_start3A_57 = arith.constant 0 : i32
      %dma_start3A_58 = tpu.memref_slice %arg6[%dma_start3A_52, %dma_start3A_57] : memref<16x128xi32, #tpu.memory_space<vmem>> -> memref<1x128xi32, #tpu.memory_space<vmem>>
      %dma_start3A_59 = tpu.memref_squeeze %dma_start3A_58 : memref<1x128xi32, #tpu.memory_space<vmem>> -> memref<128xi32, #tpu.memory_space<vmem>>
      %dma_start3A_60 = arith.constant 0 : i32
      %dma_start3A_61 = tpu.memref_slice %arg2[%dma_start3A_60] : memref<25010001xf32, #tpu.memory_space<hbm>> -> memref<25010001xf32, #tpu.memory_space<hbm>>
      tpu.enqueue_indirect_dma source(%dma_start3A_61 : memref<25010001xf32, #tpu.memory_space<hbm>>) target(%dma_start3A_56 : memref<128xf32, #tpu.memory_space<vmem>>) offsets(%dma_start3A_59 : memref<128xi32, #tpu.memory_space<vmem>>) semaphore(%arg9 : memref<!tpu.dma_semaphore, #tpu.memory_space<semaphore_mem>>)
      %dma_start3A_62 = arith.constant 5 : i32
      %dma_start3A_63 = arith.constant 5 : i32
      %dma_start3A_64 = arith.constant 0 : i32
      %dma_start3A_65 = tpu.memref_slice %arg8[%dma_start3A_63, %dma_start3A_64] : memref<16x128xf32, #tpu.memory_space<vmem>> -> memref<1x128xf32, #tpu.memory_space<vmem>>
      %dma_start3A_66 = tpu.memref_squeeze %dma_start3A_65 : memref<1x128xf32, #tpu.memory_space<vmem>> -> memref<128xf32, #tpu.memory_space<vmem>>
      %dma_start3A_67 = arith.constant 0 : i32
      %dma_start3A_68 = tpu.memref_slice %arg6[%dma_start3A_62, %dma_start3A_67] : memref<16x128xi32, #tpu.memory_space<vmem>> -> memref<1x128xi32, #tpu.memory_space<vmem>>
      %dma_start3A_69 = tpu.memref_squeeze %dma_start3A_68 : memref<1x128xi32, #tpu.memory_space<vmem>> -> memref<128xi32, #tpu.memory_space<vmem>>
      %dma_start3A_70 = arith.constant 0 : i32
      %dma_start3A_71 = tpu.memref_slice %arg2[%dma_start3A_70] : memref<25010001xf32, #tpu.memory_space<hbm>> -> memref<25010001xf32, #tpu.memory_space<hbm>>
      tpu.enqueue_indirect_dma source(%dma_start3A_71 : memref<25010001xf32, #tpu.memory_space<hbm>>) target(%dma_start3A_66 : memref<128xf32, #tpu.memory_space<vmem>>) offsets(%dma_start3A_69 : memref<128xi32, #tpu.memory_space<vmem>>) semaphore(%arg9 : memref<!tpu.dma_semaphore, #tpu.memory_space<semaphore_mem>>)
      %dma_start3A_72 = arith.constant 6 : i32
      %dma_start3A_73 = arith.constant 6 : i32
      %dma_start3A_74 = arith.constant 0 : i32
      %dma_start3A_75 = tpu.memref_slice %arg8[%dma_start3A_73, %dma_start3A_74] : memref<16x128xf32, #tpu.memory_space<vmem>> -> memref<1x128xf32, #tpu.memory_space<vmem>>
      %dma_start3A_76 = tpu.memref_squeeze %dma_start3A_75 : memref<1x128xf32, #tpu.memory_space<vmem>> -> memref<128xf32, #tpu.memory_space<vmem>>
      %dma_start3A_77 = arith.constant 0 : i32
      %dma_start3A_78 = tpu.memref_slice %arg6[%dma_start3A_72, %dma_start3A_77] : memref<16x128xi32, #tpu.memory_space<vmem>> -> memref<1x128xi32, #tpu.memory_space<vmem>>
      %dma_start3A_79 = tpu.memref_squeeze %dma_start3A_78 : memref<1x128xi32, #tpu.memory_space<vmem>> -> memref<128xi32, #tpu.memory_space<vmem>>
      %dma_start3A_80 = arith.constant 0 : i32
      %dma_start3A_81 = tpu.memref_slice %arg2[%dma_start3A_80] : memref<25010001xf32, #tpu.memory_space<hbm>> -> memref<25010001xf32, #tpu.memory_space<hbm>>
      tpu.enqueue_indirect_dma source(%dma_start3A_81 : memref<25010001xf32, #tpu.memory_space<hbm>>) target(%dma_start3A_76 : memref<128xf32, #tpu.memory_space<vmem>>) offsets(%dma_start3A_79 : memref<128xi32, #tpu.memory_space<vmem>>) semaphore(%arg9 : memref<!tpu.dma_semaphore, #tpu.memory_space<semaphore_mem>>)
      %dma_start3A_82 = arith.constant 7 : i32
      %dma_start3A_83 = arith.constant 7 : i32
      %dma_start3A_84 = arith.constant 0 : i32
      %dma_start3A_85 = tpu.memref_slice %arg8[%dma_start3A_83, %dma_start3A_84] : memref<16x128xf32, #tpu.memory_space<vmem>> -> memref<1x128xf32, #tpu.memory_space<vmem>>
      %dma_start3A_86 = tpu.memref_squeeze %dma_start3A_85 : memref<1x128xf32, #tpu.memory_space<vmem>> -> memref<128xf32, #tpu.memory_space<vmem>>
      %dma_start3A_87 = arith.constant 0 : i32
      %dma_start3A_88 = tpu.memref_slice %arg6[%dma_start3A_82, %dma_start3A_87] : memref<16x128xi32, #tpu.memory_space<vmem>> -> memref<1x128xi32, #tpu.memory_space<vmem>>
      %dma_start3A_89 = tpu.memref_squeeze %dma_start3A_88 : memref<1x128xi32, #tpu.memory_space<vmem>> -> memref<128xi32, #tpu.memory_space<vmem>>
      %dma_start3A_90 = arith.constant 0 : i32
      %dma_start3A_91 = tpu.memref_slice %arg2[%dma_start3A_90] : memref<25010001xf32, #tpu.memory_space<hbm>> -> memref<25010001xf32, #tpu.memory_space<hbm>>
      tpu.enqueue_indirect_dma source(%dma_start3A_91 : memref<25010001xf32, #tpu.memory_space<hbm>>) target(%dma_start3A_86 : memref<128xf32, #tpu.memory_space<vmem>>) offsets(%dma_start3A_89 : memref<128xi32, #tpu.memory_space<vmem>>) semaphore(%arg9 : memref<!tpu.dma_semaphore, #tpu.memory_space<semaphore_mem>>)
      %dma_start3A_92 = arith.constant 8 : i32
      %dma_start3A_93 = arith.constant 8 : i32
      %dma_start3A_94 = arith.constant 0 : i32
      %dma_start3A_95 = tpu.memref_slice %arg8[%dma_start3A_93, %dma_start3A_94] : memref<16x128xf32, #tpu.memory_space<vmem>> -> memref<1x128xf32, #tpu.memory_space<vmem>>
      %dma_start3A_96 = tpu.memref_squeeze %dma_start3A_95 : memref<1x128xf32, #tpu.memory_space<vmem>> -> memref<128xf32, #tpu.memory_space<vmem>>
      %dma_start3A_97 = arith.constant 0 : i32
      %dma_start3A_98 = tpu.memref_slice %arg6[%dma_start3A_92, %dma_start3A_97] : memref<16x128xi32, #tpu.memory_space<vmem>> -> memref<1x128xi32, #tpu.memory_space<vmem>>
      %dma_start3A_99 = tpu.memref_squeeze %dma_start3A_98 : memref<1x128xi32, #tpu.memory_space<vmem>> -> memref<128xi32, #tpu.memory_space<vmem>>
      %dma_start3A_100 = arith.constant 0 : i32
      %dma_start3A_101 = tpu.memref_slice %arg2[%dma_start3A_100] : memref<25010001xf32, #tpu.memory_space<hbm>> -> memref<25010001xf32, #tpu.memory_space<hbm>>
      tpu.enqueue_indirect_dma source(%dma_start3A_101 : memref<25010001xf32, #tpu.memory_space<hbm>>) target(%dma_start3A_96 : memref<128xf32, #tpu.memory_space<vmem>>) offsets(%dma_start3A_99 : memref<128xi32, #tpu.memory_space<vmem>>) semaphore(%arg9 : memref<!tpu.dma_semaphore, #tpu.memory_space<semaphore_mem>>)
      %dma_start3A_102 = arith.constant 9 : i32
      %dma_start3A_103 = arith.constant 9 : i32
      %dma_start3A_104 = arith.constant 0 : i32
      %dma_start3A_105 = tpu.memref_slice %arg8[%dma_start3A_103, %dma_start3A_104] : memref<16x128xf32, #tpu.memory_space<vmem>> -> memref<1x128xf32, #tpu.memory_space<vmem>>
      %dma_start3A_106 = tpu.memref_squeeze %dma_start3A_105 : memref<1x128xf32, #tpu.memory_space<vmem>> -> memref<128xf32, #tpu.memory_space<vmem>>
      %dma_start3A_107 = arith.constant 0 : i32
      %dma_start3A_108 = tpu.memref_slice %arg6[%dma_start3A_102, %dma_start3A_107] : memref<16x128xi32, #tpu.memory_space<vmem>> -> memref<1x128xi32, #tpu.memory_space<vmem>>
      %dma_start3A_109 = tpu.memref_squeeze %dma_start3A_108 : memref<1x128xi32, #tpu.memory_space<vmem>> -> memref<128xi32, #tpu.memory_space<vmem>>
      %dma_start3A_110 = arith.constant 0 : i32
      %dma_start3A_111 = tpu.memref_slice %arg2[%dma_start3A_110] : memref<25010001xf32, #tpu.memory_space<hbm>> -> memref<25010001xf32, #tpu.memory_space<hbm>>
      tpu.enqueue_indirect_dma source(%dma_start3A_111 : memref<25010001xf32, #tpu.memory_space<hbm>>) target(%dma_start3A_106 : memref<128xf32, #tpu.memory_space<vmem>>) offsets(%dma_start3A_109 : memref<128xi32, #tpu.memory_space<vmem>>) semaphore(%arg9 : memref<!tpu.dma_semaphore, #tpu.memory_space<semaphore_mem>>)
      %dma_start3A_112 = arith.constant 10 : i32
      %dma_start3A_113 = arith.constant 10 : i32
      %dma_start3A_114 = arith.constant 0 : i32
      %dma_start3A_115 = tpu.memref_slice %arg8[%dma_start3A_113, %dma_start3A_114] : memref<16x128xf32, #tpu.memory_space<vmem>> -> memref<1x128xf32, #tpu.memory_space<vmem>>
      %dma_start3A_116 = tpu.memref_squeeze %dma_start3A_115 : memref<1x128xf32, #tpu.memory_space<vmem>> -> memref<128xf32, #tpu.memory_space<vmem>>
      %dma_start3A_117 = arith.constant 0 : i32
      %dma_start3A_118 = tpu.memref_slice %arg6[%dma_start3A_112, %dma_start3A_117] : memref<16x128xi32, #tpu.memory_space<vmem>> -> memref<1x128xi32, #tpu.memory_space<vmem>>
      %dma_start3A_119 = tpu.memref_squeeze %dma_start3A_118 : memref<1x128xi32, #tpu.memory_space<vmem>> -> memref<128xi32, #tpu.memory_space<vmem>>
      %dma_start3A_120 = arith.constant 0 : i32
      %dma_start3A_121 = tpu.memref_slice %arg2[%dma_start3A_120] : memref<25010001xf32, #tpu.memory_space<hbm>> -> memref<25010001xf32, #tpu.memory_space<hbm>>
      tpu.enqueue_indirect_dma source(%dma_start3A_121 : memref<25010001xf32, #tpu.memory_space<hbm>>) target(%dma_start3A_116 : memref<128xf32, #tpu.memory_space<vmem>>) offsets(%dma_start3A_119 : memref<128xi32, #tpu.memory_space<vmem>>) semaphore(%arg9 : memref<!tpu.dma_semaphore, #tpu.memory_space<semaphore_mem>>)
      %dma_start3A_122 = arith.constant 11 : i32
      %dma_start3A_123 = arith.constant 11 : i32
      %dma_start3A_124 = arith.constant 0 : i32
      %dma_start3A_125 = tpu.memref_slice %arg8[%dma_start3A_123, %dma_start3A_124] : memref<16x128xf32, #tpu.memory_space<vmem>> -> memref<1x128xf32, #tpu.memory_space<vmem>>
      %dma_start3A_126 = tpu.memref_squeeze %dma_start3A_125 : memref<1x128xf32, #tpu.memory_space<vmem>> -> memref<128xf32, #tpu.memory_space<vmem>>
      %dma_start3A_127 = arith.constant 0 : i32
      %dma_start3A_128 = tpu.memref_slice %arg6[%dma_start3A_122, %dma_start3A_127] : memref<16x128xi32, #tpu.memory_space<vmem>> -> memref<1x128xi32, #tpu.memory_space<vmem>>
      %dma_start3A_129 = tpu.memref_squeeze %dma_start3A_128 : memref<1x128xi32, #tpu.memory_space<vmem>> -> memref<128xi32, #tpu.memory_space<vmem>>
      %dma_start3A_130 = arith.constant 0 : i32
      %dma_start3A_131 = tpu.memref_slice %arg2[%dma_start3A_130] : memref<25010001xf32, #tpu.memory_space<hbm>> -> memref<25010001xf32, #tpu.memory_space<hbm>>
      tpu.enqueue_indirect_dma source(%dma_start3A_131 : memref<25010001xf32, #tpu.memory_space<hbm>>) target(%dma_start3A_126 : memref<128xf32, #tpu.memory_space<vmem>>) offsets(%dma_start3A_129 : memref<128xi32, #tpu.memory_space<vmem>>) semaphore(%arg9 : memref<!tpu.dma_semaphore, #tpu.memory_space<semaphore_mem>>)
      %dma_start3A_132 = arith.constant 12 : i32
      %dma_start3A_133 = arith.constant 12 : i32
      %dma_start3A_134 = arith.constant 0 : i32
      %dma_start3A_135 = tpu.memref_slice %arg8[%dma_start3A_133, %dma_start3A_134] : memref<16x128xf32, #tpu.memory_space<vmem>> -> memref<1x128xf32, #tpu.memory_space<vmem>>
      %dma_start3A_136 = tpu.memref_squeeze %dma_start3A_135 : memref<1x128xf32, #tpu.memory_space<vmem>> -> memref<128xf32, #tpu.memory_space<vmem>>
      %dma_start3A_137 = arith.constant 0 : i32
      %dma_start3A_138 = tpu.memref_slice %arg6[%dma_start3A_132, %dma_start3A_137] : memref<16x128xi32, #tpu.memory_space<vmem>> -> memref<1x128xi32, #tpu.memory_space<vmem>>
      %dma_start3A_139 = tpu.memref_squeeze %dma_start3A_138 : memref<1x128xi32, #tpu.memory_space<vmem>> -> memref<128xi32, #tpu.memory_space<vmem>>
      %dma_start3A_140 = arith.constant 0 : i32
      %dma_start3A_141 = tpu.memref_slice %arg2[%dma_start3A_140] : memref<25010001xf32, #tpu.memory_space<hbm>> -> memref<25010001xf32, #tpu.memory_space<hbm>>
      tpu.enqueue_indirect_dma source(%dma_start3A_141 : memref<25010001xf32, #tpu.memory_space<hbm>>) target(%dma_start3A_136 : memref<128xf32, #tpu.memory_space<vmem>>) offsets(%dma_start3A_139 : memref<128xi32, #tpu.memory_space<vmem>>) semaphore(%arg9 : memref<!tpu.dma_semaphore, #tpu.memory_space<semaphore_mem>>)
      %dma_start3A_142 = arith.constant 13 : i32
      %dma_start3A_143 = arith.constant 13 : i32
      %dma_start3A_144 = arith.constant 0 : i32
      %dma_start3A_145 = tpu.memref_slice %arg8[%dma_start3A_143, %dma_start3A_144] : memref<16x128xf32, #tpu.memory_space<vmem>> -> memref<1x128xf32, #tpu.memory_space<vmem>>
      %dma_start3A_146 = tpu.memref_squeeze %dma_start3A_145 : memref<1x128xf32, #tpu.memory_space<vmem>> -> memref<128xf32, #tpu.memory_space<vmem>>
      %dma_start3A_147 = arith.constant 0 : i32
      %dma_start3A_148 = tpu.memref_slice %arg6[%dma_start3A_142, %dma_start3A_147] : memref<16x128xi32, #tpu.memory_space<vmem>> -> memref<1x128xi32, #tpu.memory_space<vmem>>
      %dma_start3A_149 = tpu.memref_squeeze %dma_start3A_148 : memref<1x128xi32, #tpu.memory_space<vmem>> -> memref<128xi32, #tpu.memory_space<vmem>>
      %dma_start3A_150 = arith.constant 0 : i32
      %dma_start3A_151 = tpu.memref_slice %arg2[%dma_start3A_150] : memref<25010001xf32, #tpu.memory_space<hbm>> -> memref<25010001xf32, #tpu.memory_space<hbm>>
      tpu.enqueue_indirect_dma source(%dma_start3A_151 : memref<25010001xf32, #tpu.memory_space<hbm>>) target(%dma_start3A_146 : memref<128xf32, #tpu.memory_space<vmem>>) offsets(%dma_start3A_149 : memref<128xi32, #tpu.memory_space<vmem>>) semaphore(%arg9 : memref<!tpu.dma_semaphore, #tpu.memory_space<semaphore_mem>>)
      %dma_start3A_152 = arith.constant 14 : i32
      %dma_start3A_153 = arith.constant 14 : i32
      %dma_start3A_154 = arith.constant 0 : i32
      %dma_start3A_155 = tpu.memref_slice %arg8[%dma_start3A_153, %dma_start3A_154] : memref<16x128xf32, #tpu.memory_space<vmem>> -> memref<1x128xf32, #tpu.memory_space<vmem>>
      %dma_start3A_156 = tpu.memref_squeeze %dma_start3A_155 : memref<1x128xf32, #tpu.memory_space<vmem>> -> memref<128xf32, #tpu.memory_space<vmem>>
      %dma_start3A_157 = arith.constant 0 : i32
      %dma_start3A_158 = tpu.memref_slice %arg6[%dma_start3A_152, %dma_start3A_157] : memref<16x128xi32, #tpu.memory_space<vmem>> -> memref<1x128xi32, #tpu.memory_space<vmem>>
      %dma_start3A_159 = tpu.memref_squeeze %dma_start3A_158 : memref<1x128xi32, #tpu.memory_space<vmem>> -> memref<128xi32, #tpu.memory_space<vmem>>
      %dma_start3A_160 = arith.constant 0 : i32
      %dma_start3A_161 = tpu.memref_slice %arg2[%dma_start3A_160] : memref<25010001xf32, #tpu.memory_space<hbm>> -> memref<25010001xf32, #tpu.memory_space<hbm>>
      tpu.enqueue_indirect_dma source(%dma_start3A_161 : memref<25010001xf32, #tpu.memory_space<hbm>>) target(%dma_start3A_156 : memref<128xf32, #tpu.memory_space<vmem>>) offsets(%dma_start3A_159 : memref<128xi32, #tpu.memory_space<vmem>>) semaphore(%arg9 : memref<!tpu.dma_semaphore, #tpu.memory_space<semaphore_mem>>)
      %dma_start3A_162 = arith.constant 15 : i32
      %dma_start3A_163 = arith.constant 15 : i32
      %dma_start3A_164 = arith.constant 0 : i32
      %dma_start3A_165 = tpu.memref_slice %arg8[%dma_start3A_163, %dma_start3A_164] : memref<16x128xf32, #tpu.memory_space<vmem>> -> memref<1x128xf32, #tpu.memory_space<vmem>>
      %dma_start3A_166 = tpu.memref_squeeze %dma_start3A_165 : memref<1x128xf32, #tpu.memory_space<vmem>> -> memref<128xf32, #tpu.memory_space<vmem>>
      %dma_start3A_167 = arith.constant 0 : i32
      %dma_start3A_168 = tpu.memref_slice %arg6[%dma_start3A_162, %dma_start3A_167] : memref<16x128xi32, #tpu.memory_space<vmem>> -> memref<1x128xi32, #tpu.memory_space<vmem>>
      %dma_start3A_169 = tpu.memref_squeeze %dma_start3A_168 : memref<1x128xi32, #tpu.memory_space<vmem>> -> memref<128xi32, #tpu.memory_space<vmem>>
      %dma_start3A_170 = arith.constant 0 : i32
      %dma_start3A_171 = tpu.memref_slice %arg2[%dma_start3A_170] : memref<25010001xf32, #tpu.memory_space<hbm>> -> memref<25010001xf32, #tpu.memory_space<hbm>>
      tpu.enqueue_indirect_dma source(%dma_start3A_171 : memref<25010001xf32, #tpu.memory_space<hbm>>) target(%dma_start3A_166 : memref<128xf32, #tpu.memory_space<vmem>>) offsets(%dma_start3A_169 : memref<128xi32, #tpu.memory_space<vmem>>) semaphore(%arg9 : memref<!tpu.dma_semaphore, #tpu.memory_space<semaphore_mem>>)
      %dma_wait3A = arith.constant 0 : i32
      %dma_wait3A_172 = arith.constant 0 : i32
      %dma_wait3A_173 = arith.constant 0 : i32
      %dma_wait3A_174 = tpu.memref_slice %arg8[%dma_wait3A_172, %dma_wait3A_173] : memref<16x128xf32, #tpu.memory_space<vmem>> -> memref<1x128xf32, #tpu.memory_space<vmem>>
      %dma_wait3A_175 = tpu.memref_squeeze %dma_wait3A_174 : memref<1x128xf32, #tpu.memory_space<vmem>> -> memref<128xf32, #tpu.memory_space<vmem>>
      %dma_wait3A_176 = arith.constant 0 : i32
      %dma_wait3A_177 = tpu.memref_slice %arg6[%dma_wait3A, %dma_wait3A_176] : memref<16x128xi32, #tpu.memory_space<vmem>> -> memref<1x128xi32, #tpu.memory_space<vmem>>
      %dma_wait3A_178 = tpu.memref_squeeze %dma_wait3A_177 : memref<1x128xi32, #tpu.memory_space<vmem>> -> memref<128xi32, #tpu.memory_space<vmem>>
      %dma_wait3A_179 = arith.constant 0 : i32
      %dma_wait3A_180 = tpu.memref_slice %arg2[%dma_wait3A_179] : memref<25010001xf32, #tpu.memory_space<hbm>> -> memref<25010001xf32, #tpu.memory_space<hbm>>
      tpu.wait_indirect_dma semaphore(%arg9 : memref<!tpu.dma_semaphore, #tpu.memory_space<semaphore_mem>>) src(%dma_wait3A_180 : memref<25010001xf32, #tpu.memory_space<hbm>>) dst(%dma_wait3A_175 : memref<128xf32, #tpu.memory_space<vmem>>)
      %dma_wait3A_181 = arith.constant 1 : i32
      %dma_wait3A_182 = arith.constant 1 : i32
      %dma_wait3A_183 = arith.constant 0 : i32
      %dma_wait3A_184 = tpu.memref_slice %arg8[%dma_wait3A_182, %dma_wait3A_183] : memref<16x128xf32, #tpu.memory_space<vmem>> -> memref<1x128xf32, #tpu.memory_space<vmem>>
      %dma_wait3A_185 = tpu.memref_squeeze %dma_wait3A_184 : memref<1x128xf32, #tpu.memory_space<vmem>> -> memref<128xf32, #tpu.memory_space<vmem>>
      %dma_wait3A_186 = arith.constant 0 : i32
      %dma_wait3A_187 = tpu.memref_slice %arg6[%dma_wait3A_181, %dma_wait3A_186] : memref<16x128xi32, #tpu.memory_space<vmem>> -> memref<1x128xi32, #tpu.memory_space<vmem>>
      %dma_wait3A_188 = tpu.memref_squeeze %dma_wait3A_187 : memref<1x128xi32, #tpu.memory_space<vmem>> -> memref<128xi32, #tpu.memory_space<vmem>>
      %dma_wait3A_189 = arith.constant 0 : i32
      %dma_wait3A_190 = tpu.memref_slice %arg2[%dma_wait3A_189] : memref<25010001xf32, #tpu.memory_space<hbm>> -> memref<25010001xf32, #tpu.memory_space<hbm>>
      tpu.wait_indirect_dma semaphore(%arg9 : memref<!tpu.dma_semaphore, #tpu.memory_space<semaphore_mem>>) src(%dma_wait3A_190 : memref<25010001xf32, #tpu.memory_space<hbm>>) dst(%dma_wait3A_185 : memref<128xf32, #tpu.memory_space<vmem>>)
      %dma_wait3A_191 = arith.constant 2 : i32
      %dma_wait3A_192 = arith.constant 2 : i32
      %dma_wait3A_193 = arith.constant 0 : i32
      %dma_wait3A_194 = tpu.memref_slice %arg8[%dma_wait3A_192, %dma_wait3A_193] : memref<16x128xf32, #tpu.memory_space<vmem>> -> memref<1x128xf32, #tpu.memory_space<vmem>>
      %dma_wait3A_195 = tpu.memref_squeeze %dma_wait3A_194 : memref<1x128xf32, #tpu.memory_space<vmem>> -> memref<128xf32, #tpu.memory_space<vmem>>
      %dma_wait3A_196 = arith.constant 0 : i32
      %dma_wait3A_197 = tpu.memref_slice %arg6[%dma_wait3A_191, %dma_wait3A_196] : memref<16x128xi32, #tpu.memory_space<vmem>> -> memref<1x128xi32, #tpu.memory_space<vmem>>
      %dma_wait3A_198 = tpu.memref_squeeze %dma_wait3A_197 : memref<1x128xi32, #tpu.memory_space<vmem>> -> memref<128xi32, #tpu.memory_space<vmem>>
      %dma_wait3A_199 = arith.constant 0 : i32
      %dma_wait3A_200 = tpu.memref_slice %arg2[%dma_wait3A_199] : memref<25010001xf32, #tpu.memory_space<hbm>> -> memref<25010001xf32, #tpu.memory_space<hbm>>
      tpu.wait_indirect_dma semaphore(%arg9 : memref<!tpu.dma_semaphore, #tpu.memory_space<semaphore_mem>>) src(%dma_wait3A_200 : memref<25010001xf32, #tpu.memory_space<hbm>>) dst(%dma_wait3A_195 : memref<128xf32, #tpu.memory_space<vmem>>)
      %dma_wait3A_201 = arith.constant 3 : i32
      %dma_wait3A_202 = arith.constant 3 : i32
      %dma_wait3A_203 = arith.constant 0 : i32
      %dma_wait3A_204 = tpu.memref_slice %arg8[%dma_wait3A_202, %dma_wait3A_203] : memref<16x128xf32, #tpu.memory_space<vmem>> -> memref<1x128xf32, #tpu.memory_space<vmem>>
      %dma_wait3A_205 = tpu.memref_squeeze %dma_wait3A_204 : memref<1x128xf32, #tpu.memory_space<vmem>> -> memref<128xf32, #tpu.memory_space<vmem>>
      %dma_wait3A_206 = arith.constant 0 : i32
      %dma_wait3A_207 = tpu.memref_slice %arg6[%dma_wait3A_201, %dma_wait3A_206] : memref<16x128xi32, #tpu.memory_space<vmem>> -> memref<1x128xi32, #tpu.memory_space<vmem>>
      %dma_wait3A_208 = tpu.memref_squeeze %dma_wait3A_207 : memref<1x128xi32, #tpu.memory_space<vmem>> -> memref<128xi32, #tpu.memory_space<vmem>>
      %dma_wait3A_209 = arith.constant 0 : i32
      %dma_wait3A_210 = tpu.memref_slice %arg2[%dma_wait3A_209] : memref<25010001xf32, #tpu.memory_space<hbm>> -> memref<25010001xf32, #tpu.memory_space<hbm>>
      tpu.wait_indirect_dma semaphore(%arg9 : memref<!tpu.dma_semaphore, #tpu.memory_space<semaphore_mem>>) src(%dma_wait3A_210 : memref<25010001xf32, #tpu.memory_space<hbm>>) dst(%dma_wait3A_205 : memref<128xf32, #tpu.memory_space<vmem>>)
      %dma_wait3A_211 = arith.constant 4 : i32
      %dma_wait3A_212 = arith.constant 4 : i32
      %dma_wait3A_213 = arith.constant 0 : i32
      %dma_wait3A_214 = tpu.memref_slice %arg8[%dma_wait3A_212, %dma_wait3A_213] : memref<16x128xf32, #tpu.memory_space<vmem>> -> memref<1x128xf32, #tpu.memory_space<vmem>>
      %dma_wait3A_215 = tpu.memref_squeeze %dma_wait3A_214 : memref<1x128xf32, #tpu.memory_space<vmem>> -> memref<128xf32, #tpu.memory_space<vmem>>
      %dma_wait3A_216 = arith.constant 0 : i32
      %dma_wait3A_217 = tpu.memref_slice %arg6[%dma_wait3A_211, %dma_wait3A_216] : memref<16x128xi32, #tpu.memory_space<vmem>> -> memref<1x128xi32, #tpu.memory_space<vmem>>
      %dma_wait3A_218 = tpu.memref_squeeze %dma_wait3A_217 : memref<1x128xi32, #tpu.memory_space<vmem>> -> memref<128xi32, #tpu.memory_space<vmem>>
      %dma_wait3A_219 = arith.constant 0 : i32
      %dma_wait3A_220 = tpu.memref_slice %arg2[%dma_wait3A_219] : memref<25010001xf32, #tpu.memory_space<hbm>> -> memref<25010001xf32, #tpu.memory_space<hbm>>
      tpu.wait_indirect_dma semaphore(%arg9 : memref<!tpu.dma_semaphore, #tpu.memory_space<semaphore_mem>>) src(%dma_wait3A_220 : memref<25010001xf32, #tpu.memory_space<hbm>>) dst(%dma_wait3A_215 : memref<128xf32, #tpu.memory_space<vmem>>)
      %dma_wait3A_221 = arith.constant 5 : i32
      %dma_wait3A_222 = arith.constant 5 : i32
      %dma_wait3A_223 = arith.constant 0 : i32
      %dma_wait3A_224 = tpu.memref_slice %arg8[%dma_wait3A_222, %dma_wait3A_223] : memref<16x128xf32, #tpu.memory_space<vmem>> -> memref<1x128xf32, #tpu.memory_space<vmem>>
      %dma_wait3A_225 = tpu.memref_squeeze %dma_wait3A_224 : memref<1x128xf32, #tpu.memory_space<vmem>> -> memref<128xf32, #tpu.memory_space<vmem>>
      %dma_wait3A_226 = arith.constant 0 : i32
      %dma_wait3A_227 = tpu.memref_slice %arg6[%dma_wait3A_221, %dma_wait3A_226] : memref<16x128xi32, #tpu.memory_space<vmem>> -> memref<1x128xi32, #tpu.memory_space<vmem>>
      %dma_wait3A_228 = tpu.memref_squeeze %dma_wait3A_227 : memref<1x128xi32, #tpu.memory_space<vmem>> -> memref<128xi32, #tpu.memory_space<vmem>>
      %dma_wait3A_229 = arith.constant 0 : i32
      %dma_wait3A_230 = tpu.memref_slice %arg2[%dma_wait3A_229] : memref<25010001xf32, #tpu.memory_space<hbm>> -> memref<25010001xf32, #tpu.memory_space<hbm>>
      tpu.wait_indirect_dma semaphore(%arg9 : memref<!tpu.dma_semaphore, #tpu.memory_space<semaphore_mem>>) src(%dma_wait3A_230 : memref<25010001xf32, #tpu.memory_space<hbm>>) dst(%dma_wait3A_225 : memref<128xf32, #tpu.memory_space<vmem>>)
      %dma_wait3A_231 = arith.constant 6 : i32
      %dma_wait3A_232 = arith.constant 6 : i32
      %dma_wait3A_233 = arith.constant 0 : i32
      %dma_wait3A_234 = tpu.memref_slice %arg8[%dma_wait3A_232, %dma_wait3A_233] : memref<16x128xf32, #tpu.memory_space<vmem>> -> memref<1x128xf32, #tpu.memory_space<vmem>>
      %dma_wait3A_235 = tpu.memref_squeeze %dma_wait3A_234 : memref<1x128xf32, #tpu.memory_space<vmem>> -> memref<128xf32, #tpu.memory_space<vmem>>
      %dma_wait3A_236 = arith.constant 0 : i32
      %dma_wait3A_237 = tpu.memref_slice %arg6[%dma_wait3A_231, %dma_wait3A_236] : memref<16x128xi32, #tpu.memory_space<vmem>> -> memref<1x128xi32, #tpu.memory_space<vmem>>
      %dma_wait3A_238 = tpu.memref_squeeze %dma_wait3A_237 : memref<1x128xi32, #tpu.memory_space<vmem>> -> memref<128xi32, #tpu.memory_space<vmem>>
      %dma_wait3A_239 = arith.constant 0 : i32
      %dma_wait3A_240 = tpu.memref_slice %arg2[%dma_wait3A_239] : memref<25010001xf32, #tpu.memory_space<hbm>> -> memref<25010001xf32, #tpu.memory_space<hbm>>
      tpu.wait_indirect_dma semaphore(%arg9 : memref<!tpu.dma_semaphore, #tpu.memory_space<semaphore_mem>>) src(%dma_wait3A_240 : memref<25010001xf32, #tpu.memory_space<hbm>>) dst(%dma_wait3A_235 : memref<128xf32, #tpu.memory_space<vmem>>)
      %dma_wait3A_241 = arith.constant 7 : i32
      %dma_wait3A_242 = arith.constant 7 : i32
      %dma_wait3A_243 = arith.constant 0 : i32
      %dma_wait3A_244 = tpu.memref_slice %arg8[%dma_wait3A_242, %dma_wait3A_243] : memref<16x128xf32, #tpu.memory_space<vmem>> -> memref<1x128xf32, #tpu.memory_space<vmem>>
      %dma_wait3A_245 = tpu.memref_squeeze %dma_wait3A_244 : memref<1x128xf32, #tpu.memory_space<vmem>> -> memref<128xf32, #tpu.memory_space<vmem>>
      %dma_wait3A_246 = arith.constant 0 : i32
      %dma_wait3A_247 = tpu.memref_slice %arg6[%dma_wait3A_241, %dma_wait3A_246] : memref<16x128xi32, #tpu.memory_space<vmem>> -> memref<1x128xi32, #tpu.memory_space<vmem>>
      %dma_wait3A_248 = tpu.memref_squeeze %dma_wait3A_247 : memref<1x128xi32, #tpu.memory_space<vmem>> -> memref<128xi32, #tpu.memory_space<vmem>>
      %dma_wait3A_249 = arith.constant 0 : i32
      %dma_wait3A_250 = tpu.memref_slice %arg2[%dma_wait3A_249] : memref<25010001xf32, #tpu.memory_space<hbm>> -> memref<25010001xf32, #tpu.memory_space<hbm>>
      tpu.wait_indirect_dma semaphore(%arg9 : memref<!tpu.dma_semaphore, #tpu.memory_space<semaphore_mem>>) src(%dma_wait3A_250 : memref<25010001xf32, #tpu.memory_space<hbm>>) dst(%dma_wait3A_245 : memref<128xf32, #tpu.memory_space<vmem>>)
      %dma_wait3A_251 = arith.constant 8 : i32
      %dma_wait3A_252 = arith.constant 8 : i32
      %dma_wait3A_253 = arith.constant 0 : i32
      %dma_wait3A_254 = tpu.memref_slice %arg8[%dma_wait3A_252, %dma_wait3A_253] : memref<16x128xf32, #tpu.memory_space<vmem>> -> memref<1x128xf32, #tpu.memory_space<vmem>>
      %dma_wait3A_255 = tpu.memref_squeeze %dma_wait3A_254 : memref<1x128xf32, #tpu.memory_space<vmem>> -> memref<128xf32, #tpu.memory_space<vmem>>
      %dma_wait3A_256 = arith.constant 0 : i32
      %dma_wait3A_257 = tpu.memref_slice %arg6[%dma_wait3A_251, %dma_wait3A_256] : memref<16x128xi32, #tpu.memory_space<vmem>> -> memref<1x128xi32, #tpu.memory_space<vmem>>
      %dma_wait3A_258 = tpu.memref_squeeze %dma_wait3A_257 : memref<1x128xi32, #tpu.memory_space<vmem>> -> memref<128xi32, #tpu.memory_space<vmem>>
      %dma_wait3A_259 = arith.constant 0 : i32
      %dma_wait3A_260 = tpu.memref_slice %arg2[%dma_wait3A_259] : memref<25010001xf32, #tpu.memory_space<hbm>> -> memref<25010001xf32, #tpu.memory_space<hbm>>
      tpu.wait_indirect_dma semaphore(%arg9 : memref<!tpu.dma_semaphore, #tpu.memory_space<semaphore_mem>>) src(%dma_wait3A_260 : memref<25010001xf32, #tpu.memory_space<hbm>>) dst(%dma_wait3A_255 : memref<128xf32, #tpu.memory_space<vmem>>)
      %dma_wait3A_261 = arith.constant 9 : i32
      %dma_wait3A_262 = arith.constant 9 : i32
      %dma_wait3A_263 = arith.constant 0 : i32
      %dma_wait3A_264 = tpu.memref_slice %arg8[%dma_wait3A_262, %dma_wait3A_263] : memref<16x128xf32, #tpu.memory_space<vmem>> -> memref<1x128xf32, #tpu.memory_space<vmem>>
      %dma_wait3A_265 = tpu.memref_squeeze %dma_wait3A_264 : memref<1x128xf32, #tpu.memory_space<vmem>> -> memref<128xf32, #tpu.memory_space<vmem>>
      %dma_wait3A_266 = arith.constant 0 : i32
      %dma_wait3A_267 = tpu.memref_slice %arg6[%dma_wait3A_261, %dma_wait3A_266] : memref<16x128xi32, #tpu.memory_space<vmem>> -> memref<1x128xi32, #tpu.memory_space<vmem>>
      %dma_wait3A_268 = tpu.memref_squeeze %dma_wait3A_267 : memref<1x128xi32, #tpu.memory_space<vmem>> -> memref<128xi32, #tpu.memory_space<vmem>>
      %dma_wait3A_269 = arith.constant 0 : i32
      %dma_wait3A_270 = tpu.memref_slice %arg2[%dma_wait3A_269] : memref<25010001xf32, #tpu.memory_space<hbm>> -> memref<25010001xf32, #tpu.memory_space<hbm>>
      tpu.wait_indirect_dma semaphore(%arg9 : memref<!tpu.dma_semaphore, #tpu.memory_space<semaphore_mem>>) src(%dma_wait3A_270 : memref<25010001xf32, #tpu.memory_space<hbm>>) dst(%dma_wait3A_265 : memref<128xf32, #tpu.memory_space<vmem>>)
      %dma_wait3A_271 = arith.constant 10 : i32
      %dma_wait3A_272 = arith.constant 10 : i32
      %dma_wait3A_273 = arith.constant 0 : i32
      %dma_wait3A_274 = tpu.memref_slice %arg8[%dma_wait3A_272, %dma_wait3A_273] : memref<16x128xf32, #tpu.memory_space<vmem>> -> memref<1x128xf32, #tpu.memory_space<vmem>>
      %dma_wait3A_275 = tpu.memref_squeeze %dma_wait3A_274 : memref<1x128xf32, #tpu.memory_space<vmem>> -> memref<128xf32, #tpu.memory_space<vmem>>
      %dma_wait3A_276 = arith.constant 0 : i32
      %dma_wait3A_277 = tpu.memref_slice %arg6[%dma_wait3A_271, %dma_wait3A_276] : memref<16x128xi32, #tpu.memory_space<vmem>> -> memref<1x128xi32, #tpu.memory_space<vmem>>
      %dma_wait3A_278 = tpu.memref_squeeze %dma_wait3A_277 : memref<1x128xi32, #tpu.memory_space<vmem>> -> memref<128xi32, #tpu.memory_space<vmem>>
      %dma_wait3A_279 = arith.constant 0 : i32
      %dma_wait3A_280 = tpu.memref_slice %arg2[%dma_wait3A_279] : memref<25010001xf32, #tpu.memory_space<hbm>> -> memref<25010001xf32, #tpu.memory_space<hbm>>
      tpu.wait_indirect_dma semaphore(%arg9 : memref<!tpu.dma_semaphore, #tpu.memory_space<semaphore_mem>>) src(%dma_wait3A_280 : memref<25010001xf32, #tpu.memory_space<hbm>>) dst(%dma_wait3A_275 : memref<128xf32, #tpu.memory_space<vmem>>)
      %dma_wait3A_281 = arith.constant 11 : i32
      %dma_wait3A_282 = arith.constant 11 : i32
      %dma_wait3A_283 = arith.constant 0 : i32
      %dma_wait3A_284 = tpu.memref_slice %arg8[%dma_wait3A_282, %dma_wait3A_283] : memref<16x128xf32, #tpu.memory_space<vmem>> -> memref<1x128xf32, #tpu.memory_space<vmem>>
      %dma_wait3A_285 = tpu.memref_squeeze %dma_wait3A_284 : memref<1x128xf32, #tpu.memory_space<vmem>> -> memref<128xf32, #tpu.memory_space<vmem>>
      %dma_wait3A_286 = arith.constant 0 : i32
      %dma_wait3A_287 = tpu.memref_slice %arg6[%dma_wait3A_281, %dma_wait3A_286] : memref<16x128xi32, #tpu.memory_space<vmem>> -> memref<1x128xi32, #tpu.memory_space<vmem>>
      %dma_wait3A_288 = tpu.memref_squeeze %dma_wait3A_287 : memref<1x128xi32, #tpu.memory_space<vmem>> -> memref<128xi32, #tpu.memory_space<vmem>>
      %dma_wait3A_289 = arith.constant 0 : i32
      %dma_wait3A_290 = tpu.memref_slice %arg2[%dma_wait3A_289] : memref<25010001xf32, #tpu.memory_space<hbm>> -> memref<25010001xf32, #tpu.memory_space<hbm>>
      tpu.wait_indirect_dma semaphore(%arg9 : memref<!tpu.dma_semaphore, #tpu.memory_space<semaphore_mem>>) src(%dma_wait3A_290 : memref<25010001xf32, #tpu.memory_space<hbm>>) dst(%dma_wait3A_285 : memref<128xf32, #tpu.memory_space<vmem>>)
      %dma_wait3A_291 = arith.constant 12 : i32
      %dma_wait3A_292 = arith.constant 12 : i32
      %dma_wait3A_293 = arith.constant 0 : i32
      %dma_wait3A_294 = tpu.memref_slice %arg8[%dma_wait3A_292, %dma_wait3A_293] : memref<16x128xf32, #tpu.memory_space<vmem>> -> memref<1x128xf32, #tpu.memory_space<vmem>>
      %dma_wait3A_295 = tpu.memref_squeeze %dma_wait3A_294 : memref<1x128xf32, #tpu.memory_space<vmem>> -> memref<128xf32, #tpu.memory_space<vmem>>
      %dma_wait3A_296 = arith.constant 0 : i32
      %dma_wait3A_297 = tpu.memref_slice %arg6[%dma_wait3A_291, %dma_wait3A_296] : memref<16x128xi32, #tpu.memory_space<vmem>> -> memref<1x128xi32, #tpu.memory_space<vmem>>
      %dma_wait3A_298 = tpu.memref_squeeze %dma_wait3A_297 : memref<1x128xi32, #tpu.memory_space<vmem>> -> memref<128xi32, #tpu.memory_space<vmem>>
      %dma_wait3A_299 = arith.constant 0 : i32
      %dma_wait3A_300 = tpu.memref_slice %arg2[%dma_wait3A_299] : memref<25010001xf32, #tpu.memory_space<hbm>> -> memref<25010001xf32, #tpu.memory_space<hbm>>
      tpu.wait_indirect_dma semaphore(%arg9 : memref<!tpu.dma_semaphore, #tpu.memory_space<semaphore_mem>>) src(%dma_wait3A_300 : memref<25010001xf32, #tpu.memory_space<hbm>>) dst(%dma_wait3A_295 : memref<128xf32, #tpu.memory_space<vmem>>)
      %dma_wait3A_301 = arith.constant 13 : i32
      %dma_wait3A_302 = arith.constant 13 : i32
      %dma_wait3A_303 = arith.constant 0 : i32
      %dma_wait3A_304 = tpu.memref_slice %arg8[%dma_wait3A_302, %dma_wait3A_303] : memref<16x128xf32, #tpu.memory_space<vmem>> -> memref<1x128xf32, #tpu.memory_space<vmem>>
      %dma_wait3A_305 = tpu.memref_squeeze %dma_wait3A_304 : memref<1x128xf32, #tpu.memory_space<vmem>> -> memref<128xf32, #tpu.memory_space<vmem>>
      %dma_wait3A_306 = arith.constant 0 : i32
      %dma_wait3A_307 = tpu.memref_slice %arg6[%dma_wait3A_301, %dma_wait3A_306] : memref<16x128xi32, #tpu.memory_space<vmem>> -> memref<1x128xi32, #tpu.memory_space<vmem>>
      %dma_wait3A_308 = tpu.memref_squeeze %dma_wait3A_307 : memref<1x128xi32, #tpu.memory_space<vmem>> -> memref<128xi32, #tpu.memory_space<vmem>>
      %dma_wait3A_309 = arith.constant 0 : i32
      %dma_wait3A_310 = tpu.memref_slice %arg2[%dma_wait3A_309] : memref<25010001xf32, #tpu.memory_space<hbm>> -> memref<25010001xf32, #tpu.memory_space<hbm>>
      tpu.wait_indirect_dma semaphore(%arg9 : memref<!tpu.dma_semaphore, #tpu.memory_space<semaphore_mem>>) src(%dma_wait3A_310 : memref<25010001xf32, #tpu.memory_space<hbm>>) dst(%dma_wait3A_305 : memref<128xf32, #tpu.memory_space<vmem>>)
      %dma_wait3A_311 = arith.constant 14 : i32
      %dma_wait3A_312 = arith.constant 14 : i32
      %dma_wait3A_313 = arith.constant 0 : i32
      %dma_wait3A_314 = tpu.memref_slice %arg8[%dma_wait3A_312, %dma_wait3A_313] : memref<16x128xf32, #tpu.memory_space<vmem>> -> memref<1x128xf32, #tpu.memory_space<vmem>>
      %dma_wait3A_315 = tpu.memref_squeeze %dma_wait3A_314 : memref<1x128xf32, #tpu.memory_space<vmem>> -> memref<128xf32, #tpu.memory_space<vmem>>
      %dma_wait3A_316 = arith.constant 0 : i32
      %dma_wait3A_317 = tpu.memref_slice %arg6[%dma_wait3A_311, %dma_wait3A_316] : memref<16x128xi32, #tpu.memory_space<vmem>> -> memref<1x128xi32, #tpu.memory_space<vmem>>
      %dma_wait3A_318 = tpu.memref_squeeze %dma_wait3A_317 : memref<1x128xi32, #tpu.memory_space<vmem>> -> memref<128xi32, #tpu.memory_space<vmem>>
      %dma_wait3A_319 = arith.constant 0 : i32
      %dma_wait3A_320 = tpu.memref_slice %arg2[%dma_wait3A_319] : memref<25010001xf32, #tpu.memory_space<hbm>> -> memref<25010001xf32, #tpu.memory_space<hbm>>
      tpu.wait_indirect_dma semaphore(%arg9 : memref<!tpu.dma_semaphore, #tpu.memory_space<semaphore_mem>>) src(%dma_wait3A_320 : memref<25010001xf32, #tpu.memory_space<hbm>>) dst(%dma_wait3A_315 : memref<128xf32, #tpu.memory_space<vmem>>)
      %dma_wait3A_321 = arith.constant 15 : i32
      %dma_wait3A_322 = arith.constant 15 : i32
      %dma_wait3A_323 = arith.constant 0 : i32
      %dma_wait3A_324 = tpu.memref_slice %arg8[%dma_wait3A_322, %dma_wait3A_323] : memref<16x128xf32, #tpu.memory_space<vmem>> -> memref<1x128xf32, #tpu.memory_space<vmem>>
      %dma_wait3A_325 = tpu.memref_squeeze %dma_wait3A_324 : memref<1x128xf32, #tpu.memory_space<vmem>> -> memref<128xf32, #tpu.memory_space<vmem>>
      %dma_wait3A_326 = arith.constant 0 : i32
      %dma_wait3A_327 = tpu.memref_slice %arg6[%dma_wait3A_321, %dma_wait3A_326] : memref<16x128xi32, #tpu.memory_space<vmem>> -> memref<1x128xi32, #tpu.memory_space<vmem>>
      %dma_wait3A_328 = tpu.memref_squeeze %dma_wait3A_327 : memref<1x128xi32, #tpu.memory_space<vmem>> -> memref<128xi32, #tpu.memory_space<vmem>>
      %dma_wait3A_329 = arith.constant 0 : i32
      %dma_wait3A_330 = tpu.memref_slice %arg2[%dma_wait3A_329] : memref<25010001xf32, #tpu.memory_space<hbm>> -> memref<25010001xf32, #tpu.memory_space<hbm>>
      tpu.wait_indirect_dma semaphore(%arg9 : memref<!tpu.dma_semaphore, #tpu.memory_space<semaphore_mem>>) src(%dma_wait3A_330 : memref<25010001xf32, #tpu.memory_space<hbm>>) dst(%dma_wait3A_325 : memref<128xf32, #tpu.memory_space<vmem>>)
      %scan3A_331 = arith.constant 0 : i32
      %scan3A_332 = arith.constant 0 : i32
      %scan3A_333 = arith.constant 8 : i32
      %scan3A_334 = arith.addi %scan3A_332, %scan3A_333 : i32
      %scan3A_335 = arith.constant 1 : i32
      scf.for %scan3A_337 = %scan3A_332 to %scan3A_334 step %scan3A_335  : i32 {
        %mul3A_338 = arith.constant 16 : i32
        %mul3A_339 = arith.muli %scan3A_337, %mul3A_338 : i32
        %get3A = arith.constant 0 : i32
        %get3A_340 = arith.index_cast %get3A : i32 to index
        %get3A_341 = arith.index_cast %mul3A_339 : i32 to index
        %get3A_342 = tpu.vector_load %arg8[%get3A_340, %get3A_341] {strides = array<i32>} : memref<16x128xf32, #tpu.memory_space<vmem>>, vector<1x16xf32>,
        %get3A_343 = vector.shape_cast %get3A_342 : vector<1x16xf32> to vector<16xf32>
        %mul3A_344 = arith.constant 16 : i32
        %mul3A_345 = arith.muli %scan3A_337, %mul3A_344 : i32
        %get3A_346 = arith.constant 0 : i32
        %get3A_347 = arith.index_cast %get3A_346 : i32 to index
        %get3A_348 = arith.index_cast %mul3A_345 : i32 to index
        %get3A_349 = tpu.vector_load %arg7[%get3A_347, %get3A_348] {strides = array<i32>} : memref<16x128xf32, #tpu.memory_space<vmem>>, vector<1x16xf32>,
        %get3A_350 = vector.shape_cast %get3A_349 : vector<1x16xf32> to vector<16xf32>
        %mul3A_351 = arith.mulf %get3A_343, %get3A_350 : vector<16xf32>
        %mul3A_352 = arith.constant 16 : i32
        %mul3A_353 = arith.muli %scan3A_337, %mul3A_352 : i32
        %swap3A = arith.constant 0 : i32
        %swap3A_354 = arith.index_cast %swap3A : i32 to index
        %swap3A_355 = arith.index_cast %mul3A_353 : i32 to index
        %swap3A_356 = tpu.vector_load %arg8[%swap3A_354, %swap3A_355] {strides = array<i32>} : memref<16x128xf32, #tpu.memory_space<vmem>>, vector<1x16xf32>,
        %swap3A_357 = vector.shape_cast %swap3A_356 : vector<1x16xf32> to vector<16xf32>
        %swap3A_358 = vector.shape_cast %mul3A_351 : vector<16xf32> to vector<1x16xf32>
        tpu.vector_store %arg8[%swap3A_354, %swap3A_355], %swap3A_358 {strides = array<i32>} : memref<16x128xf32, #tpu.memory_space<vmem>>, vector<1x16xf32>,
        %mul3A_359 = arith.constant 16 : i32
        %mul3A_360 = arith.muli %scan3A_337, %mul3A_359 : i32
        %get3A_361 = arith.constant 1 : i32
        %get3A_362 = arith.index_cast %get3A_361 : i32 to index
        %get3A_363 = arith.index_cast %mul3A_360 : i32 to index
        %get3A_364 = tpu.vector_load %arg8[%get3A_362, %get3A_363] {strides = array<i32>} : memref<16x128xf32, #tpu.memory_space<vmem>>, vector<1x16xf32>,
        %get3A_365 = vector.shape_cast %get3A_364 : vector<1x16xf32> to vector<16xf32>
        %mul3A_366 = arith.constant 16 : i32
        %mul3A_367 = arith.muli %scan3A_337, %mul3A_366 : i32
        %get3A_368 = arith.constant 1 : i32
        %get3A_369 = arith.index_cast %get3A_368 : i32 to index
        %get3A_370 = arith.index_cast %mul3A_367 : i32 to index
        %get3A_371 = tpu.vector_load %arg7[%get3A_369, %get3A_370] {strides = array<i32>} : memref<16x128xf32, #tpu.memory_space<vmem>>, vector<1x16xf32>,
        %get3A_372 = vector.shape_cast %get3A_371 : vector<1x16xf32> to vector<16xf32>
        %mul3A_373 = arith.mulf %get3A_365, %get3A_372 : vector<16xf32>
        %mul3A_374 = arith.constant 16 : i32
        %mul3A_375 = arith.muli %scan3A_337, %mul3A_374 : i32
        %swap3A_376 = arith.constant 1 : i32
        %swap3A_377 = arith.index_cast %swap3A_376 : i32 to index
        %swap3A_378 = arith.index_cast %mul3A_375 : i32 to index
        %swap3A_379 = tpu.vector_load %arg8[%swap3A_377, %swap3A_378] {strides = array<i32>} : memref<16x128xf32, #tpu.memory_space<vmem>>, vector<1x16xf32>,
        %swap3A_380 = vector.shape_cast %swap3A_379 : vector<1x16xf32> to vector<16xf32>
        %swap3A_381 = vector.shape_cast %mul3A_373 : vector<16xf32> to vector<1x16xf32>
        tpu.vector_store %arg8[%swap3A_377, %swap3A_378], %swap3A_381 {strides = array<i32>} : memref<16x128xf32, #tpu.memory_space<vmem>>, vector<1x16xf32>,
        %mul3A_382 = arith.constant 16 : i32
        %mul3A_383 = arith.muli %scan3A_337, %mul3A_382 : i32
        %get3A_384 = arith.constant 2 : i32
        %get3A_385 = arith.index_cast %get3A_384 : i32 to index
        %get3A_386 = arith.index_cast %mul3A_383 : i32 to index
        %get3A_387 = tpu.vector_load %arg8[%get3A_385, %get3A_386] {strides = array<i32>} : memref<16x128xf32, #tpu.memory_space<vmem>>, vector<1x16xf32>,
        %get3A_388 = vector.shape_cast %get3A_387 : vector<1x16xf32> to vector<16xf32>
        %mul3A_389 = arith.constant 16 : i32
        %mul3A_390 = arith.muli %scan3A_337, %mul3A_389 : i32
        %get3A_391 = arith.constant 2 : i32
        %get3A_392 = arith.index_cast %get3A_391 : i32 to index
        %get3A_393 = arith.index_cast %mul3A_390 : i32 to index
        %get3A_394 = tpu.vector_load %arg7[%get3A_392, %get3A_393] {strides = array<i32>} : memref<16x128xf32, #tpu.memory_space<vmem>>, vector<1x16xf32>,
        %get3A_395 = vector.shape_cast %get3A_394 : vector<1x16xf32> to vector<16xf32>
        %mul3A_396 = arith.mulf %get3A_388, %get3A_395 : vector<16xf32>
        %mul3A_397 = arith.constant 16 : i32
        %mul3A_398 = arith.muli %scan3A_337, %mul3A_397 : i32
        %swap3A_399 = arith.constant 2 : i32
        %swap3A_400 = arith.index_cast %swap3A_399 : i32 to index
        %swap3A_401 = arith.index_cast %mul3A_398 : i32 to index
        %swap3A_402 = tpu.vector_load %arg8[%swap3A_400, %swap3A_401] {strides = array<i32>} : memref<16x128xf32, #tpu.memory_space<vmem>>, vector<1x16xf32>,
        %swap3A_403 = vector.shape_cast %swap3A_402 : vector<1x16xf32> to vector<16xf32>
        %swap3A_404 = vector.shape_cast %mul3A_396 : vector<16xf32> to vector<1x16xf32>
        tpu.vector_store %arg8[%swap3A_400, %swap3A_401], %swap3A_404 {strides = array<i32>} : memref<16x128xf32, #tpu.memory_space<vmem>>, vector<1x16xf32>,
        %mul3A_405 = arith.constant 16 : i32
        %mul3A_406 = arith.muli %scan3A_337, %mul3A_405 : i32
        %get3A_407 = arith.constant 3 : i32
        %get3A_408 = arith.index_cast %get3A_407 : i32 to index
        %get3A_409 = arith.index_cast %mul3A_406 : i32 to index
        %get3A_410 = tpu.vector_load %arg8[%get3A_408, %get3A_409] {strides = array<i32>} : memref<16x128xf32, #tpu.memory_space<vmem>>, vector<1x16xf32>,
        %get3A_411 = vector.shape_cast %get3A_410 : vector<1x16xf32> to vector<16xf32>
        %mul3A_412 = arith.constant 16 : i32
        %mul3A_413 = arith.muli %scan3A_337, %mul3A_412 : i32
        %get3A_414 = arith.constant 3 : i32
        %get3A_415 = arith.index_cast %get3A_414 : i32 to index
        %get3A_416 = arith.index_cast %mul3A_413 : i32 to index
        %get3A_417 = tpu.vector_load %arg7[%get3A_415, %get3A_416] {strides = array<i32>} : memref<16x128xf32, #tpu.memory_space<vmem>>, vector<1x16xf32>,
        %get3A_418 = vector.shape_cast %get3A_417 : vector<1x16xf32> to vector<16xf32>
        %mul3A_419 = arith.mulf %get3A_411, %get3A_418 : vector<16xf32>
        %mul3A_420 = arith.constant 16 : i32
        %mul3A_421 = arith.muli %scan3A_337, %mul3A_420 : i32
        %swap3A_422 = arith.constant 3 : i32
        %swap3A_423 = arith.index_cast %swap3A_422 : i32 to index
        %swap3A_424 = arith.index_cast %mul3A_421 : i32 to index
        %swap3A_425 = tpu.vector_load %arg8[%swap3A_423, %swap3A_424] {strides = array<i32>} : memref<16x128xf32, #tpu.memory_space<vmem>>, vector<1x16xf32>,
        %swap3A_426 = vector.shape_cast %swap3A_425 : vector<1x16xf32> to vector<16xf32>
        %swap3A_427 = vector.shape_cast %mul3A_419 : vector<16xf32> to vector<1x16xf32>
        tpu.vector_store %arg8[%swap3A_423, %swap3A_424], %swap3A_427 {strides = array<i32>} : memref<16x128xf32, #tpu.memory_space<vmem>>, vector<1x16xf32>,
        %mul3A_428 = arith.constant 16 : i32
        %mul3A_429 = arith.muli %scan3A_337, %mul3A_428 : i32
        %get3A_430 = arith.constant 4 : i32
        %get3A_431 = arith.index_cast %get3A_430 : i32 to index
        %get3A_432 = arith.index_cast %mul3A_429 : i32 to index
        %get3A_433 = tpu.vector_load %arg8[%get3A_431, %get3A_432] {strides = array<i32>} : memref<16x128xf32, #tpu.memory_space<vmem>>, vector<1x16xf32>,
        %get3A_434 = vector.shape_cast %get3A_433 : vector<1x16xf32> to vector<16xf32>
        %mul3A_435 = arith.constant 16 : i32
        %mul3A_436 = arith.muli %scan3A_337, %mul3A_435 : i32
        %get3A_437 = arith.constant 4 : i32
        %get3A_438 = arith.index_cast %get3A_437 : i32 to index
        %get3A_439 = arith.index_cast %mul3A_436 : i32 to index
        %get3A_440 = tpu.vector_load %arg7[%get3A_438, %get3A_439] {strides = array<i32>} : memref<16x128xf32, #tpu.memory_space<vmem>>, vector<1x16xf32>,
        %get3A_441 = vector.shape_cast %get3A_440 : vector<1x16xf32> to vector<16xf32>
        %mul3A_442 = arith.mulf %get3A_434, %get3A_441 : vector<16xf32>
        %mul3A_443 = arith.constant 16 : i32
        %mul3A_444 = arith.muli %scan3A_337, %mul3A_443 : i32
        %swap3A_445 = arith.constant 4 : i32
        %swap3A_446 = arith.index_cast %swap3A_445 : i32 to index
        %swap3A_447 = arith.index_cast %mul3A_444 : i32 to index
        %swap3A_448 = tpu.vector_load %arg8[%swap3A_446, %swap3A_447] {strides = array<i32>} : memref<16x128xf32, #tpu.memory_space<vmem>>, vector<1x16xf32>,
        %swap3A_449 = vector.shape_cast %swap3A_448 : vector<1x16xf32> to vector<16xf32>
        %swap3A_450 = vector.shape_cast %mul3A_442 : vector<16xf32> to vector<1x16xf32>
        tpu.vector_store %arg8[%swap3A_446, %swap3A_447], %swap3A_450 {strides = array<i32>} : memref<16x128xf32, #tpu.memory_space<vmem>>, vector<1x16xf32>,
        %mul3A_451 = arith.constant 16 : i32
        %mul3A_452 = arith.muli %scan3A_337, %mul3A_451 : i32
        %get3A_453 = arith.constant 5 : i32
        %get3A_454 = arith.index_cast %get3A_453 : i32 to index
        %get3A_455 = arith.index_cast %mul3A_452 : i32 to index
        %get3A_456 = tpu.vector_load %arg8[%get3A_454, %get3A_455] {strides = array<i32>} : memref<16x128xf32, #tpu.memory_space<vmem>>, vector<1x16xf32>,
        %get3A_457 = vector.shape_cast %get3A_456 : vector<1x16xf32> to vector<16xf32>
        %mul3A_458 = arith.constant 16 : i32
        %mul3A_459 = arith.muli %scan3A_337, %mul3A_458 : i32
        %get3A_460 = arith.constant 5 : i32
        %get3A_461 = arith.index_cast %get3A_460 : i32 to index
        %get3A_462 = arith.index_cast %mul3A_459 : i32 to index
        %get3A_463 = tpu.vector_load %arg7[%get3A_461, %get3A_462] {strides = array<i32>} : memref<16x128xf32, #tpu.memory_space<vmem>>, vector<1x16xf32>,
        %get3A_464 = vector.shape_cast %get3A_463 : vector<1x16xf32> to vector<16xf32>
        %mul3A_465 = arith.mulf %get3A_457, %get3A_464 : vector<16xf32>
        %mul3A_466 = arith.constant 16 : i32
        %mul3A_467 = arith.muli %scan3A_337, %mul3A_466 : i32
        %swap3A_468 = arith.constant 5 : i32
        %swap3A_469 = arith.index_cast %swap3A_468 : i32 to index
        %swap3A_470 = arith.index_cast %mul3A_467 : i32 to index
        %swap3A_471 = tpu.vector_load %arg8[%swap3A_469, %swap3A_470] {strides = array<i32>} : memref<16x128xf32, #tpu.memory_space<vmem>>, vector<1x16xf32>,
        %swap3A_472 = vector.shape_cast %swap3A_471 : vector<1x16xf32> to vector<16xf32>
        %swap3A_473 = vector.shape_cast %mul3A_465 : vector<16xf32> to vector<1x16xf32>
        tpu.vector_store %arg8[%swap3A_469, %swap3A_470], %swap3A_473 {strides = array<i32>} : memref<16x128xf32, #tpu.memory_space<vmem>>, vector<1x16xf32>,
        %mul3A_474 = arith.constant 16 : i32
        %mul3A_475 = arith.muli %scan3A_337, %mul3A_474 : i32
        %get3A_476 = arith.constant 6 : i32
        %get3A_477 = arith.index_cast %get3A_476 : i32 to index
        %get3A_478 = arith.index_cast %mul3A_475 : i32 to index
        %get3A_479 = tpu.vector_load %arg8[%get3A_477, %get3A_478] {strides = array<i32>} : memref<16x128xf32, #tpu.memory_space<vmem>>, vector<1x16xf32>,
        %get3A_480 = vector.shape_cast %get3A_479 : vector<1x16xf32> to vector<16xf32>
        %mul3A_481 = arith.constant 16 : i32
        %mul3A_482 = arith.muli %scan3A_337, %mul3A_481 : i32
        %get3A_483 = arith.constant 6 : i32
        %get3A_484 = arith.index_cast %get3A_483 : i32 to index
        %get3A_485 = arith.index_cast %mul3A_482 : i32 to index
        %get3A_486 = tpu.vector_load %arg7[%get3A_484, %get3A_485] {strides = array<i32>} : memref<16x128xf32, #tpu.memory_space<vmem>>, vector<1x16xf32>,
        %get3A_487 = vector.shape_cast %get3A_486 : vector<1x16xf32> to vector<16xf32>
        %mul3A_488 = arith.mulf %get3A_480, %get3A_487 : vector<16xf32>
        %mul3A_489 = arith.constant 16 : i32
        %mul3A_490 = arith.muli %scan3A_337, %mul3A_489 : i32
        %swap3A_491 = arith.constant 6 : i32
        %swap3A_492 = arith.index_cast %swap3A_491 : i32 to index
        %swap3A_493 = arith.index_cast %mul3A_490 : i32 to index
        %swap3A_494 = tpu.vector_load %arg8[%swap3A_492, %swap3A_493] {strides = array<i32>} : memref<16x128xf32, #tpu.memory_space<vmem>>, vector<1x16xf32>,
        %swap3A_495 = vector.shape_cast %swap3A_494 : vector<1x16xf32> to vector<16xf32>
        %swap3A_496 = vector.shape_cast %mul3A_488 : vector<16xf32> to vector<1x16xf32>
        tpu.vector_store %arg8[%swap3A_492, %swap3A_493], %swap3A_496 {strides = array<i32>} : memref<16x128xf32, #tpu.memory_space<vmem>>, vector<1x16xf32>,
        %mul3A_497 = arith.constant 16 : i32
        %mul3A_498 = arith.muli %scan3A_337, %mul3A_497 : i32
        %get3A_499 = arith.constant 7 : i32
        %get3A_500 = arith.index_cast %get3A_499 : i32 to index
        %get3A_501 = arith.index_cast %mul3A_498 : i32 to index
        %get3A_502 = tpu.vector_load %arg8[%get3A_500, %get3A_501] {strides = array<i32>} : memref<16x128xf32, #tpu.memory_space<vmem>>, vector<1x16xf32>,
        %get3A_503 = vector.shape_cast %get3A_502 : vector<1x16xf32> to vector<16xf32>
        %mul3A_504 = arith.constant 16 : i32
        %mul3A_505 = arith.muli %scan3A_337, %mul3A_504 : i32
        %get3A_506 = arith.constant 7 : i32
        %get3A_507 = arith.index_cast %get3A_506 : i32 to index
        %get3A_508 = arith.index_cast %mul3A_505 : i32 to index
        %get3A_509 = tpu.vector_load %arg7[%get3A_507, %get3A_508] {strides = array<i32>} : memref<16x128xf32, #tpu.memory_space<vmem>>, vector<1x16xf32>,
        %get3A_510 = vector.shape_cast %get3A_509 : vector<1x16xf32> to vector<16xf32>
        %mul3A_511 = arith.mulf %get3A_503, %get3A_510 : vector<16xf32>
        %mul3A_512 = arith.constant 16 : i32
        %mul3A_513 = arith.muli %scan3A_337, %mul3A_512 : i32
        %swap3A_514 = arith.constant 7 : i32
        %swap3A_515 = arith.index_cast %swap3A_514 : i32 to index
        %swap3A_516 = arith.index_cast %mul3A_513 : i32 to index
        %swap3A_517 = tpu.vector_load %arg8[%swap3A_515, %swap3A_516] {strides = array<i32>} : memref<16x128xf32, #tpu.memory_space<vmem>>, vector<1x16xf32>,
        %swap3A_518 = vector.shape_cast %swap3A_517 : vector<1x16xf32> to vector<16xf32>
        %swap3A_519 = vector.shape_cast %mul3A_511 : vector<16xf32> to vector<1x16xf32>
        tpu.vector_store %arg8[%swap3A_515, %swap3A_516], %swap3A_519 {strides = array<i32>} : memref<16x128xf32, #tpu.memory_space<vmem>>, vector<1x16xf32>,
        %mul3A_520 = arith.constant 16 : i32
        %mul3A_521 = arith.muli %scan3A_337, %mul3A_520 : i32
        %get3A_522 = arith.constant 8 : i32
        %get3A_523 = arith.index_cast %get3A_522 : i32 to index
        %get3A_524 = arith.index_cast %mul3A_521 : i32 to index
        %get3A_525 = tpu.vector_load %arg8[%get3A_523, %get3A_524] {strides = array<i32>} : memref<16x128xf32, #tpu.memory_space<vmem>>, vector<1x16xf32>,
        %get3A_526 = vector.shape_cast %get3A_525 : vector<1x16xf32> to vector<16xf32>
        %mul3A_527 = arith.constant 16 : i32
        %mul3A_528 = arith.muli %scan3A_337, %mul3A_527 : i32
        %get3A_529 = arith.constant 8 : i32
        %get3A_530 = arith.index_cast %get3A_529 : i32 to index
        %get3A_531 = arith.index_cast %mul3A_528 : i32 to index
        %get3A_532 = tpu.vector_load %arg7[%get3A_530, %get3A_531] {strides = array<i32>} : memref<16x128xf32, #tpu.memory_space<vmem>>, vector<1x16xf32>,
        %get3A_533 = vector.shape_cast %get3A_532 : vector<1x16xf32> to vector<16xf32>
        %mul3A_534 = arith.mulf %get3A_526, %get3A_533 : vector<16xf32>
        %mul3A_535 = arith.constant 16 : i32
        %mul3A_536 = arith.muli %scan3A_337, %mul3A_535 : i32
        %swap3A_537 = arith.constant 8 : i32
        %swap3A_538 = arith.index_cast %swap3A_537 : i32 to index
        %swap3A_539 = arith.index_cast %mul3A_536 : i32 to index
        %swap3A_540 = tpu.vector_load %arg8[%swap3A_538, %swap3A_539] {strides = array<i32>} : memref<16x128xf32, #tpu.memory_space<vmem>>, vector<1x16xf32>,
        %swap3A_541 = vector.shape_cast %swap3A_540 : vector<1x16xf32> to vector<16xf32>
        %swap3A_542 = vector.shape_cast %mul3A_534 : vector<16xf32> to vector<1x16xf32>
        tpu.vector_store %arg8[%swap3A_538, %swap3A_539], %swap3A_542 {strides = array<i32>} : memref<16x128xf32, #tpu.memory_space<vmem>>, vector<1x16xf32>,
        %mul3A_543 = arith.constant 16 : i32
        %mul3A_544 = arith.muli %scan3A_337, %mul3A_543 : i32
        %get3A_545 = arith.constant 9 : i32
        %get3A_546 = arith.index_cast %get3A_545 : i32 to index
        %get3A_547 = arith.index_cast %mul3A_544 : i32 to index
        %get3A_548 = tpu.vector_load %arg8[%get3A_546, %get3A_547] {strides = array<i32>} : memref<16x128xf32, #tpu.memory_space<vmem>>, vector<1x16xf32>,
        %get3A_549 = vector.shape_cast %get3A_548 : vector<1x16xf32> to vector<16xf32>
        %mul3A_550 = arith.constant 16 : i32
        %mul3A_551 = arith.muli %scan3A_337, %mul3A_550 : i32
        %get3A_552 = arith.constant 9 : i32
        %get3A_553 = arith.index_cast %get3A_552 : i32 to index
        %get3A_554 = arith.index_cast %mul3A_551 : i32 to index
        %get3A_555 = tpu.vector_load %arg7[%get3A_553, %get3A_554] {strides = array<i32>} : memref<16x128xf32, #tpu.memory_space<vmem>>, vector<1x16xf32>,
        %get3A_556 = vector.shape_cast %get3A_555 : vector<1x16xf32> to vector<16xf32>
        %mul3A_557 = arith.mulf %get3A_549, %get3A_556 : vector<16xf32>
        %mul3A_558 = arith.constant 16 : i32
        %mul3A_559 = arith.muli %scan3A_337, %mul3A_558 : i32
        %swap3A_560 = arith.constant 9 : i32
        %swap3A_561 = arith.index_cast %swap3A_560 : i32 to index
        %swap3A_562 = arith.index_cast %mul3A_559 : i32 to index
        %swap3A_563 = tpu.vector_load %arg8[%swap3A_561, %swap3A_562] {strides = array<i32>} : memref<16x128xf32, #tpu.memory_space<vmem>>, vector<1x16xf32>,
        %swap3A_564 = vector.shape_cast %swap3A_563 : vector<1x16xf32> to vector<16xf32>
        %swap3A_565 = vector.shape_cast %mul3A_557 : vector<16xf32> to vector<1x16xf32>
        tpu.vector_store %arg8[%swap3A_561, %swap3A_562], %swap3A_565 {strides = array<i32>} : memref<16x128xf32, #tpu.memory_space<vmem>>, vector<1x16xf32>,
        %mul3A_566 = arith.constant 16 : i32
        %mul3A_567 = arith.muli %scan3A_337, %mul3A_566 : i32
        %get3A_568 = arith.constant 10 : i32
        %get3A_569 = arith.index_cast %get3A_568 : i32 to index
        %get3A_570 = arith.index_cast %mul3A_567 : i32 to index
        %get3A_571 = tpu.vector_load %arg8[%get3A_569, %get3A_570] {strides = array<i32>} : memref<16x128xf32, #tpu.memory_space<vmem>>, vector<1x16xf32>,
        %get3A_572 = vector.shape_cast %get3A_571 : vector<1x16xf32> to vector<16xf32>
        %mul3A_573 = arith.constant 16 : i32
        %mul3A_574 = arith.muli %scan3A_337, %mul3A_573 : i32
        %get3A_575 = arith.constant 10 : i32
        %get3A_576 = arith.index_cast %get3A_575 : i32 to index
        %get3A_577 = arith.index_cast %mul3A_574 : i32 to index
        %get3A_578 = tpu.vector_load %arg7[%get3A_576, %get3A_577] {strides = array<i32>} : memref<16x128xf32, #tpu.memory_space<vmem>>, vector<1x16xf32>,
        %get3A_579 = vector.shape_cast %get3A_578 : vector<1x16xf32> to vector<16xf32>
        %mul3A_580 = arith.mulf %get3A_572, %get3A_579 : vector<16xf32>
        %mul3A_581 = arith.constant 16 : i32
        %mul3A_582 = arith.muli %scan3A_337, %mul3A_581 : i32
        %swap3A_583 = arith.constant 10 : i32
        %swap3A_584 = arith.index_cast %swap3A_583 : i32 to index
        %swap3A_585 = arith.index_cast %mul3A_582 : i32 to index
        %swap3A_586 = tpu.vector_load %arg8[%swap3A_584, %swap3A_585] {strides = array<i32>} : memref<16x128xf32, #tpu.memory_space<vmem>>, vector<1x16xf32>,
        %swap3A_587 = vector.shape_cast %swap3A_586 : vector<1x16xf32> to vector<16xf32>
        %swap3A_588 = vector.shape_cast %mul3A_580 : vector<16xf32> to vector<1x16xf32>
        tpu.vector_store %arg8[%swap3A_584, %swap3A_585], %swap3A_588 {strides = array<i32>} : memref<16x128xf32, #tpu.memory_space<vmem>>, vector<1x16xf32>,
        %mul3A_589 = arith.constant 16 : i32
        %mul3A_590 = arith.muli %scan3A_337, %mul3A_589 : i32
        %get3A_591 = arith.constant 11 : i32
        %get3A_592 = arith.index_cast %get3A_591 : i32 to index
        %get3A_593 = arith.index_cast %mul3A_590 : i32 to index
        %get3A_594 = tpu.vector_load %arg8[%get3A_592, %get3A_593] {strides = array<i32>} : memref<16x128xf32, #tpu.memory_space<vmem>>, vector<1x16xf32>,
        %get3A_595 = vector.shape_cast %get3A_594 : vector<1x16xf32> to vector<16xf32>
        %mul3A_596 = arith.constant 16 : i32
        %mul3A_597 = arith.muli %scan3A_337, %mul3A_596 : i32
        %get3A_598 = arith.constant 11 : i32
        %get3A_599 = arith.index_cast %get3A_598 : i32 to index
        %get3A_600 = arith.index_cast %mul3A_597 : i32 to index
        %get3A_601 = tpu.vector_load %arg7[%get3A_599, %get3A_600] {strides = array<i32>} : memref<16x128xf32, #tpu.memory_space<vmem>>, vector<1x16xf32>,
        %get3A_602 = vector.shape_cast %get3A_601 : vector<1x16xf32> to vector<16xf32>
        %mul3A_603 = arith.mulf %get3A_595, %get3A_602 : vector<16xf32>
        %mul3A_604 = arith.constant 16 : i32
        %mul3A_605 = arith.muli %scan3A_337, %mul3A_604 : i32
        %swap3A_606 = arith.constant 11 : i32
        %swap3A_607 = arith.index_cast %swap3A_606 : i32 to index
        %swap3A_608 = arith.index_cast %mul3A_605 : i32 to index
        %swap3A_609 = tpu.vector_load %arg8[%swap3A_607, %swap3A_608] {strides = array<i32>} : memref<16x128xf32, #tpu.memory_space<vmem>>, vector<1x16xf32>,
        %swap3A_610 = vector.shape_cast %swap3A_609 : vector<1x16xf32> to vector<16xf32>
        %swap3A_611 = vector.shape_cast %mul3A_603 : vector<16xf32> to vector<1x16xf32>
        tpu.vector_store %arg8[%swap3A_607, %swap3A_608], %swap3A_611 {strides = array<i32>} : memref<16x128xf32, #tpu.memory_space<vmem>>, vector<1x16xf32>,
        %mul3A_612 = arith.constant 16 : i32
        %mul3A_613 = arith.muli %scan3A_337, %mul3A_612 : i32
        %get3A_614 = arith.constant 12 : i32
        %get3A_615 = arith.index_cast %get3A_614 : i32 to index
        %get3A_616 = arith.index_cast %mul3A_613 : i32 to index
        %get3A_617 = tpu.vector_load %arg8[%get3A_615, %get3A_616] {strides = array<i32>} : memref<16x128xf32, #tpu.memory_space<vmem>>, vector<1x16xf32>,
        %get3A_618 = vector.shape_cast %get3A_617 : vector<1x16xf32> to vector<16xf32>
        %mul3A_619 = arith.constant 16 : i32
        %mul3A_620 = arith.muli %scan3A_337, %mul3A_619 : i32
        %get3A_621 = arith.constant 12 : i32
        %get3A_622 = arith.index_cast %get3A_621 : i32 to index
        %get3A_623 = arith.index_cast %mul3A_620 : i32 to index
        %get3A_624 = tpu.vector_load %arg7[%get3A_622, %get3A_623] {strides = array<i32>} : memref<16x128xf32, #tpu.memory_space<vmem>>, vector<1x16xf32>,
        %get3A_625 = vector.shape_cast %get3A_624 : vector<1x16xf32> to vector<16xf32>
        %mul3A_626 = arith.mulf %get3A_618, %get3A_625 : vector<16xf32>
        %mul3A_627 = arith.constant 16 : i32
        %mul3A_628 = arith.muli %scan3A_337, %mul3A_627 : i32
        %swap3A_629 = arith.constant 12 : i32
        %swap3A_630 = arith.index_cast %swap3A_629 : i32 to index
        %swap3A_631 = arith.index_cast %mul3A_628 : i32 to index
        %swap3A_632 = tpu.vector_load %arg8[%swap3A_630, %swap3A_631] {strides = array<i32>} : memref<16x128xf32, #tpu.memory_space<vmem>>, vector<1x16xf32>,
        %swap3A_633 = vector.shape_cast %swap3A_632 : vector<1x16xf32> to vector<16xf32>
        %swap3A_634 = vector.shape_cast %mul3A_626 : vector<16xf32> to vector<1x16xf32>
        tpu.vector_store %arg8[%swap3A_630, %swap3A_631], %swap3A_634 {strides = array<i32>} : memref<16x128xf32, #tpu.memory_space<vmem>>, vector<1x16xf32>,
        %mul3A_635 = arith.constant 16 : i32
        %mul3A_636 = arith.muli %scan3A_337, %mul3A_635 : i32
        %get3A_637 = arith.constant 13 : i32
        %get3A_638 = arith.index_cast %get3A_637 : i32 to index
        %get3A_639 = arith.index_cast %mul3A_636 : i32 to index
        %get3A_640 = tpu.vector_load %arg8[%get3A_638, %get3A_639] {strides = array<i32>} : memref<16x128xf32, #tpu.memory_space<vmem>>, vector<1x16xf32>,
        %get3A_641 = vector.shape_cast %get3A_640 : vector<1x16xf32> to vector<16xf32>
        %mul3A_642 = arith.constant 16 : i32
        %mul3A_643 = arith.muli %scan3A_337, %mul3A_642 : i32
        %get3A_644 = arith.constant 13 : i32
        %get3A_645 = arith.index_cast %get3A_644 : i32 to index
        %get3A_646 = arith.index_cast %mul3A_643 : i32 to index
        %get3A_647 = tpu.vector_load %arg7[%get3A_645, %get3A_646] {strides = array<i32>} : memref<16x128xf32, #tpu.memory_space<vmem>>, vector<1x16xf32>,
        %get3A_648 = vector.shape_cast %get3A_647 : vector<1x16xf32> to vector<16xf32>
        %mul3A_649 = arith.mulf %get3A_641, %get3A_648 : vector<16xf32>
        %mul3A_650 = arith.constant 16 : i32
        %mul3A_651 = arith.muli %scan3A_337, %mul3A_650 : i32
        %swap3A_652 = arith.constant 13 : i32
        %swap3A_653 = arith.index_cast %swap3A_652 : i32 to index
        %swap3A_654 = arith.index_cast %mul3A_651 : i32 to index
        %swap3A_655 = tpu.vector_load %arg8[%swap3A_653, %swap3A_654] {strides = array<i32>} : memref<16x128xf32, #tpu.memory_space<vmem>>, vector<1x16xf32>,
        %swap3A_656 = vector.shape_cast %swap3A_655 : vector<1x16xf32> to vector<16xf32>
        %swap3A_657 = vector.shape_cast %mul3A_649 : vector<16xf32> to vector<1x16xf32>
        tpu.vector_store %arg8[%swap3A_653, %swap3A_654], %swap3A_657 {strides = array<i32>} : memref<16x128xf32, #tpu.memory_space<vmem>>, vector<1x16xf32>,
        %mul3A_658 = arith.constant 16 : i32
        %mul3A_659 = arith.muli %scan3A_337, %mul3A_658 : i32
        %get3A_660 = arith.constant 14 : i32
        %get3A_661 = arith.index_cast %get3A_660 : i32 to index
        %get3A_662 = arith.index_cast %mul3A_659 : i32 to index
        %get3A_663 = tpu.vector_load %arg8[%get3A_661, %get3A_662] {strides = array<i32>} : memref<16x128xf32, #tpu.memory_space<vmem>>, vector<1x16xf32>,
        %get3A_664 = vector.shape_cast %get3A_663 : vector<1x16xf32> to vector<16xf32>
        %mul3A_665 = arith.constant 16 : i32
        %mul3A_666 = arith.muli %scan3A_337, %mul3A_665 : i32
        %get3A_667 = arith.constant 14 : i32
        %get3A_668 = arith.index_cast %get3A_667 : i32 to index
        %get3A_669 = arith.index_cast %mul3A_666 : i32 to index
        %get3A_670 = tpu.vector_load %arg7[%get3A_668, %get3A_669] {strides = array<i32>} : memref<16x128xf32, #tpu.memory_space<vmem>>, vector<1x16xf32>,
        %get3A_671 = vector.shape_cast %get3A_670 : vector<1x16xf32> to vector<16xf32>
        %mul3A_672 = arith.mulf %get3A_664, %get3A_671 : vector<16xf32>
        %mul3A_673 = arith.constant 16 : i32
        %mul3A_674 = arith.muli %scan3A_337, %mul3A_673 : i32
        %swap3A_675 = arith.constant 14 : i32
        %swap3A_676 = arith.index_cast %swap3A_675 : i32 to index
        %swap3A_677 = arith.index_cast %mul3A_674 : i32 to index
        %swap3A_678 = tpu.vector_load %arg8[%swap3A_676, %swap3A_677] {strides = array<i32>} : memref<16x128xf32, #tpu.memory_space<vmem>>, vector<1x16xf32>,
        %swap3A_679 = vector.shape_cast %swap3A_678 : vector<1x16xf32> to vector<16xf32>
        %swap3A_680 = vector.shape_cast %mul3A_672 : vector<16xf32> to vector<1x16xf32>
        tpu.vector_store %arg8[%swap3A_676, %swap3A_677], %swap3A_680 {strides = array<i32>} : memref<16x128xf32, #tpu.memory_space<vmem>>, vector<1x16xf32>,
        %mul3A_681 = arith.constant 16 : i32
        %mul3A_682 = arith.muli %scan3A_337, %mul3A_681 : i32
        %get3A_683 = arith.constant 15 : i32
        %get3A_684 = arith.index_cast %get3A_683 : i32 to index
        %get3A_685 = arith.index_cast %mul3A_682 : i32 to index
        %get3A_686 = tpu.vector_load %arg8[%get3A_684, %get3A_685] {strides = array<i32>} : memref<16x128xf32, #tpu.memory_space<vmem>>, vector<1x16xf32>,
        %get3A_687 = vector.shape_cast %get3A_686 : vector<1x16xf32> to vector<16xf32>
        %mul3A_688 = arith.constant 16 : i32
        %mul3A_689 = arith.muli %scan3A_337, %mul3A_688 : i32
        %get3A_690 = arith.constant 15 : i32
        %get3A_691 = arith.index_cast %get3A_690 : i32 to index
        %get3A_692 = arith.index_cast %mul3A_689 : i32 to index
        %get3A_693 = tpu.vector_load %arg7[%get3A_691, %get3A_692] {strides = array<i32>} : memref<16x128xf32, #tpu.memory_space<vmem>>, vector<1x16xf32>,
        %get3A_694 = vector.shape_cast %get3A_693 : vector<1x16xf32> to vector<16xf32>
        %mul3A_695 = arith.mulf %get3A_687, %get3A_694 : vector<16xf32>
        %mul3A_696 = arith.constant 16 : i32
        %mul3A_697 = arith.muli %scan3A_337, %mul3A_696 : i32
        %swap3A_698 = arith.constant 15 : i32
        %swap3A_699 = arith.index_cast %swap3A_698 : i32 to index
        %swap3A_700 = arith.index_cast %mul3A_697 : i32 to index
        %swap3A_701 = tpu.vector_load %arg8[%swap3A_699, %swap3A_700] {strides = array<i32>} : memref<16x128xf32, #tpu.memory_space<vmem>>, vector<1x16xf32>,
        %swap3A_702 = vector.shape_cast %swap3A_701 : vector<1x16xf32> to vector<16xf32>
        %swap3A_703 = vector.shape_cast %mul3A_695 : vector<16xf32> to vector<1x16xf32>
        tpu.vector_store %arg8[%swap3A_699, %swap3A_700], %swap3A_703 {strides = array<i32>} : memref<16x128xf32, #tpu.memory_space<vmem>>, vector<1x16xf32>,
      }
      %scan3A_336 = arith.constant 8 : i32
      "tpu.region"() ({
        %run_scoped3A = tpu.sem_alloc : memref<!tpu.dma_semaphore, #tpu.memory_space<semaphore_mem>>
        %dma_start3A_337 = arith.constant 0 : i32
        %dma_start3A_338 = arith.constant 0 : i32
        %dma_start3A_339 = tpu.memref_slice %arg8[%dma_start3A_337, %dma_start3A_338] : memref<16x128xf32, #tpu.memory_space<vmem>> -> memref<16x128xf32, #tpu.memory_space<vmem>>
        %dma_start3A_340 = arith.constant 31232 : i32
        %dma_start3A_341 = arith.constant 0 : i32
        %dma_start3A_342 = tpu.memref_slice %arg5[%dma_start3A_340, %dma_start3A_341] : memref<31250x128xf32, #tpu.memory_space<hbm>> -> memref<16x128xf32, #tpu.memory_space<hbm>>
        %dma_start3A_343 = arith.constant 31232 : i32
        %dma_start3A_344 = arith.constant 0 : i32
        %dma_start3A_345 = tpu.memref_slice %arg5[%dma_start3A_343, %dma_start3A_344] : memref<31250x128xf32, #tpu.memory_space<hbm>> -> memref<16x128xf32, #tpu.memory_space<hbm>>
        %dma_start3A_346 = arith.constant 0 : i32
        %dma_start3A_347 = arith.constant 0 : i32
        %dma_start3A_348 = tpu.memref_slice %arg8[%dma_start3A_346, %dma_start3A_347] : memref<16x128xf32, #tpu.memory_space<vmem>> -> memref<16x128xf32, #tpu.memory_space<vmem>>
        tpu.enqueue_dma source(%dma_start3A_348 : memref<16x128xf32, #tpu.memory_space<vmem>>) target(%dma_start3A_345 : memref<16x128xf32, #tpu.memory_space<hbm>>) target_semaphore(%run_scoped3A : memref<!tpu.dma_semaphore, #tpu.memory_space<semaphore_mem>>)
        %dma_wait3A_349 = arith.constant 0 : i32
        %dma_wait3A_350 = arith.constant 0 : i32
        %dma_wait3A_351 = tpu.memref_slice %arg8[%dma_wait3A_349, %dma_wait3A_350] : memref<16x128xf32, #tpu.memory_space<vmem>> -> memref<16x128xf32, #tpu.memory_space<vmem>>
        %dma_wait3A_352 = arith.constant 31232 : i32
        %dma_wait3A_353 = arith.constant 0 : i32
        %dma_wait3A_354 = tpu.memref_slice %arg5[%dma_wait3A_352, %dma_wait3A_353] : memref<31250x128xf32, #tpu.memory_space<hbm>> -> memref<16x128xf32, #tpu.memory_space<hbm>>
        %dma_wait3A_355 = arith.constant 31232 : i32
        %dma_wait3A_356 = arith.constant 0 : i32
        %dma_wait3A_357 = tpu.memref_slice %arg5[%dma_wait3A_355, %dma_wait3A_356] : memref<31250x128xf32, #tpu.memory_space<hbm>> -> memref<16x128xf32, #tpu.memory_space<hbm>>
        %dma_wait3A_358 = arith.constant 0 : i32
        %dma_wait3A_359 = arith.constant 0 : i32
        %dma_wait3A_360 = tpu.memref_slice %arg8[%dma_wait3A_358, %dma_wait3A_359] : memref<16x128xf32, #tpu.memory_space<vmem>> -> memref<16x128xf32, #tpu.memory_space<vmem>>
        tpu.wait_dma2 semaphore(%run_scoped3A : memref<!tpu.dma_semaphore, #tpu.memory_space<semaphore_mem>>) src(%dma_wait3A_360 : memref<16x128xf32, #tpu.memory_space<vmem>>) dst(%dma_wait3A_357 : memref<16x128xf32, #tpu.memory_space<hbm>>)
        tpu.yield
      }) : () -> ()
    } else {
    }
    %eq3A_8 = arith.constant 1 : i32
    %eq3A_9 = arith.cmpi eq, %add3A, %eq3A_8 : i32
    %convert_element_type3A_10 = arith.extui %eq3A_9 : i1 to i32
    %cond3A_11 = arith.constant 0 : i32
    %cond3A_12 = arith.cmpi ne, %convert_element_type3A_10, %cond3A_11 : i32
    scf.if %cond3A_12 {
      "tpu.region"() ({
        %run_scoped3A = tpu.sem_alloc : memref<!tpu.dma_semaphore, #tpu.memory_space<semaphore_mem>>
        %dma_start3A_57 = arith.constant 0 : i32
        %dma_start3A_58 = arith.constant 0 : i32
        %dma_start3A_59 = tpu.memref_slice %arg6[%dma_start3A_57, %dma_start3A_58] : memref<16x128xi32, #tpu.memory_space<vmem>> -> memref<2x128xi32, #tpu.memory_space<vmem>>
        %dma_start3A_60 = arith.constant 31248 : i32
        %dma_start3A_61 = arith.constant 0 : i32
        %dma_start3A_62 = tpu.memref_slice %arg3[%dma_start3A_60, %dma_start3A_61] : memref<31250x128xi32, #tpu.memory_space<hbm>> -> memref<2x128xi32, #tpu.memory_space<hbm>>
        %dma_start3A_63 = arith.constant 0 : i32
        %dma_start3A_64 = arith.constant 0 : i32
        %dma_start3A_65 = tpu.memref_slice %arg6[%dma_start3A_63, %dma_start3A_64] : memref<16x128xi32, #tpu.memory_space<vmem>> -> memref<2x128xi32, #tpu.memory_space<vmem>>
        %dma_start3A_66 = arith.constant 31248 : i32
        %dma_start3A_67 = arith.constant 0 : i32
        %dma_start3A_68 = tpu.memref_slice %arg3[%dma_start3A_66, %dma_start3A_67] : memref<31250x128xi32, #tpu.memory_space<hbm>> -> memref<2x128xi32, #tpu.memory_space<hbm>>
        tpu.enqueue_dma source(%dma_start3A_68 : memref<2x128xi32, #tpu.memory_space<hbm>>) target(%dma_start3A_65 : memref<2x128xi32, #tpu.memory_space<vmem>>) target_semaphore(%run_scoped3A : memref<!tpu.dma_semaphore, #tpu.memory_space<semaphore_mem>>)
        %dma_wait3A_69 = arith.constant 0 : i32
        %dma_wait3A_70 = arith.constant 0 : i32
        %dma_wait3A_71 = tpu.memref_slice %arg6[%dma_wait3A_69, %dma_wait3A_70] : memref<16x128xi32, #tpu.memory_space<vmem>> -> memref<2x128xi32, #tpu.memory_space<vmem>>
        %dma_wait3A_72 = arith.constant 31248 : i32
        %dma_wait3A_73 = arith.constant 0 : i32
        %dma_wait3A_74 = tpu.memref_slice %arg3[%dma_wait3A_72, %dma_wait3A_73] : memref<31250x128xi32, #tpu.memory_space<hbm>> -> memref<2x128xi32, #tpu.memory_space<hbm>>
        %dma_wait3A_75 = arith.constant 0 : i32
        %dma_wait3A_76 = arith.constant 0 : i32
        %dma_wait3A_77 = tpu.memref_slice %arg6[%dma_wait3A_75, %dma_wait3A_76] : memref<16x128xi32, #tpu.memory_space<vmem>> -> memref<2x128xi32, #tpu.memory_space<vmem>>
        %dma_wait3A_78 = arith.constant 31248 : i32
        %dma_wait3A_79 = arith.constant 0 : i32
        %dma_wait3A_80 = tpu.memref_slice %arg3[%dma_wait3A_78, %dma_wait3A_79] : memref<31250x128xi32, #tpu.memory_space<hbm>> -> memref<2x128xi32, #tpu.memory_space<hbm>>
        tpu.wait_dma2 semaphore(%run_scoped3A : memref<!tpu.dma_semaphore, #tpu.memory_space<semaphore_mem>>) src(%dma_wait3A_80 : memref<2x128xi32, #tpu.memory_space<hbm>>) dst(%dma_wait3A_77 : memref<2x128xi32, #tpu.memory_space<vmem>>)
        tpu.yield
      }) : () -> ()
      "tpu.region"() ({
        %run_scoped3A = tpu.sem_alloc : memref<!tpu.dma_semaphore, #tpu.memory_space<semaphore_mem>>
        %dma_start3A_57 = arith.constant 0 : i32
        %dma_start3A_58 = arith.constant 0 : i32
        %dma_start3A_59 = tpu.memref_slice %arg7[%dma_start3A_57, %dma_start3A_58] : memref<16x128xf32, #tpu.memory_space<vmem>> -> memref<2x128xf32, #tpu.memory_space<vmem>>
        %dma_start3A_60 = arith.constant 31248 : i32
        %dma_start3A_61 = arith.constant 0 : i32
        %dma_start3A_62 = tpu.memref_slice %arg4[%dma_start3A_60, %dma_start3A_61] : memref<31250x128xf32, #tpu.memory_space<hbm>> -> memref<2x128xf32, #tpu.memory_space<hbm>>
        %dma_start3A_63 = arith.constant 0 : i32
        %dma_start3A_64 = arith.constant 0 : i32
        %dma_start3A_65 = tpu.memref_slice %arg7[%dma_start3A_63, %dma_start3A_64] : memref<16x128xf32, #tpu.memory_space<vmem>> -> memref<2x128xf32, #tpu.memory_space<vmem>>
        %dma_start3A_66 = arith.constant 31248 : i32
        %dma_start3A_67 = arith.constant 0 : i32
        %dma_start3A_68 = tpu.memref_slice %arg4[%dma_start3A_66, %dma_start3A_67] : memref<31250x128xf32, #tpu.memory_space<hbm>> -> memref<2x128xf32, #tpu.memory_space<hbm>>
        tpu.enqueue_dma source(%dma_start3A_68 : memref<2x128xf32, #tpu.memory_space<hbm>>) target(%dma_start3A_65 : memref<2x128xf32, #tpu.memory_space<vmem>>) target_semaphore(%run_scoped3A : memref<!tpu.dma_semaphore, #tpu.memory_space<semaphore_mem>>)
        %dma_wait3A_69 = arith.constant 0 : i32
        %dma_wait3A_70 = arith.constant 0 : i32
        %dma_wait3A_71 = tpu.memref_slice %arg7[%dma_wait3A_69, %dma_wait3A_70] : memref<16x128xf32, #tpu.memory_space<vmem>> -> memref<2x128xf32, #tpu.memory_space<vmem>>
        %dma_wait3A_72 = arith.constant 31248 : i32
        %dma_wait3A_73 = arith.constant 0 : i32
        %dma_wait3A_74 = tpu.memref_slice %arg4[%dma_wait3A_72, %dma_wait3A_73] : memref<31250x128xf32, #tpu.memory_space<hbm>> -> memref<2x128xf32, #tpu.memory_space<hbm>>
        %dma_wait3A_75 = arith.constant 0 : i32
        %dma_wait3A_76 = arith.constant 0 : i32
        %dma_wait3A_77 = tpu.memref_slice %arg7[%dma_wait3A_75, %dma_wait3A_76] : memref<16x128xf32, #tpu.memory_space<vmem>> -> memref<2x128xf32, #tpu.memory_space<vmem>>
        %dma_wait3A_78 = arith.constant 31248 : i32
        %dma_wait3A_79 = arith.constant 0 : i32
        %dma_wait3A_80 = tpu.memref_slice %arg4[%dma_wait3A_78, %dma_wait3A_79] : memref<31250x128xf32, #tpu.memory_space<hbm>> -> memref<2x128xf32, #tpu.memory_space<hbm>>
        tpu.wait_dma2 semaphore(%run_scoped3A : memref<!tpu.dma_semaphore, #tpu.memory_space<semaphore_mem>>) src(%dma_wait3A_80 : memref<2x128xf32, #tpu.memory_space<hbm>>) dst(%dma_wait3A_77 : memref<2x128xf32, #tpu.memory_space<vmem>>)
        tpu.yield
      }) : () -> ()
      %dma_start3A = arith.constant 0 : i32
      %dma_start3A_13 = arith.constant 0 : i32
      %dma_start3A_14 = arith.constant 0 : i32
      %dma_start3A_15 = tpu.memref_slice %arg8[%dma_start3A_13, %dma_start3A_14] : memref<16x128xf32, #tpu.memory_space<vmem>> -> memref<1x128xf32, #tpu.memory_space<vmem>>
      %dma_start3A_16 = tpu.memref_squeeze %dma_start3A_15 : memref<1x128xf32, #tpu.memory_space<vmem>> -> memref<128xf32, #tpu.memory_space<vmem>>
      %dma_start3A_17 = arith.constant 0 : i32
      %dma_start3A_18 = tpu.memref_slice %arg6[%dma_start3A, %dma_start3A_17] : memref<16x128xi32, #tpu.memory_space<vmem>> -> memref<1x128xi32, #tpu.memory_space<vmem>>
      %dma_start3A_19 = tpu.memref_squeeze %dma_start3A_18 : memref<1x128xi32, #tpu.memory_space<vmem>> -> memref<128xi32, #tpu.memory_space<vmem>>
      %dma_start3A_20 = arith.constant 0 : i32
      %dma_start3A_21 = tpu.memref_slice %arg2[%dma_start3A_20] : memref<25010001xf32, #tpu.memory_space<hbm>> -> memref<25010001xf32, #tpu.memory_space<hbm>>
      tpu.enqueue_indirect_dma source(%dma_start3A_21 : memref<25010001xf32, #tpu.memory_space<hbm>>) target(%dma_start3A_16 : memref<128xf32, #tpu.memory_space<vmem>>) offsets(%dma_start3A_19 : memref<128xi32, #tpu.memory_space<vmem>>) semaphore(%arg9 : memref<!tpu.dma_semaphore, #tpu.memory_space<semaphore_mem>>)
      %dma_start3A_22 = arith.constant 1 : i32
      %dma_start3A_23 = arith.constant 1 : i32
      %dma_start3A_24 = arith.constant 0 : i32
      %dma_start3A_25 = tpu.memref_slice %arg8[%dma_start3A_23, %dma_start3A_24] : memref<16x128xf32, #tpu.memory_space<vmem>> -> memref<1x128xf32, #tpu.memory_space<vmem>>
      %dma_start3A_26 = tpu.memref_squeeze %dma_start3A_25 : memref<1x128xf32, #tpu.memory_space<vmem>> -> memref<128xf32, #tpu.memory_space<vmem>>
      %dma_start3A_27 = arith.constant 0 : i32
      %dma_start3A_28 = tpu.memref_slice %arg6[%dma_start3A_22, %dma_start3A_27] : memref<16x128xi32, #tpu.memory_space<vmem>> -> memref<1x128xi32, #tpu.memory_space<vmem>>
      %dma_start3A_29 = tpu.memref_squeeze %dma_start3A_28 : memref<1x128xi32, #tpu.memory_space<vmem>> -> memref<128xi32, #tpu.memory_space<vmem>>
      %dma_start3A_30 = arith.constant 0 : i32
      %dma_start3A_31 = tpu.memref_slice %arg2[%dma_start3A_30] : memref<25010001xf32, #tpu.memory_space<hbm>> -> memref<25010001xf32, #tpu.memory_space<hbm>>
      tpu.enqueue_indirect_dma source(%dma_start3A_31 : memref<25010001xf32, #tpu.memory_space<hbm>>) target(%dma_start3A_26 : memref<128xf32, #tpu.memory_space<vmem>>) offsets(%dma_start3A_29 : memref<128xi32, #tpu.memory_space<vmem>>) semaphore(%arg9 : memref<!tpu.dma_semaphore, #tpu.memory_space<semaphore_mem>>)
      %dma_wait3A = arith.constant 0 : i32
      %dma_wait3A_32 = arith.constant 0 : i32
      %dma_wait3A_33 = arith.constant 0 : i32
      %dma_wait3A_34 = tpu.memref_slice %arg8[%dma_wait3A_32, %dma_wait3A_33] : memref<16x128xf32, #tpu.memory_space<vmem>> -> memref<1x128xf32, #tpu.memory_space<vmem>>
      %dma_wait3A_35 = tpu.memref_squeeze %dma_wait3A_34 : memref<1x128xf32, #tpu.memory_space<vmem>> -> memref<128xf32, #tpu.memory_space<vmem>>
      %dma_wait3A_36 = arith.constant 0 : i32
      %dma_wait3A_37 = tpu.memref_slice %arg6[%dma_wait3A, %dma_wait3A_36] : memref<16x128xi32, #tpu.memory_space<vmem>> -> memref<1x128xi32, #tpu.memory_space<vmem>>
      %dma_wait3A_38 = tpu.memref_squeeze %dma_wait3A_37 : memref<1x128xi32, #tpu.memory_space<vmem>> -> memref<128xi32, #tpu.memory_space<vmem>>
      %dma_wait3A_39 = arith.constant 0 : i32
      %dma_wait3A_40 = tpu.memref_slice %arg2[%dma_wait3A_39] : memref<25010001xf32, #tpu.memory_space<hbm>> -> memref<25010001xf32, #tpu.memory_space<hbm>>
      tpu.wait_indirect_dma semaphore(%arg9 : memref<!tpu.dma_semaphore, #tpu.memory_space<semaphore_mem>>) src(%dma_wait3A_40 : memref<25010001xf32, #tpu.memory_space<hbm>>) dst(%dma_wait3A_35 : memref<128xf32, #tpu.memory_space<vmem>>)
      %dma_wait3A_41 = arith.constant 1 : i32
      %dma_wait3A_42 = arith.constant 1 : i32
      %dma_wait3A_43 = arith.constant 0 : i32
      %dma_wait3A_44 = tpu.memref_slice %arg8[%dma_wait3A_42, %dma_wait3A_43] : memref<16x128xf32, #tpu.memory_space<vmem>> -> memref<1x128xf32, #tpu.memory_space<vmem>>
      %dma_wait3A_45 = tpu.memref_squeeze %dma_wait3A_44 : memref<1x128xf32, #tpu.memory_space<vmem>> -> memref<128xf32, #tpu.memory_space<vmem>>
      %dma_wait3A_46 = arith.constant 0 : i32
      %dma_wait3A_47 = tpu.memref_slice %arg6[%dma_wait3A_41, %dma_wait3A_46] : memref<16x128xi32, #tpu.memory_space<vmem>> -> memref<1x128xi32, #tpu.memory_space<vmem>>
      %dma_wait3A_48 = tpu.memref_squeeze %dma_wait3A_47 : memref<1x128xi32, #tpu.memory_space<vmem>> -> memref<128xi32, #tpu.memory_space<vmem>>
      %dma_wait3A_49 = arith.constant 0 : i32
      %dma_wait3A_50 = tpu.memref_slice %arg2[%dma_wait3A_49] : memref<25010001xf32, #tpu.memory_space<hbm>> -> memref<25010001xf32, #tpu.memory_space<hbm>>
      tpu.wait_indirect_dma semaphore(%arg9 : memref<!tpu.dma_semaphore, #tpu.memory_space<semaphore_mem>>) src(%dma_wait3A_50 : memref<25010001xf32, #tpu.memory_space<hbm>>) dst(%dma_wait3A_45 : memref<128xf32, #tpu.memory_space<vmem>>)
      %scan3A_51 = arith.constant 0 : i32
      %scan3A_52 = arith.constant 0 : i32
      %scan3A_53 = arith.constant 8 : i32
      %scan3A_54 = arith.addi %scan3A_52, %scan3A_53 : i32
      %scan3A_55 = arith.constant 1 : i32
      scf.for %scan3A_57 = %scan3A_52 to %scan3A_54 step %scan3A_55  : i32 {
        %mul3A_58 = arith.constant 16 : i32
        %mul3A_59 = arith.muli %scan3A_57, %mul3A_58 : i32
        %get3A = arith.constant 0 : i32
        %get3A_60 = arith.index_cast %get3A : i32 to index
        %get3A_61 = arith.index_cast %mul3A_59 : i32 to index
        %get3A_62 = tpu.vector_load %arg8[%get3A_60, %get3A_61] {strides = array<i32>} : memref<16x128xf32, #tpu.memory_space<vmem>>, vector<1x16xf32>,
        %get3A_63 = vector.shape_cast %get3A_62 : vector<1x16xf32> to vector<16xf32>
        %mul3A_64 = arith.constant 16 : i32
        %mul3A_65 = arith.muli %scan3A_57, %mul3A_64 : i32
        %get3A_66 = arith.constant 0 : i32
        %get3A_67 = arith.index_cast %get3A_66 : i32 to index
        %get3A_68 = arith.index_cast %mul3A_65 : i32 to index
        %get3A_69 = tpu.vector_load %arg7[%get3A_67, %get3A_68] {strides = array<i32>} : memref<16x128xf32, #tpu.memory_space<vmem>>, vector<1x16xf32>,
        %get3A_70 = vector.shape_cast %get3A_69 : vector<1x16xf32> to vector<16xf32>
        %mul3A_71 = arith.mulf %get3A_63, %get3A_70 : vector<16xf32>
        %mul3A_72 = arith.constant 16 : i32
        %mul3A_73 = arith.muli %scan3A_57, %mul3A_72 : i32
        %swap3A = arith.constant 0 : i32
        %swap3A_74 = arith.index_cast %swap3A : i32 to index
        %swap3A_75 = arith.index_cast %mul3A_73 : i32 to index
        %swap3A_76 = tpu.vector_load %arg8[%swap3A_74, %swap3A_75] {strides = array<i32>} : memref<16x128xf32, #tpu.memory_space<vmem>>, vector<1x16xf32>,
        %swap3A_77 = vector.shape_cast %swap3A_76 : vector<1x16xf32> to vector<16xf32>
        %swap3A_78 = vector.shape_cast %mul3A_71 : vector<16xf32> to vector<1x16xf32>
        tpu.vector_store %arg8[%swap3A_74, %swap3A_75], %swap3A_78 {strides = array<i32>} : memref<16x128xf32, #tpu.memory_space<vmem>>, vector<1x16xf32>,
        %mul3A_79 = arith.constant 16 : i32
        %mul3A_80 = arith.muli %scan3A_57, %mul3A_79 : i32
        %get3A_81 = arith.constant 1 : i32
        %get3A_82 = arith.index_cast %get3A_81 : i32 to index
        %get3A_83 = arith.index_cast %mul3A_80 : i32 to index
        %get3A_84 = tpu.vector_load %arg8[%get3A_82, %get3A_83] {strides = array<i32>} : memref<16x128xf32, #tpu.memory_space<vmem>>, vector<1x16xf32>,
        %get3A_85 = vector.shape_cast %get3A_84 : vector<1x16xf32> to vector<16xf32>
        %mul3A_86 = arith.constant 16 : i32
        %mul3A_87 = arith.muli %scan3A_57, %mul3A_86 : i32
        %get3A_88 = arith.constant 1 : i32
        %get3A_89 = arith.index_cast %get3A_88 : i32 to index
        %get3A_90 = arith.index_cast %mul3A_87 : i32 to index
        %get3A_91 = tpu.vector_load %arg7[%get3A_89, %get3A_90] {strides = array<i32>} : memref<16x128xf32, #tpu.memory_space<vmem>>, vector<1x16xf32>,
        %get3A_92 = vector.shape_cast %get3A_91 : vector<1x16xf32> to vector<16xf32>
        %mul3A_93 = arith.mulf %get3A_85, %get3A_92 : vector<16xf32>
        %mul3A_94 = arith.constant 16 : i32
        %mul3A_95 = arith.muli %scan3A_57, %mul3A_94 : i32
        %swap3A_96 = arith.constant 1 : i32
        %swap3A_97 = arith.index_cast %swap3A_96 : i32 to index
        %swap3A_98 = arith.index_cast %mul3A_95 : i32 to index
        %swap3A_99 = tpu.vector_load %arg8[%swap3A_97, %swap3A_98] {strides = array<i32>} : memref<16x128xf32, #tpu.memory_space<vmem>>, vector<1x16xf32>,
        %swap3A_100 = vector.shape_cast %swap3A_99 : vector<1x16xf32> to vector<16xf32>
        %swap3A_101 = vector.shape_cast %mul3A_93 : vector<16xf32> to vector<1x16xf32>
        tpu.vector_store %arg8[%swap3A_97, %swap3A_98], %swap3A_101 {strides = array<i32>} : memref<16x128xf32, #tpu.memory_space<vmem>>, vector<1x16xf32>,
      }
      %scan3A_56 = arith.constant 8 : i32
      "tpu.region"() ({
        %run_scoped3A = tpu.sem_alloc : memref<!tpu.dma_semaphore, #tpu.memory_space<semaphore_mem>>
        %dma_start3A_57 = arith.constant 0 : i32
        %dma_start3A_58 = arith.constant 0 : i32
        %dma_start3A_59 = tpu.memref_slice %arg8[%dma_start3A_57, %dma_start3A_58] : memref<16x128xf32, #tpu.memory_space<vmem>> -> memref<2x128xf32, #tpu.memory_space<vmem>>
        %dma_start3A_60 = arith.constant 31248 : i32
        %dma_start3A_61 = arith.constant 0 : i32
        %dma_start3A_62 = tpu.memref_slice %arg5[%dma_start3A_60, %dma_start3A_61] : memref<31250x128xf32, #tpu.memory_space<hbm>> -> memref<2x128xf32, #tpu.memory_space<hbm>>
        %dma_start3A_63 = arith.constant 31248 : i32
        %dma_start3A_64 = arith.constant 0 : i32
        %dma_start3A_65 = tpu.memref_slice %arg5[%dma_start3A_63, %dma_start3A_64] : memref<31250x128xf32, #tpu.memory_space<hbm>> -> memref<2x128xf32, #tpu.memory_space<hbm>>
        %dma_start3A_66 = arith.constant 0 : i32
        %dma_start3A_67 = arith.constant 0 : i32
        %dma_start3A_68 = tpu.memref_slice %arg8[%dma_start3A_66, %dma_start3A_67] : memref<16x128xf32, #tpu.memory_space<vmem>> -> memref<2x128xf32, #tpu.memory_space<vmem>>
        tpu.enqueue_dma source(%dma_start3A_68 : memref<2x128xf32, #tpu.memory_space<vmem>>) target(%dma_start3A_65 : memref<2x128xf32, #tpu.memory_space<hbm>>) target_semaphore(%run_scoped3A : memref<!tpu.dma_semaphore, #tpu.memory_space<semaphore_mem>>)
        %dma_wait3A_69 = arith.constant 0 : i32
        %dma_wait3A_70 = arith.constant 0 : i32
        %dma_wait3A_71 = tpu.memref_slice %arg8[%dma_wait3A_69, %dma_wait3A_70] : memref<16x128xf32, #tpu.memory_space<vmem>> -> memref<2x128xf32, #tpu.memory_space<vmem>>
        %dma_wait3A_72 = arith.constant 31248 : i32
        %dma_wait3A_73 = arith.constant 0 : i32
        %dma_wait3A_74 = tpu.memref_slice %arg5[%dma_wait3A_72, %dma_wait3A_73] : memref<31250x128xf32, #tpu.memory_space<hbm>> -> memref<2x128xf32, #tpu.memory_space<hbm>>
        %dma_wait3A_75 = arith.constant 31248 : i32
        %dma_wait3A_76 = arith.constant 0 : i32
        %dma_wait3A_77 = tpu.memref_slice %arg5[%dma_wait3A_75, %dma_wait3A_76] : memref<31250x128xf32, #tpu.memory_space<hbm>> -> memref<2x128xf32, #tpu.memory_space<hbm>>
        %dma_wait3A_78 = arith.constant 0 : i32
        %dma_wait3A_79 = arith.constant 0 : i32
        %dma_wait3A_80 = tpu.memref_slice %arg8[%dma_wait3A_78, %dma_wait3A_79] : memref<16x128xf32, #tpu.memory_space<vmem>> -> memref<2x128xf32, #tpu.memory_space<vmem>>
        tpu.wait_dma2 semaphore(%run_scoped3A : memref<!tpu.dma_semaphore, #tpu.memory_space<semaphore_mem>>) src(%dma_wait3A_80 : memref<2x128xf32, #tpu.memory_space<vmem>>) dst(%dma_wait3A_77 : memref<2x128xf32, #tpu.memory_space<hbm>>)
        tpu.yield
      }) : () -> ()
    } else {
    }
    return
  }
}

module attributes {stable_mosaic.version = 14 : i64} {
  func.func @_index_body(%arg0: i32, %arg1: memref<1x250x128xf32, #tpu.memory_space<vmem>>, %arg2: memref<1x250x128xf32, #tpu.memory_space<vmem>>, %arg3: memref<1x250x128xi32, #tpu.memory_space<vmem>>, %arg4: memref<1x250x128xf32, #tpu.memory_space<vmem>>) attributes {dimension_semantics = [#tpu.dimension_semantics<arbitrary>], iteration_bounds = array<i64: 125>, scalar_prefetch = 0 : i64, scratch_operands = 0 : i64, tpu.core_type = #tpu.core_type<tc>, window_params = [{transform_indices = @transform_0, window_bounds = array<i64: 1, 250, 128>}, {transform_indices = @transform_1, window_bounds = array<i64: 1, 250, 128>}, {transform_indices = @transform_2, window_bounds = array<i64: 1, 250, 128>}, {transform_indices = @transform_3, window_bounds = array<i64: 1, 250, 128>}]} {
    %get3A = arith.constant 0 : index
    %get3A_0 = arith.constant 0 : index
    %get3A_1 = arith.constant 0 : index
    %get3A_2 = vector.load %arg1[%get3A, %get3A_0, %get3A_1] : memref<1x250x128xf32, #tpu.memory_space<vmem>>, vector<1x250x128xf32>
    %get3A_3 = arith.constant 0 : index
    %get3A_4 = arith.constant 0 : index
    %get3A_5 = arith.constant 0 : index
    %get3A_6 = vector.load %arg2[%get3A_3, %get3A_4, %get3A_5] : memref<1x250x128xf32, #tpu.memory_space<vmem>>, vector<1x250x128xf32>
    %add3A = arith.constant 3.14159274 : f32
    %add3A_7 = vector.broadcast %add3A : f32 to vector<1x250x128xf32>
    %add3A_8 = arith.addf %get3A_2, %add3A_7 : vector<1x250x128xf32>
    %broadcast_in_dim3A = arith.constant 6.28318548 : f32
    %broadcast_in_dim3A_9 = vector.broadcast %broadcast_in_dim3A : f32 to vector<1x250x128xf32>
    %rem3A = arith.remf %add3A_8, %broadcast_in_dim3A_9 : vector<1x250x128xf32>
    %lt3A = arith.constant 0.000000e+00 : f32
    %lt3A_10 = vector.broadcast %lt3A : f32 to vector<1x250x128xf32>
    %lt3A_11 = arith.cmpf olt, %rem3A, %lt3A_10 : vector<1x250x128xf32>
    %ne3A = arith.constant 0.000000e+00 : f32
    %ne3A_12 = vector.broadcast %ne3A : f32 to vector<1x250x128xf32>
    %ne3A_13 = arith.cmpf one, %rem3A, %ne3A_12 : vector<1x250x128xf32>
    %and3A = arith.andi %lt3A_11, %ne3A_13 : vector<1x250x128xi1>
    %add3A_14 = arith.constant 6.28318548 : f32
    %add3A_15 = vector.broadcast %add3A_14 : f32 to vector<1x250x128xf32>
    %add3A_16 = arith.addf %rem3A, %add3A_15 : vector<1x250x128xf32>
    %select_n3A = arith.select %and3A, %add3A_16, %rem3A : vector<1x250x128xi1>, vector<1x250x128xf32>
    %add3A_17 = arith.constant -3.14159274 : f32
    %add3A_18 = vector.broadcast %add3A_17 : f32 to vector<1x250x128xf32>
    %add3A_19 = arith.addf %select_n3A, %add3A_18 : vector<1x250x128xf32>
    %sign3A = tpu.bitcast %add3A_19 : vector<1x250x128xf32> -> vector<1x250x128xi32>
    %sign3A_20 = arith.constant -2147483648 : i32
    %sign3A_21 = vector.broadcast %sign3A_20 : i32 to vector<1x250x128xi32>
    %sign3A_22 = arith.andi %sign3A, %sign3A_21 : vector<1x250x128xi32>
    %sign3A_23 = arith.constant 1065353216 : i32
    %sign3A_24 = vector.broadcast %sign3A_23 : i32 to vector<1x250x128xi32>
    %sign3A_25 = arith.ori %sign3A_24, %sign3A_22 : vector<1x250x128xi32>
    %sign3A_26 = tpu.bitcast %sign3A_25 : vector<1x250x128xi32> -> vector<1x250x128xf32>
    %sign3A_27 = math.absf %add3A_19 : vector<1x250x128xf32>
    %sign3A_28 = arith.constant 0.000000e+00 : f32
    %sign3A_29 = vector.broadcast %sign3A_28 : f32 to vector<1x250x128xf32>
    %sign3A_30 = arith.cmpf ogt, %sign3A_27, %sign3A_29 : vector<1x250x128xf32>
    %sign3A_31 = arith.select %sign3A_30, %sign3A_26, %add3A_19 : vector<1x250x128xi1>, vector<1x250x128xf32>
    %abs3A = math.absf %add3A_19 : vector<1x250x128xf32>
    %mul3A = arith.constant 0.318309873 : f32
    %mul3A_32 = vector.broadcast %mul3A : f32 to vector<1x250x128xf32>
    %mul3A_33 = arith.mulf %abs3A, %mul3A_32 : vector<1x250x128xf32>
    %add3A_34 = arith.constant 1.000000e-10 : f32
    %add3A_35 = vector.broadcast %add3A_34 : f32 to vector<1x250x128xf32>
    %add3A_36 = arith.addf %mul3A_33, %add3A_35 : vector<1x250x128xf32>
    %log3A = math.log %add3A_36 : vector<1x250x128xf32>
    %add3A_37 = arith.constant 11.5129251 : f32
    %add3A_38 = vector.broadcast %add3A_37 : f32 to vector<1x250x128xf32>
    %add3A_39 = arith.addf %log3A, %add3A_38 : vector<1x250x128xf32>
    %mul3A_40 = arith.constant 434.294495 : f32
    %mul3A_41 = vector.broadcast %mul3A_40 : f32 to vector<1x250x128xf32>
    %mul3A_42 = arith.mulf %add3A_39, %mul3A_41 : vector<1x250x128xf32>
    %jit3A = arith.constant 0 : i32
    %jit3A_43 = arith.constant 5000 : i32
    %convert_element_type3A = arith.sitofp %jit3A : i32 to f32
    %max3A = vector.broadcast %convert_element_type3A : f32 to vector<1x250x128xf32>
    %max3A_44 = arith.maximumf %max3A, %mul3A_42 : vector<1x250x128xf32>
    %convert_element_type3A_45 = arith.sitofp %jit3A_43 : i32 to f32
    %min3A = vector.broadcast %convert_element_type3A_45 : f32 to vector<1x250x128xf32>
    %min3A_46 = arith.minimumf %min3A, %max3A_44 : vector<1x250x128xf32>
    %round3A = math.roundeven %min3A_46 : vector<1x250x128xf32>
    %convert_element_type3A_47 = arith.fptosi %round3A : vector<1x250x128xf32> to vector<1x250x128xi32>
    %mul3A_48 = arith.constant 0.318309873 : f32
    %mul3A_49 = vector.broadcast %mul3A_48 : f32 to vector<1x250x128xf32>
    %mul3A_50 = arith.mulf %get3A_6, %mul3A_49 : vector<1x250x128xf32>
    %log3A_51 = math.log %mul3A_50 : vector<1x250x128xf32>
    %add3A_52 = arith.constant 5.80914306 : f32
    %add3A_53 = vector.broadcast %add3A_52 : f32 to vector<1x250x128xf32>
    %add3A_54 = arith.addf %log3A_51, %add3A_53 : vector<1x250x128xf32>
    %mul3A_55 = arith.constant 768.959839 : f32
    %mul3A_56 = vector.broadcast %mul3A_55 : f32 to vector<1x250x128xf32>
    %mul3A_57 = arith.mulf %add3A_54, %mul3A_56 : vector<1x250x128xf32>
    %jit3A_58 = arith.constant 0 : i32
    %jit3A_59 = arith.constant 5000 : i32
    %convert_element_type3A_60 = arith.sitofp %jit3A_58 : i32 to f32
    %max3A_61 = vector.broadcast %convert_element_type3A_60 : f32 to vector<1x250x128xf32>
    %max3A_62 = arith.maximumf %max3A_61, %mul3A_57 : vector<1x250x128xf32>
    %convert_element_type3A_63 = arith.sitofp %jit3A_59 : i32 to f32
    %min3A_64 = vector.broadcast %convert_element_type3A_63 : f32 to vector<1x250x128xf32>
    %min3A_65 = arith.minimumf %min3A_64, %max3A_62 : vector<1x250x128xf32>
    %round3A_66 = math.roundeven %min3A_65 : vector<1x250x128xf32>
    %convert_element_type3A_67 = arith.fptosi %round3A_66 : vector<1x250x128xf32> to vector<1x250x128xi32>
    %mul3A_68 = arith.constant 5001 : i32
    %mul3A_69 = vector.broadcast %mul3A_68 : i32 to vector<1x250x128xi32>
    %mul3A_70 = arith.muli %convert_element_type3A_67, %mul3A_69 : vector<1x250x128xi32>
    %add3A_71 = arith.addi %mul3A_70, %convert_element_type3A_47 : vector<1x250x128xi32>
    %swap3A = arith.constant 0 : index
    %swap3A_72 = arith.constant 0 : index
    %swap3A_73 = arith.constant 0 : index
    %swap3A_74 = vector.load %arg3[%swap3A, %swap3A_72, %swap3A_73] : memref<1x250x128xi32, #tpu.memory_space<vmem>>, vector<1x250x128xi32>
    tpu.vector_store %arg3[%swap3A, %swap3A_72, %swap3A_73], %add3A_71 {strides = array<i32>} : memref<1x250x128xi32, #tpu.memory_space<vmem>>, vector<1x250x128xi32>,
    %neg3A = arith.constant 0.000000e+00 : f32
    %neg3A_75 = vector.broadcast %neg3A : f32 to vector<1x250x128xf32>
    %neg3A_76 = arith.subf %neg3A_75, %sign3A_31 : vector<1x250x128xf32>
    %swap3A_77 = arith.constant 0 : index
    %swap3A_78 = arith.constant 0 : index
    %swap3A_79 = arith.constant 0 : index
    %swap3A_80 = vector.load %arg4[%swap3A_77, %swap3A_78, %swap3A_79] : memref<1x250x128xf32, #tpu.memory_space<vmem>>, vector<1x250x128xf32>
    tpu.vector_store %arg4[%swap3A_77, %swap3A_78, %swap3A_79], %neg3A_76 {strides = array<i32>} : memref<1x250x128xf32, #tpu.memory_space<vmem>>, vector<1x250x128xf32>,
    return
  }
  func.func @transform_0(%arg0: i32) -> (i32, i32, i32) {
    %c0_i32 = arith.constant 0 : i32
    %c0_i32_0 = arith.constant 0 : i32
    %c0_i32_1 = arith.constant 0 : i32
    return %arg0, %c0_i32, %c0_i32_0 : i32, i32, i32
  }
  func.func @transform_1(%arg0: i32) -> (i32, i32, i32) {
    %c0_i32 = arith.constant 0 : i32
    %c0_i32_0 = arith.constant 0 : i32
    %c0_i32_1 = arith.constant 0 : i32
    return %arg0, %c0_i32, %c0_i32_0 : i32, i32, i32
  }
  func.func @transform_2(%arg0: i32) -> (i32, i32, i32) {
    %c0_i32 = arith.constant 0 : i32
    %c0_i32_0 = arith.constant 0 : i32
    %c0_i32_1 = arith.constant 0 : i32
    return %arg0, %c0_i32, %c0_i32_0 : i32, i32, i32
  }
  func.func @transform_3(%arg0: i32) -> (i32, i32, i32) {
    %c0_i32 = arith.constant 0 : i32
    %c0_i32_0 = arith.constant 0 : i32
    %c0_i32_1 = arith.constant 0 : i32
    return %arg0, %c0_i32, %c0_i32_0 : i32, i32, i32
  }
}

</mosaic_0001>

<sc_bundles>
// kernel: kernel.4.cloned.1.call-start
scs
__scs_entry_jumppad:
0x0: {  	(pc) =	sbr.rel $0x88, $3  }
0x1: {  	(tag) =	ssettag $0x0;
	lr =	simm.s32 $0x1  }
0x2: {  	[smem:$0x3F9E] =	sst lr;
	_ =	strace $0xD0000000  }
0x3: {  	_ = 	snop  }
0x4: {  	_ = 	snop  }
0x5: {  	_ = 	snop  }
0x6: {  	_ = 	snop  }
0x7: {  	_ = 	snop  }
__scs_overlays_trampoline_lowered:
0x8: {  	[smem:$0x3FAD] =	sst s0  }
0x9: {  	[smem:$0x3FAE] =	sst s1  }
0xa: {  	[smem:$0x3FAF] =	sst s2  }
0xb: {  	[smem:$0x3FB0] =	sst s3  }
0xc: {  	[smem:$0x3FB1] =	sst s4  }
0xd: {  	[smem:$0x3FB2] =	sst s5  }
0xe: {  	[smem:$0x3FB3] =	sst s6  }
0xf: {  	[smem:$0x3FB4] =	sst s7  }
0x10: {  	[smem:$0x3FB5] =	sst s8  }
0x11: {  	[smem:$0x3FB6] =	sst s9;
	s0 =	simm.s32 @!p0 $0x0  }
0x12: {  	s1 =	sld [smem:$0x3F9C];
	s0 =	simm.s32 @p0 $0x1  }
0x13: {  	[smem:$0x3FB7] =	sst s0;
	s0 =	simm.s32 @!p1 $0x0  }
0x14: {  	s2 =	sld [smem:$0x3F9B];
	s0 =	simm.s32 @p1 $0x1  }
0x15: {  	[smem:$0x3FB8] =	sst s0;
	s0 =	simm.s32 @!p2 $0x0  }
0x16: {  	s3 =	sld [smem:$0x3FDB];
	s0 =	simm.s32 @p2 $0x1  }
0x17: {  	s4 =	simm.s32 $0x1BF5;
	[smem:$0x3FBA] =	sst s0  }
0x18: {  	s0 =	sld [smem:$0x3F9D];
	_ =	swait.ge [sflag:s4], $0x0  }
0x19: {  	s7 =	sld [smem:$0x3F9E]  }
0x1a: {  	s8 =	sadd.s32 $0xFFFFE003, lr  }
0x1b: {  	s9 =	sadd.s32 $0xFFFFFEF7, lr;
	s5 =	simm.s32 $0xFFFFFFFF;
	p2 =	slt.u32 s8, $0xFFFFF086  }
0x1c: {  	p1 =	slt.u32 s9, $0xF7A;
	s5 =	simm.s32 @!p2 $0x0  }
0x1d: {  	s5 =	simm.s32 @p1 $0x1;
	p0 =	seq.s32 s7, s2  }
0x1e: {  	s7 =	smul.u32 @!p0 $0xF7A, s2;
	p2 =	seq.s32 @!p0 s5, $0x0  }
0x1f: {  	s9 =	smul.u32 $0xF7A, s1;
	s8 =	simm.s32 @!p0 $0x1BF5;
	p2 =	por !p2, p0  }
0x20: {  	[sflag:s8] =	ssyncset.s32 @!p0 $0xFFFFF086;
	s6 =	sadd.s32 @!p0 s3, s7;
	s7 =	simm.s32 @!p0 $0x108  }
0x21: {  	s3 =	sadd.s32 s3, s9;
	s6 =	sadd.s32 @!p0 $0x88, s6;
	s7 =	simm.s32 @p2 $0x1082  }
0x22: {  	[simem:s7], [sflag:s8] =	dma.local @!p0 [hbm:s6], $0xF7A  }
0x23: {  	s9 =	sor.u32 $0xD0000000, s2;
	s6 =	simm.s32 $0x108;
	_ =	swait.ge @!p0 [sflag:s8], $0x0  }
0x24: {  	s3 =	sadd.s32 $0x88, s3;
	s6 =	simm.s32 @!p1 $0x1082;
	[sflag:s4] =	ssyncset.s32 $0xFFFFF086  }
0x25: {  	[simem:s6], [sflag:s4] =	dma.local [hbm:s3], $0xF7A  }
0x26: {  	[smem:$0x3F9E] =	sst s1;
	(tag) =	ssettag s2;
	_ =	strace s9  }
0x27: {  	s1 =	sld [smem:$0x3FAE]  }
0x28: {  	s2 =	sld [smem:$0x3FAF]  }
0x29: {  	s4 =	sld [smem:$0x3FB1]  }
0x2a: {  	p0 =	seq.s32 s5, $0x0;
	s5 =	sld [smem:$0x3FB2]  }
0x2b: {  	s6 =	sld [smem:$0x3FB3]  }
0x2c: {  	s7 =	sld [smem:$0x3FB4]  }
0x2d: {  	s3 =	simm.s32 $0x108;
	s8 =	sld [smem:$0x3FB5]  }
0x2e: {  	s3 =	simm.s32 @!p0 $0x1082;
	s9 =	sld [smem:$0x3FB6]  }
0x2f: {  	lr =	sadd.s32 s0, s3;
	s0 =	sld [smem:$0x3FAD]  }
0x30: {  	s3 =	sld [smem:$0x3FB0]  }
0x31: {  	[smem:$0x3FB9] =	sst s10  }
0x32: {  	s10 =	sld [smem:$0x3FB7];
	_ =	sdelay $0x3  }
0x33: {  	p0 =	seq.s32 s10, $0x1;
	s10 =	sld [smem:$0x3FB9];
	_ =	sdelay $0x3  }
0x34: {  	[smem:$0x3FB9] =	sst s10  }
0x35: {  	s10 =	sld [smem:$0x3FB8];
	_ =	sdelay $0x3  }
0x36: {  	p1 =	seq.s32 s10, $0x1;
	s10 =	sld [smem:$0x3FB9];
	_ =	sdelay $0x3  }
0x37: {  	[smem:$0x3FB9] =	sst s10  }
0x38: {  	s10 =	sld [smem:$0x3FBA]  }
0x39: {  	_ = 	snop;
	(pc) =	sbr.ind lr, $3  }
0x3a: {  	_ = 	snop  }
0x3b: {  	_ = 	snop  }
0x3c: {  	p2 =	seq.s32 s10, $0x1;
	s10 =	sld [smem:$0x3FB9]  }
0x3d: {  	_ =	shalt  }
0x3e: {  	_ =	shalt  }
0x3f: {  	_ =	shalt  }
0x40: {  	_ =	shalt  }
0x41: {  	_ =	shalt  }
0x42: {  	_ =	shalt  }
0x43: {  	_ =	shalt  }
0x44: {  	_ =	shalt  }
0x45: {  	_ =	shalt  }
0x46: {  	_ =	shalt  }
0x47: {  	_ =	shalt  }
0x48: {  	_ =	shalt  }
0x49: {  	_ =	shalt  }
0x4a: {  	_ =	shalt  }
0x4b: {  	_ =	shalt  }
0x4c: {  	_ =	shalt  }
0x4d: {  	_ =	shalt  }
0x4e: {  	_ =	shalt  }
0x4f: {  	_ =	shalt  }
0x50: {  	_ =	shalt  }
0x51: {  	_ =	shalt  }
0x52: {  	_ =	shalt  }
0x53: {  	_ =	shalt  }
0x54: {  	_ =	shalt  }
0x55: {  	_ =	shalt  }
0x56: {  	_ =	shalt  }
0x57: {  	_ =	shalt  }
0x58: {  	_ =	shalt  }
0x59: {  	_ =	shalt  }
0x5a: {  	_ =	shalt  }
0x5b: {  	_ =	shalt  }
0x5c: {  	_ =	shalt  }
0x5d: {  	_ =	shalt  }
0x5e: {  	_ =	shalt  }
0x5f: {  	_ =	shalt  }
0x60: {  	_ =	shalt  }
0x61: {  	_ =	shalt  }
0x62: {  	_ =	shalt  }
0x63: {  	_ =	shalt  }
0x64: {  	_ =	shalt  }
0x65: {  	_ =	shalt  }
0x66: {  	_ =	shalt  }
0x67: {  	_ =	shalt  }
0x68: {  	_ =	shalt  }
0x69: {  	_ =	shalt  }
0x6a: {  	_ =	shalt  }
0x6b: {  	_ =	shalt  }
0x6c: {  	_ =	shalt  }
0x6d: {  	_ =	shalt  }
0x6e: {  	_ =	shalt  }
0x6f: {  	_ =	shalt  }
0x70: {  	_ =	shalt  }
0x71: {  	_ =	shalt  }
0x72: {  	_ =	shalt  }
0x73: {  	_ =	shalt  }
0x74: {  	_ =	shalt  }
0x75: {  	_ =	shalt  }
0x76: {  	_ =	shalt  }
0x77: {  	_ =	shalt  }
0x78: {  	_ =	shalt  }
0x79: {  	_ =	shalt  }
0x7a: {  	_ =	shalt  }
0x7b: {  	_ =	shalt  }
0x7c: {  	_ =	shalt  }
0x7d: {  	_ =	shalt  }
0x7e: {  	_ =	shalt  }
0x7f: {  	_ =	shalt  }
0x80: {  	_ =	shalt  }
0x81: {  	_ =	shalt  }
0x82: {  	_ =	shalt  }
0x83: {  	_ =	shalt  }
0x84: {  	_ =	shalt  }
0x85: {  	_ =	shalt  }
0x86: {  	_ =	shalt  }
0x87: {  	_ =	shalt  }
.Lfunc_end0:
.L_simem_size_0:
called_computation_lowered:
.L_overlay_start_0:
0x88: {  	s2 =	sld [smem:$0x3FD9]  }
0x89: {  	s3 =	sld [smem:$0x3FFE];
	_ =	sdelay $0x1  }
0x8a: {  	s1 =	srdreg.scid  }
0x8b: {  	s0 =	sand.u32 $0x1, s1  }
0x8c: {  	s16 =	sshll.u32 s0, $0xA;
	s2 =	sadd.s32 s3, s2  }
0x8d: {  	s2 =	sadd.s32 s2, s16  }
0x8e: {  	[smem:$0x3FC5] =	sst s2  }
0x8f: {  	_ = 	snop  }
0x90: {  	(tm) =	ssettm $0x1  }
0x91: {  	s17 =	sld [smem:$0x3FFB];
	_ =	sdelay $0x3  }
0x92: {  	_ =	strace s17  }
0x93: {  	s2 =	sld [smem:$0x3FFC];
	_ =	sdelay $0x3  }
0x94: {  	_ =	strace s2  }
0x95: {  	s2 =	sld [smem:$0x3FFD];
	_ =	sdelay $0x3  }
0x96: {  	_ =	strace s2  }
0x97: {  	_ =	strace $0x8FFFFFFF  }
0x98: {  	s18 =	sld [smem:$0x3FDB];
	_ =	sdelay $0x1  }
0x99: {  	s19 =	simm.s32 $_scs_section_size  }
0x9a: {  	s4 =	simm.s32 $_size__tile_overlayer_lowered;
	s5 =	simm.s32 $_tile_overlayer_lowered  }
0x9b: {  	s22 =	simm.s32 $0x1BFF;
	s21 =	sshll.u32 s5, $0x1;
	s2 =	sadd.s32 s19, s18  }
0x9c: {  	s6 =	simm.s32 $0x0;
	s20 =	sshll.u32 s4, $0x1;
	s4 =	sadd.s32 s21, s2  }
0x9d: {  	[timem:s6], [sflag:s22] =	dma.local [hbm:s4], s20  }
0x9e: {  	_ =	swait.ge [sflag:s22], s20  }
0x9f: {  	s3 =	ssub.s32 $0x0, s20;
	[sflag:s22] =	ssyncset.done $0x0  }
0xa0: {  	[sflag:s22] =	ssyncadd.s32 s3;
	_ =	sdelay $0x1  }
0xa1: {  	s23 =	simm.s32 $0x1B8B  }
0xa2: {  	_ =	swait.ge [sflag:s23], $0x1  }
0xa3: {  	[sflag:s23] =	ssyncset.done $0x0  }
0xa4: {  	s25 =	simm.s32 $0x1B8E;
	s24 =	sld [smem:$0x3FFE];
	[sflag:s23] =	ssyncadd.s32 $0xFFFFFFFF  }
0xa5: {  	s26 =	simm.s32 $execute0_lowered;
	[smem:$0x3FD2] =	sst s25  }
0xa6: {  	s4 =	sshll.u32 s26, $0x1;
	_ =	strace $0x80000046;
	[dreg:$0x1] =	wrdreg $0xFFFFFFFF  }
0xa7: {  	s28 =	simm.s32 $_size_execute0_lowered;
	s2 =	sadd.s32 s2, s4;
	[dreg:$0x0] =	wrdreg $0x0  }
0xa8: {  	s4 =	sshll.u32 s28, $0x1;
	[dreg:$0x2] =	wrdreg s2  }
0xa9: {  	[dreg:$0x3] =	wrdreg s4  }
0xaa: {  	[dreg:$0x4] =	wrdreg $0xC0  }
0xab: {  	_ =	task [dreg:s6], $0x5FFFF  }
0xac: {  	[dreg:$0x1] =	wrdreg $0xFFFFFFFF  }
0xad: {  	[dreg:$0x0] =	wrdreg $0x60  }
0xae: {  	[dreg:$0x2] =	wrdreg s24  }
0xaf: {  	[dreg:$0x3] =	wrdreg $0x9  }
0xb0: {  	_ =	task.clear_ibuf [dreg:s6], $0x4FFFF;
	_ =	strace $0x90000046  }
0xb1: {  	s29 =	simm.s32 $0x9;
	_ =	strace $0x80000048  }
0xb2: {  	_ =	swait.ge [sflag:s29], $0x1  }
0xb3: {  	[sflag:s29] =	ssyncadd.s32 $0xFFFFFFFF  }
0xb4: {  	_ =	strace $0x90000048  }
0xb5: {  	_ =	sfence  }
0xb6: {  	s30 =	sld [smem:$0x0];
	_ =	sdelay $0x2  }
0xb7: {  	s31 =	sshll.u32 s1, $0xD;
	s1 =	sshrl.u32 s1, $0x2  }
0xb8: {  	s3 =	sand.u32 $0x4000, s31;
	s1 =	sadd.s32 s1, s30  }
0xb9: {  	s0 =	sor.u32 s3, s0;
	s1 =	sshll.u32 s1, $0x11  }
0xba: {  	s0 =	sor.u32 s1, s0  }
0xbb: {  	s0 =	sadd.s32 $0x8F2B, s0  }
0xbc: {  	[sflag:s0] =	ssyncadd.remote.s32 $0x1  }
0xbd: {  	_ =	sfence.sel $0xFFFF  }
0xbe: {  	[dreg:$0x0] =	wrdreg $0xFFFFFFFF;
	(pc) =	sbr.abs _section_cstart, $3  }
0xbf: {  	[dreg:$0x1] =	wrdreg $0xFFFFFFFF  }
0xc0: {  	_ =	task.clear_ibuf [dreg:s6], $0x2FFFF;
	_ =	strace $0x9FFFFFFF  }
0xc1: {  	(tm) =	ssettm $0x7FFFFFFF  }
tec
execute0_lowered:
.L_overlay_start_1:
0x0: {  	(tag) =	ssettag $0x1  }
0x1: {  	s0 =	rddreg [dreg:$0x0]  }
0x2: {  	s1 =	simm.s32 $0x0;
	s3 =	srdreg.scid;
	s9 =	stileid.u32  }
0x3: {  	s15 =	simm.s32 $0x2;
	s17 =	simm.s32 $0x80;
	s18 =	simm.s32 $0x1000  }
0x4: {  	s11 =	simm.s32 $0x500;
	s12 =	simm.s32 $0x1500;
	s13 =	simm.s32 $0x580  }
0x5: {  	s14 =	simm.s32 $0x1580;
	s20 =	simm.s32 $0x600;
	s21 =	simm.s32 $0x1600  }
0x6: {  	s22 =	simm.s32 $0x680;
	s16 =	simm.s32 $0x1680;
	s19 =	simm.s32 $0x780  }
0x7: {  	s30 =	simm.s32 $0x0;
	[smem:$0x7FF] =	sst s1;
	s2 =	sadd.s32 $0x1600, s0  }
0x8: {  	s3 =	sand.u32 $0x1, s3;
	s4 =	sadd.s32 $0x376C00, s0;
	s24 =	sadd.s32 $0x3F0D00, s0  }
0x9: {  	s25 =	sadd.s32 $0x376B00, s0;
	_ =	strace $0x80000047;
	[dreg:$0x2] =	wrdreg s24  }
0xa: {  	s5 =	sadd.s32 $0x2FCA00, s0;
	s26 =	sadd.s32 $0x46AF00, s0;
	[dreg:$0x3] =	wrdreg s25  }
0xb: {  	s6 =	sadd.s32 $0x3F0E00, s0;
	s28 =	sadd.s32 $0x3F0C00, s0;
	[dreg:$0x4] =	wrdreg s26  }
0xc: {  	s23 =	sshll.u32 s9, $0x1;
	s29 =	sadd.s32 $0x376A00, s0;
	[dreg:$0x5] =	wrdreg s28  }
0xd: {  	s0 =	sadd.s32 $0x46AE00, s0;
	s9 =	simm.s32 $0x1480;
	[dreg:$0x6] =	wrdreg s29  }
0xe: {  	s7 =	ssub.s32 $0x2, s3;
	s3 =	sor.u32 s3, s23;
	[dreg:$0x7] =	wrdreg s0  }
.Ltmp0:
0xf: {  	s23 =	simm.s32 $0x700;
	s24 =	simm.s32 $0x1700;
	(pc) =	sbr.rel .LBB2_1-.Ltmp0, $4  }
0x10: {  	s25 =	simm.s32 $0x1780;
	s26 =	simm.s32 $0x1;
	s8 =	sshrl.u32 s7, $0x1  }
0x11: {  	s10 =	sshll.u32 s3, $0x8;
	p0 =	seq.s32 s3, $0x1;
	s7 =	ssub.s32 s7, s8  }
0x12: {  	p1 =	sne.s32 s3, $0x0;
	s3 =	simm.s32 $0x400;
	s31 =	smax.u32 s7, $0x1  }
0x13: {  	s8 =	simm.s32 $0x480;
	s7 =	simm.s32 $0x1400;
	[dreg:$0x8] =	wrdreg s31  }
.LBB2_10:
0x14: {  	s0 =	rddreg [dreg:$0x2]  }
0x15: {  	[tilespmem:s1], [sflag:$0x2] =	stream.linear.gather [hbm4b:s0+s1], $0x100, $0x38;
	[tilespmem:$0x1800] =	vst v63  }
0x16: {  	_ =	swait.ge [sflag:s15], $0x100  }
0x17: {  	[sflag:s15] =	ssyncset.done $0x0  }
0x18: {  	s28 =	simm.s32 $0x800;
	s31 =	rddreg [dreg:$0x3];
	[sflag:s15] =	ssyncadd.s32 $0xFFFFFF00  }
0x19: {  	[tilespmem:s28], [sflag:$0x2] =	stream.linear.gather [hbm4b:s31+s1], $0x100, $0x38;
	[tilespmem:$0x1800] =	vst v63  }
0x1a: {  	_ =	swait.ge [sflag:s15], $0x100  }
0x1b: {  	[sflag:s15] =	ssyncset.done $0x0  }
0x1c: {  	[sflag:s15] =	ssyncadd.s32 $0xFFFFFF00  }
0x1d: {  	[tilespmem:s18], [sflag:$0x1] =	stream.indirect.gather [hbm4b:s2+s17], $0x1, s1, s17, $0xb8;
	[tilespmem:$0x1800] =	vst v63  }
0x1e: {  	s29 =	simm.s32 $0x1080  }
0x1f: {  	[tilespmem:s29], [sflag:$0x1] =	stream.indirect.gather [hbm4b:s2+s17], $0x1, s17, s17, $0xb8;
	[tilespmem:$0x1800] =	vst v63  }
0x20: {  	_ =	swait.ge [sflag:s26], $0x80  }
0x21: {  	[sflag:s26] =	ssyncset.done $0x0  }
0x22: {  	[sflag:s26] =	ssyncadd.s32 $0xFFFFFF80  }
0x23: {  	_ =	swait.ge [sflag:s26], $0x80  }
0x24: {  	[sflag:s26] =	ssyncset.done $0x0  }
0x25: {  	[sflag:s26] =	ssyncadd.s32 $0xFFFFFF80  }
0x26: {  	v0 =	vld [tilespmem:$0x1000]  }
0x27: {  	v1 =	vld [tilespmem:$0x800]  }
0x28: {  	v2 =	vld [tilespmem:$0x1080]  }
0x29: {  	v3 =	vld [tilespmem:$0x880]  }
0x2a: {  	v4 =	vld [tilespmem:$0x1010]  }
0x2b: {  	v5 =	vld [tilespmem:$0x810]  }
0x2c: {  	v6 =	vld [tilespmem:$0x1090]  }
0x2d: {  	v7 =	vld [tilespmem:$0x890]  }
0x2e: {  	v8 =	vld [tilespmem:$0x1020]  }
0x2f: {  	v9 =	vld [tilespmem:$0x820]  }
0x30: {  	v10 =	vld [tilespmem:$0x10A0]  }
0x31: {  	v11 =	vld [tilespmem:$0x8A0]  }
0x32: {  	v12 =	vld [tilespmem:$0x1030]  }
0x33: {  	v13 =	vld [tilespmem:$0x830]  }
0x34: {  	v14 =	vld [tilespmem:$0x10B0]  }
0x35: {  	v15 =	vld [tilespmem:$0x8B0]  }
0x36: {  	v16 =	vld [tilespmem:$0x1040]  }
0x37: {  	v17 =	vld [tilespmem:$0x840]  }
0x38: {  	v18 =	vld [tilespmem:$0x10C0]  }
0x39: {  	v19 =	vld [tilespmem:$0x8C0]  }
0x3a: {  	v20 =	vld [tilespmem:$0x1050]  }
0x3b: {  	v40 =	vld [tilespmem:$0x850];
	v0 =	vmul.f32 v1, v0  }
0x3c: {  	v41 =	vld [tilespmem:$0x10D0];
	v2 =	vmul.f32 v3, v2  }
0x3d: {  	v43 =	vld [tilespmem:$0x8D0];
	v42 =	vmul.f32 v5, v4;
	[tilespmem:$0x1000] =	vst v0  }
0x3e: {  	v45 =	vld [tilespmem:$0x1060];
	v44 =	vmul.f32 v7, v6;
	[tilespmem:$0x1080] =	vst v2  }
0x3f: {  	v47 =	vld [tilespmem:$0x860];
	v46 =	vmul.f32 v9, v8;
	[tilespmem:$0x1010] =	vst v42  }
0x40: {  	v49 =	vld [tilespmem:$0x10E0];
	v48 =	vmul.f32 v11, v10;
	[tilespmem:$0x1090] =	vst v44  }
0x41: {  	v51 =	vld [tilespmem:$0x8E0];
	v50 =	vmul.f32 v13, v12;
	[tilespmem:$0x1020] =	vst v46  }
0x42: {  	v53 =	vld [tilespmem:$0x1070];
	v52 =	vmul.f32 v15, v14;
	[tilespmem:$0x10A0] =	vst v48  }
0x43: {  	v55 =	vld [tilespmem:$0x870];
	v54 =	vmul.f32 v17, v16;
	[tilespmem:$0x1030] =	vst v50  }
0x44: {  	v57 =	vld [tilespmem:$0x10F0];
	v56 =	vmul.f32 v19, v18;
	[tilespmem:$0x10B0] =	vst v52  }
0x45: {  	v59 =	vld [tilespmem:$0x8F0];
	v58 =	vmul.f32 v40, v20;
	[tilespmem:$0x1040] =	vst v54  }
0x46: {  	v60 =	vmul.f32 v43, v41;
	[tilespmem:$0x10C0] =	vst v56  }
0x47: {  	v61 =	vmul.f32 v47, v45;
	[tilespmem:$0x1050] =	vst v58  }
0x48: {  	v62 =	vmul.f32 v51, v49;
	[tilespmem:$0x10D0] =	vst v60  }
0x49: {  	v63 =	vmul.f32 v55, v53;
	[tilespmem:$0x1060] =	vst v61  }
0x4a: {  	v1 =	vmul.f32 v59, v57;
	[tilespmem:$0x10E0] =	vst v62  }
0x4b: {  	[tilespmem:$0x1070] =	vst v63  }
0x4c: {  	s31 =	rddreg [dreg:$0x4];
	[tilespmem:$0x10F0] =	vst v1  }
0x4d: {  	[hbm4b:s31+s1] =	stream.linear.scatter [tilespmem:s18], [sflag:$0x2], $0x100, $0x38;
	[tilespmem:$0x1800] =	vst v63  }
0x4e: {  	_ =	swait.ge [sflag:s15], $0x100  }
0x4f: {  	[sflag:s15] =	ssyncset.done $0x0  }
0x50: {  	s30 =	rddreg [dreg:$0x9];
	[sflag:s15] =	ssyncadd.s32 $0xFFFFFF00  }
.LBB2_11:
0x51: {  	s30 =	sadd.s32 $0x1, s30;
	s0 =	rddreg [dreg:$0x8]  }
0x52: {  	p2 =	sne.s32 s30, s0  }
.Ltmp1:
0x53: {  	_ = 	snop;
	(pc) =	sbr.rel @!p2 .LBB2_12-.Ltmp1, $1  }
0x54: {  	_ =	sdelay $0x3  }
.LBB2_1:
0x55: {  	[dreg:$0x9] =	wrdreg s30;
	s28 =	simm.s32 $0x0  }
.LBB2_2:
0x56: {  	s29 =	sshll.u32 s28, $0xD  }
0x57: {  	s29 =	sor.u32 s10, s29  }
0x58: {  	s30 =	sadd.s32 s4, s29  }
0x59: {  	[tilespmem:s1], [sflag:$0x2] =	stream.linear.gather [hbm4b:s30+s1], $0x800, $0x38;
	[tilespmem:$0x1800] =	vst v63  }
0x5a: {  	_ =	swait.ge [sflag:s15], $0x800  }
0x5b: {  	[sflag:s15] =	ssyncset.done $0x0  }
0x5c: {  	s0 =	simm.s32 $0x800;
	s30 =	sadd.s32 s5, s29;
	[sflag:s15] =	ssyncadd.s32 $0xFFFFF800  }
0x5d: {  	[tilespmem:s0], [sflag:$0x2] =	stream.linear.gather [hbm4b:s30+s1], $0x800, $0x38;
	[tilespmem:$0x1800] =	vst v63  }
0x5e: {  	_ =	swait.ge [sflag:s15], $0x800  }
0x5f: {  	[sflag:s15] =	ssyncset.done $0x0  }
0x60: {  	[sflag:s15] =	ssyncadd.s32 $0xFFFFF800  }
0x61: {  	[tilespmem:s18], [sflag:$0x1] =	stream.indirect.gather [hbm4b:s2+s17], $0x1, s1, s17, $0xb8;
	[tilespmem:$0x1800] =	vst v63  }
0x62: {  	s0 =	simm.s32 $0x1080  }
0x63: {  	[tilespmem:s0], [sflag:$0x1] =	stream.indirect.gather [hbm4b:s2+s17], $0x1, s17, s17, $0xb8;
	[tilespmem:$0x1800] =	vst v63  }
0x64: {  	s30 =	simm.s32 $0x1100;
	s0 =	simm.s32 $0x100  }
0x65: {  	[tilespmem:s30], [sflag:$0x1] =	stream.indirect.gather [hbm4b:s2+s17], $0x1, s0, s17, $0xb8;
	[tilespmem:$0x1800] =	vst v63  }
0x66: {  	s0 =	simm.s32 $0x180;
	s30 =	simm.s32 $0x1180  }
0x67: {  	[tilespmem:s30], [sflag:$0x1] =	stream.indirect.gather [hbm4b:s2+s17], $0x1, s0, s17, $0xb8;
	[tilespmem:$0x1800] =	vst v63  }
0x68: {  	s0 =	simm.s32 $0x200;
	s30 =	simm.s32 $0x1200  }
0x69: {  	[tilespmem:s30], [sflag:$0x1] =	stream.indirect.gather [hbm4b:s2+s17], $0x1, s0, s17, $0xb8;
	[tilespmem:$0x1800] =	vst v63  }
0x6a: {  	s0 =	simm.s32 $0x280;
	s30 =	simm.s32 $0x1280  }
0x6b: {  	[tilespmem:s30], [sflag:$0x1] =	stream.indirect.gather [hbm4b:s2+s17], $0x1, s0, s17, $0xb8;
	[tilespmem:$0x1800] =	vst v63  }
0x6c: {  	s0 =	simm.s32 $0x300;
	s30 =	simm.s32 $0x1300  }
0x6d: {  	[tilespmem:s30], [sflag:$0x1] =	stream.indirect.gather [hbm4b:s2+s17], $0x1, s0, s17, $0xb8;
	[tilespmem:$0x1800] =	vst v63  }
0x6e: {  	s0 =	simm.s32 $0x380;
	s30 =	simm.s32 $0x1380  }
0x6f: {  	[tilespmem:s30], [sflag:$0x1] =	stream.indirect.gather [hbm4b:s2+s17], $0x1, s0, s17, $0xb8;
	[tilespmem:$0x1800] =	vst v63  }
0x70: {  	_ = 	snop  }
0x71: {  	[tilespmem:s7], [sflag:$0x1] =	stream.indirect.gather [hbm4b:s2+s17], $0x1, s3, s17, $0xb8;
	[tilespmem:$0x1800] =	vst v63  }
0x72: {  	_ = 	snop  }
0x73: {  	[tilespmem:s9], [sflag:$0x1] =	stream.indirect.gather [hbm4b:s2+s17], $0x1, s8, s17, $0xb8;
	[tilespmem:$0x1800] =	vst v63  }
0x74: {  	_ = 	snop  }
0x75: {  	[tilespmem:s12], [sflag:$0x1] =	stream.indirect.gather [hbm4b:s2+s17], $0x1, s11, s17, $0xb8;
	[tilespmem:$0x1800] =	vst v63  }
0x76: {  	_ = 	snop  }
0x77: {  	[tilespmem:s14], [sflag:$0x1] =	stream.indirect.gather [hbm4b:s2+s17], $0x1, s13, s17, $0xb8;
	[tilespmem:$0x1800] =	vst v63  }
0x78: {  	_ = 	snop  }
0x79: {  	[tilespmem:s21], [sflag:$0x1] =	stream.indirect.gather [hbm4b:s2+s17], $0x1, s20, s17, $0xb8;
	[tilespmem:$0x1800] =	vst v63  }
0x7a: {  	_ = 	snop  }
0x7b: {  	[tilespmem:s16], [sflag:$0x1] =	stream.indirect.gather [hbm4b:s2+s17], $0x1, s22, s17, $0xb8;
	[tilespmem:$0x1800] =	vst v63  }
0x7c: {  	_ = 	snop  }
0x7d: {  	[tilespmem:s24], [sflag:$0x1] =	stream.indirect.gather [hbm4b:s2+s17], $0x1, s23, s17, $0xb8;
	[tilespmem:$0x1800] =	vst v63  }
0x7e: {  	_ = 	snop  }
0x7f: {  	[tilespmem:s25], [sflag:$0x1] =	stream.indirect.gather [hbm4b:s2+s17], $0x1, s19, s17, $0xb8;
	[tilespmem:$0x1800] =	vst v63  }
0x80: {  	_ =	swait.ge [sflag:s26], $0x80  }
0x81: {  	[sflag:s26] =	ssyncset.done $0x0  }
0x82: {  	[sflag:s26] =	ssyncadd.s32 $0xFFFFFF80  }
0x83: {  	_ =	swait.ge [sflag:s26], $0x80  }
0x84: {  	[sflag:s26] =	ssyncset.done $0x0  }
0x85: {  	[sflag:s26] =	ssyncadd.s32 $0xFFFFFF80  }
0x86: {  	_ =	swait.ge [sflag:s26], $0x80  }
0x87: {  	[sflag:s26] =	ssyncset.done $0x0  }
0x88: {  	[sflag:s26] =	ssyncadd.s32 $0xFFFFFF80  }
0x89: {  	_ =	swait.ge [sflag:s26], $0x80  }
0x8a: {  	[sflag:s26] =	ssyncset.done $0x0  }
0x8b: {  	[sflag:s26] =	ssyncadd.s32 $0xFFFFFF80  }
0x8c: {  	_ =	swait.ge [sflag:s26], $0x80  }
0x8d: {  	[sflag:s26] =	ssyncset.done $0x0  }
0x8e: {  	[sflag:s26] =	ssyncadd.s32 $0xFFFFFF80  }
0x8f: {  	_ =	swait.ge [sflag:s26], $0x80  }
0x90: {  	[sflag:s26] =	ssyncset.done $0x0  }
0x91: {  	[sflag:s26] =	ssyncadd.s32 $0xFFFFFF80  }
0x92: {  	_ =	swait.ge [sflag:s26], $0x80  }
0x93: {  	[sflag:s26] =	ssyncset.done $0x0  }
0x94: {  	[sflag:s26] =	ssyncadd.s32 $0xFFFFFF80  }
0x95: {  	_ =	swait.ge [sflag:s26], $0x80  }
0x96: {  	[sflag:s26] =	ssyncset.done $0x0  }
0x97: {  	[sflag:s26] =	ssyncadd.s32 $0xFFFFFF80  }
0x98: {  	_ =	swait.ge [sflag:s26], $0x80  }
0x99: {  	[sflag:s26] =	ssyncset.done $0x0  }
0x9a: {  	[sflag:s26] =	ssyncadd.s32 $0xFFFFFF80  }
0x9b: {  	_ =	swait.ge [sflag:s26], $0x80  }
0x9c: {  	[sflag:s26] =	ssyncset.done $0x0  }
0x9d: {  	[sflag:s26] =	ssyncadd.s32 $0xFFFFFF80  }
0x9e: {  	_ =	swait.ge [sflag:s26], $0x80  }
0x9f: {  	[sflag:s26] =	ssyncset.done $0x0  }
0xa0: {  	[sflag:s26] =	ssyncadd.s32 $0xFFFFFF80  }
0xa1: {  	_ =	swait.ge [sflag:s26], $0x80  }
0xa2: {  	[sflag:s26] =	ssyncset.done $0x0  }
0xa3: {  	[sflag:s26] =	ssyncadd.s32 $0xFFFFFF80  }
0xa4: {  	_ =	swait.ge [sflag:s26], $0x80  }
0xa5: {  	[sflag:s26] =	ssyncset.done $0x0  }
0xa6: {  	[sflag:s26] =	ssyncadd.s32 $0xFFFFFF80  }
0xa7: {  	_ =	swait.ge [sflag:s26], $0x80  }
0xa8: {  	[sflag:s26] =	ssyncset.done $0x0  }
0xa9: {  	[sflag:s26] =	ssyncadd.s32 $0xFFFFFF80  }
0xaa: {  	_ =	swait.ge [sflag:s26], $0x80  }
0xab: {  	[sflag:s26] =	ssyncset.done $0x0  }
0xac: {  	[sflag:s26] =	ssyncadd.s32 $0xFFFFFF80  }
0xad: {  	_ =	swait.ge [sflag:s26], $0x80  }
0xae: {  	[sflag:s26] =	ssyncset.done $0x0  }
0xaf: {  	s30 =	simm.s32 $0xFFFFFF80;
	[sflag:s26] =	ssyncadd.s32 $0xFFFFFF80  }
0xb0: {  	v6 =	vld [tilespmem:s30+$0x880]  }
0xb1: {  	v7 =	vld [tilespmem:s30+$0x900]  }
0xb2: {  	v8 =	vld [tilespmem:s30+$0x980]  }
0xb3: {  	v9 =	vld [tilespmem:s30+$0xA00]  }
0xb4: {  	v10 =	vld [tilespmem:s30+$0xA80]  }
0xb5: {  	v11 =	vld [tilespmem:s30+$0xB00]  }
0xb6: {  	v12 =	vld [tilespmem:s30+$0xB80]  }
0xb7: {  	v13 =	vld [tilespmem:s30+$0xC00]  }
0xb8: {  	v14 =	vld [tilespmem:s30+$0xC80]  }
0xb9: {  	v15 =	vld [tilespmem:s30+$0xD00]  }
0xba: {  	v5 =	vld [tilespmem:s30+$0xD80]  }
0xbb: {  	v4 =	vld [tilespmem:s30+$0xE00]  }
0xbc: {  	v3 =	vld [tilespmem:s30+$0xE80]  }
0xbd: {  	v2 =	vld [tilespmem:s30+$0xF00]  }
0xbe: {  	v1 =	vld [tilespmem:s30+$0xF80]  }
0xbf: {  	v0 =	vld [tilespmem:s30+$0x1000]  }
0xc0: {  	v16 =	vld [tilespmem:s30+$0x1080]  }
0xc1: {  	v17 =	vld [tilespmem:s30+$0x1100]  }
0xc2: {  	v18 =	vld [tilespmem:s30+$0x1180]  }
0xc3: {  	v19 =	vld [tilespmem:s30+$0x1200]  }
0xc4: {  	v20 =	vld [tilespmem:s30+$0x1280]  }
0xc5: {  	v60 =	vld [tilespmem:s30+$0x1300];
	v6 =	vmul.f32 v6, v16  }
0xc6: {  	v21 =	vld [tilespmem:s30+$0x1380];
	v7 =	vmul.f32 v7, v17  }
0xc7: {  	v61 =	vld [tilespmem:s30+$0x1400];
	[tilespmem:s30+$0x1080] =	vst v6;
	v6 =	vmul.f32 v8, v18  }
0xc8: {  	v62 =	vld [tilespmem:s30+$0x1480];
	[tilespmem:s30+$0x1100] =	vst v7;
	v7 =	vmul.f32 v9, v19  }
0xc9: {  	v63 =	vld [tilespmem:s30+$0x1500];
	[tilespmem:s30+$0x1180] =	vst v6;
	v6 =	vmul.f32 v10, v20  }
0xca: {  	v8 =	vmul.f32 v11, v60;
	[tilespmem:s30+$0x1200] =	vst v7;
	v7 =	vld [tilespmem:s30+$0x1580]  }
0xcb: {  	v9 =	vmul.f32 v12, v21;
	[tilespmem:s30+$0x1280] =	vst v6;
	v6 =	vld [tilespmem:s30+$0x1600]  }
0xcc: {  	[tilespmem:s30+$0x1300] =	vst v8;
	v8 =	vld [tilespmem:s30+$0x1680];
	v10 =	vmul.f32 v13, v61  }
0xcd: {  	v12 =	vmul.f32 v14, v62;
	[tilespmem:s30+$0x1380] =	vst v9;
	v9 =	vld [tilespmem:s30+$0x1700]  }
0xce: {  	s31 =	simm.s32 $0xFFFFFE40;
	v11 =	vmul.f32 v15, v63;
	[tilespmem:s30+$0x1400] =	vst v10;
	v10 =	vld [tilespmem:s30+$0x1780]  }
.LBB2_3:
0xcf: {  	s0 =	sshra.s32 s31, $0x2;
	p2 =	sne.s32 s31, $0xFFFFFFC0;
	[tilespmem:s30+$0x1480] =	vst v12;
	v5 =	vmul.f32 v5, v7;
	v7 =	vld [tilespmem:s30+$0x1800]  }
0xd0: {  	v12 =	vld [tilespmem:s0+$0x880];
	[tilespmem:s30+$0x1500] =	vst v11;
	v4 =	vmul.f32 v4, v6  }
0xd1: {  	v6 =	vld [tilespmem:s0+$0x900];
	[tilespmem:s30+$0x1580] =	vst v5;
	v3 =	vmul.f32 v3, v8  }
0xd2: {  	v8 =	vld [tilespmem:s0+$0x980];
	[tilespmem:s30+$0x1600] =	vst v4;
	v2 =	vmul.f32 v2, v9  }
0xd3: {  	v9 =	vld [tilespmem:s0+$0xA00];
	[tilespmem:s30+$0x1680] =	vst v3;
	v1 =	vmul.f32 v1, v10  }
0xd4: {  	v10 =	vld [tilespmem:s0+$0xA80];
	[tilespmem:s30+$0x1700] =	vst v2;
	v0 =	vmul.f32 v0, v7  }
0xd5: {  	v7 =	vld [tilespmem:s0+$0xB00];
	[tilespmem:s30+$0x1780] =	vst v1  }
0xd6: {  	v11 =	vld [tilespmem:s0+$0xB80];
	[tilespmem:s30+$0x1800] =	vst v0;
	s30 =	smov.u32 s0  }
0xd7: {  	v13 =	vld [tilespmem:s30+$0xC00]  }
0xd8: {  	v14 =	vld [tilespmem:s30+$0xC80]  }
0xd9: {  	v15 =	vld [tilespmem:s30+$0xD00]  }
0xda: {  	v5 =	vld [tilespmem:s30+$0xD80]  }
0xdb: {  	v4 =	vld [tilespmem:s30+$0xE00]  }
0xdc: {  	v3 =	vld [tilespmem:s30+$0xE80]  }
0xdd: {  	v2 =	vld [tilespmem:s30+$0xF00]  }
0xde: {  	v1 =	vld [tilespmem:s30+$0xF80]  }
0xdf: {  	v0 =	vld [tilespmem:s30+$0x1000]  }
0xe0: {  	v16 =	vld [tilespmem:s30+$0x1080]  }
0xe1: {  	v17 =	vld [tilespmem:s30+$0x1100]  }
0xe2: {  	v18 =	vld [tilespmem:s30+$0x1180]  }
0xe3: {  	v19 =	vld [tilespmem:s30+$0x1200]  }
0xe4: {  	v20 =	vld [tilespmem:s30+$0x1280]  }
0xe5: {  	v12 =	vmul.f32 v12, v16;
	v16 =	vld [tilespmem:s30+$0x1300]  }
0xe6: {  	v6 =	vmul.f32 v6, v17;
	v17 =	vld [tilespmem:s30+$0x1380]  }
0xe7: {  	[tilespmem:s30+$0x1080] =	vst v12;
	v8 =	vmul.f32 v8, v18;
	v12 =	vld [tilespmem:s30+$0x1400]  }
0xe8: {  	[tilespmem:s30+$0x1100] =	vst v6;
	v6 =	vmul.f32 v9, v19;
	v9 =	vld [tilespmem:s30+$0x1480]  }
0xe9: {  	[tilespmem:s30+$0x1180] =	vst v8;
	v8 =	vmul.f32 v10, v20;
	v10 =	vld [tilespmem:s30+$0x1500]  }
.Ltmp2:
0xea: {  	[tilespmem:s30+$0x1200] =	vst v6;
	v16 =	vmul.f32 v7, v16;
	v7 =	vld [tilespmem:s30+$0x1580];
	(pc) =	sbr.rel @p2 .LBB2_3-.Ltmp2, $4  }
0xeb: {  	[tilespmem:s30+$0x1280] =	vst v8;
	v11 =	vmul.f32 v11, v17;
	v6 =	vld [tilespmem:s30+$0x1600]  }
0xec: {  	[tilespmem:s30+$0x1300] =	vst v16;
	v13 =	vmul.f32 v13, v12;
	v8 =	vld [tilespmem:s30+$0x1680]  }
0xed: {  	[tilespmem:s30+$0x1380] =	vst v11;
	v12 =	vmul.f32 v14, v9;
	v9 =	vld [tilespmem:s30+$0x1700]  }
0xee: {  	s31 =	sadd.s32 $0x40, s31;
	[tilespmem:s30+$0x1400] =	vst v13;
	v11 =	vmul.f32 v15, v10;
	v10 =	vld [tilespmem:s30+$0x1780]  }
0xef: {  	[tilespmem:s30+$0x1480] =	vst v12;
	v5 =	vmul.f32 v5, v7;
	v63 =	vld [tilespmem:s30+$0x1800]  }
0xf0: {  	[tilespmem:s30+$0x1500] =	vst v11;
	v4 =	vmul.f32 v4, v6  }
0xf1: {  	[tilespmem:s30+$0x1580] =	vst v5;
	v3 =	vmul.f32 v3, v8  }
0xf2: {  	[tilespmem:s30+$0x1600] =	vst v4;
	v2 =	vmul.f32 v2, v9  }
0xf3: {  	[tilespmem:s30+$0x1680] =	vst v3;
	v1 =	vmul.f32 v1, v10  }
0xf4: {  	s28 =	sadd.s32 $0x1, s28;
	[tilespmem:s30+$0x1700] =	vst v2;
	v0 =	vmul.f32 v0, v63  }
0xf5: {  	p2 =	sne.s32 s28, $0x3D;
	[tilespmem:s30+$0x1780] =	vst v1  }
.Ltmp3:
0xf6: {  	s0 =	sadd.s32 s6, s29;
	[tilespmem:s30+$0x1800] =	vst v0;
	(pc) =	sbr.rel @p2 .LBB2_2-.Ltmp3, $4  }
0xf7: {  	[hbm4b:s0+s1] =	stream.linear.scatter [tilespmem:s18], [sflag:$0x2], $0x800, $0x38;
	[tilespmem:$0x1800] =	vst v63  }
0xf8: {  	_ =	swait.ge [sflag:s15], $0x800  }
0xf9: {  	[sflag:s15] =	ssyncset.done $0x0  }
0xfa: {  	[sflag:s15] =	ssyncadd.s32 $0xFFFFF800  }
.Ltmp4:
0xfb: {  	(pc) =	sbr.rel @p0 .LBB2_10-.Ltmp4, $1  }
0xfc: {  	_ =	sdelay $0x3  }
.Ltmp5:
0xfd: {  	(pc) =	sbr.rel @p1 .LBB2_11-.Ltmp5, $2  }
0xfe: {  	_ =	sdelay $0x2  }
0xff: {  	s30 =	rddreg [dreg:$0x9]  }
0x100: {  	s0 =	rddreg [dreg:$0x5]  }
0x101: {  	[tilespmem:s1], [sflag:$0x2] =	stream.linear.gather [hbm4b:s0+s1], $0x800, $0x38;
	[tilespmem:$0x1800] =	vst v63  }
0x102: {  	_ =	swait.ge [sflag:s15], $0x800  }
0x103: {  	[sflag:s15] =	ssyncset.done $0x0  }
0x104: {  	s28 =	simm.s32 $0x800;
	s31 =	rddreg [dreg:$0x6];
	[sflag:s15] =	ssyncadd.s32 $0xFFFFF800  }
0x105: {  	[tilespmem:s28], [sflag:$0x2] =	stream.linear.gather [hbm4b:s31+s1], $0x800, $0x38;
	[tilespmem:$0x1800] =	vst v63  }
0x106: {  	_ =	swait.ge [sflag:s15], $0x800  }
0x107: {  	[sflag:s15] =	ssyncset.done $0x0  }
0x108: {  	[sflag:s15] =	ssyncadd.s32 $0xFFFFF800  }
0x109: {  	[tilespmem:s18], [sflag:$0x1] =	stream.indirect.gather [hbm4b:s2+s17], $0x1, s1, s17, $0xb8;
	[tilespmem:$0x1800] =	vst v63  }
0x10a: {  	s31 =	simm.s32 $0x1080  }
0x10b: {  	[tilespmem:s31], [sflag:$0x1] =	stream.indirect.gather [hbm4b:s2+s17], $0x1, s17, s17, $0xb8;
	[tilespmem:$0x1800] =	vst v63  }
0x10c: {  	s28 =	simm.s32 $0x1100;
	s31 =	simm.s32 $0x100  }
0x10d: {  	[tilespmem:s28], [sflag:$0x1] =	stream.indirect.gather [hbm4b:s2+s17], $0x1, s31, s17, $0xb8;
	[tilespmem:$0x1800] =	vst v63  }
0x10e: {  	s31 =	simm.s32 $0x180;
	s28 =	simm.s32 $0x1180  }
0x10f: {  	[tilespmem:s28], [sflag:$0x1] =	stream.indirect.gather [hbm4b:s2+s17], $0x1, s31, s17, $0xb8;
	[tilespmem:$0x1800] =	vst v63  }
0x110: {  	s31 =	simm.s32 $0x200;
	s28 =	simm.s32 $0x1200  }
0x111: {  	[tilespmem:s28], [sflag:$0x1] =	stream.indirect.gather [hbm4b:s2+s17], $0x1, s31, s17, $0xb8;
	[tilespmem:$0x1800] =	vst v63  }
0x112: {  	s31 =	simm.s32 $0x280;
	s28 =	simm.s32 $0x1280  }
0x113: {  	[tilespmem:s28], [sflag:$0x1] =	stream.indirect.gather [hbm4b:s2+s17], $0x1, s31, s17, $0xb8;
	[tilespmem:$0x1800] =	vst v63  }
0x114: {  	s31 =	simm.s32 $0x300;
	s28 =	simm.s32 $0x1300  }
0x115: {  	[tilespmem:s28], [sflag:$0x1] =	stream.indirect.gather [hbm4b:s2+s17], $0x1, s31, s17, $0xb8;
	[tilespmem:$0x1800] =	vst v63  }
0x116: {  	s31 =	simm.s32 $0x380;
	s28 =	simm.s32 $0x1380  }
0x117: {  	[tilespmem:s28], [sflag:$0x1] =	stream.indirect.gather [hbm4b:s2+s17], $0x1, s31, s17, $0xb8;
	[tilespmem:$0x1800] =	vst v63  }
0x118: {  	_ = 	snop  }
0x119: {  	[tilespmem:s7], [sflag:$0x1] =	stream.indirect.gather [hbm4b:s2+s17], $0x1, s3, s17, $0xb8;
	[tilespmem:$0x1800] =	vst v63  }
0x11a: {  	_ = 	snop  }
0x11b: {  	[tilespmem:s9], [sflag:$0x1] =	stream.indirect.gather [hbm4b:s2+s17], $0x1, s8, s17, $0xb8;
	[tilespmem:$0x1800] =	vst v63  }
0x11c: {  	_ = 	snop  }
0x11d: {  	[tilespmem:s12], [sflag:$0x1] =	stream.indirect.gather [hbm4b:s2+s17], $0x1, s11, s17, $0xb8;
	[tilespmem:$0x1800] =	vst v63  }
0x11e: {  	_ = 	snop  }
0x11f: {  	[tilespmem:s14], [sflag:$0x1] =	stream.indirect.gather [hbm4b:s2+s17], $0x1, s13, s17, $0xb8;
	[tilespmem:$0x1800] =	vst v63  }
0x120: {  	_ = 	snop  }
0x121: {  	[tilespmem:s21], [sflag:$0x1] =	stream.indirect.gather [hbm4b:s2+s17], $0x1, s20, s17, $0xb8;
	[tilespmem:$0x1800] =	vst v63  }
0x122: {  	_ = 	snop  }
0x123: {  	[tilespmem:s16], [sflag:$0x1] =	stream.indirect.gather [hbm4b:s2+s17], $0x1, s22, s17, $0xb8;
	[tilespmem:$0x1800] =	vst v63  }
0x124: {  	_ = 	snop  }
0x125: {  	[tilespmem:s24], [sflag:$0x1] =	stream.indirect.gather [hbm4b:s2+s17], $0x1, s23, s17, $0xb8;
	[tilespmem:$0x1800] =	vst v63  }
0x126: {  	_ = 	snop  }
0x127: {  	[tilespmem:s25], [sflag:$0x1] =	stream.indirect.gather [hbm4b:s2+s17], $0x1, s19, s17, $0xb8;
	[tilespmem:$0x1800] =	vst v63  }
0x128: {  	_ =	swait.ge [sflag:s26], $0x80  }
0x129: {  	[sflag:s26] =	ssyncset.done $0x0  }
0x12a: {  	[sflag:s26] =	ssyncadd.s32 $0xFFFFFF80  }
0x12b: {  	_ =	swait.ge [sflag:s26], $0x80  }
0x12c: {  	[sflag:s26] =	ssyncset.done $0x0  }
0x12d: {  	[sflag:s26] =	ssyncadd.s32 $0xFFFFFF80  }
0x12e: {  	_ =	swait.ge [sflag:s26], $0x80  }
0x12f: {  	[sflag:s26] =	ssyncset.done $0x0  }
0x130: {  	[sflag:s26] =	ssyncadd.s32 $0xFFFFFF80  }
0x131: {  	_ =	swait.ge [sflag:s26], $0x80  }
0x132: {  	[sflag:s26] =	ssyncset.done $0x0  }
0x133: {  	[sflag:s26] =	ssyncadd.s32 $0xFFFFFF80  }
0x134: {  	_ =	swait.ge [sflag:s26], $0x80  }
0x135: {  	[sflag:s26] =	ssyncset.done $0x0  }
0x136: {  	[sflag:s26] =	ssyncadd.s32 $0xFFFFFF80  }
0x137: {  	_ =	swait.ge [sflag:s26], $0x80  }
0x138: {  	[sflag:s26] =	ssyncset.done $0x0  }
0x139: {  	[sflag:s26] =	ssyncadd.s32 $0xFFFFFF80  }
0x13a: {  	_ =	swait.ge [sflag:s26], $0x80  }
0x13b: {  	[sflag:s26] =	ssyncset.done $0x0  }
0x13c: {  	[sflag:s26] =	ssyncadd.s32 $0xFFFFFF80  }
0x13d: {  	_ =	swait.ge [sflag:s26], $0x80  }
0x13e: {  	[sflag:s26] =	ssyncset.done $0x0  }
0x13f: {  	[sflag:s26] =	ssyncadd.s32 $0xFFFFFF80  }
0x140: {  	_ =	swait.ge [sflag:s26], $0x80  }
0x141: {  	[sflag:s26] =	ssyncset.done $0x0  }
0x142: {  	[sflag:s26] =	ssyncadd.s32 $0xFFFFFF80  }
0x143: {  	_ =	swait.ge [sflag:s26], $0x80  }
0x144: {  	[sflag:s26] =	ssyncset.done $0x0  }
0x145: {  	[sflag:s26] =	ssyncadd.s32 $0xFFFFFF80  }
0x146: {  	_ =	swait.ge [sflag:s26], $0x80  }
0x147: {  	[sflag:s26] =	ssyncset.done $0x0  }
0x148: {  	[sflag:s26] =	ssyncadd.s32 $0xFFFFFF80  }
0x149: {  	_ =	swait.ge [sflag:s26], $0x80  }
0x14a: {  	[sflag:s26] =	ssyncset.done $0x0  }
0x14b: {  	[sflag:s26] =	ssyncadd.s32 $0xFFFFFF80  }
0x14c: {  	_ =	swait.ge [sflag:s26], $0x80  }
0x14d: {  	[sflag:s26] =	ssyncset.done $0x0  }
0x14e: {  	[sflag:s26] =	ssyncadd.s32 $0xFFFFFF80  }
0x14f: {  	_ =	swait.ge [sflag:s26], $0x80  }
0x150: {  	[sflag:s26] =	ssyncset.done $0x0  }
0x151: {  	[sflag:s26] =	ssyncadd.s32 $0xFFFFFF80  }
0x152: {  	_ =	swait.ge [sflag:s26], $0x80  }
0x153: {  	[sflag:s26] =	ssyncset.done $0x0  }
0x154: {  	[sflag:s26] =	ssyncadd.s32 $0xFFFFFF80  }
0x155: {  	_ =	swait.ge [sflag:s26], $0x80  }
0x156: {  	[sflag:s26] =	ssyncset.done $0x0  }
0x157: {  	s28 =	simm.s32 $0xFFFFFF80;
	[sflag:s26] =	ssyncadd.s32 $0xFFFFFF80  }
0x158: {  	v6 =	vld [tilespmem:s28+$0x880]  }
0x159: {  	v7 =	vld [tilespmem:s28+$0x900]  }
0x15a: {  	v8 =	vld [tilespmem:s28+$0x980]  }
0x15b: {  	v9 =	vld [tilespmem:s28+$0xA00]  }
0x15c: {  	v10 =	vld [tilespmem:s28+$0xA80]  }
0x15d: {  	v11 =	vld [tilespmem:s28+$0xB00]  }
0x15e: {  	v12 =	vld [tilespmem:s28+$0xB80]  }
0x15f: {  	v13 =	vld [tilespmem:s28+$0xC00]  }
0x160: {  	v14 =	vld [tilespmem:s28+$0xC80]  }
0x161: {  	v15 =	vld [tilespmem:s28+$0xD00]  }
0x162: {  	v5 =	vld [tilespmem:s28+$0xD80]  }
0x163: {  	v4 =	vld [tilespmem:s28+$0xE00]  }
0x164: {  	v3 =	vld [tilespmem:s28+$0xE80]  }
0x165: {  	v2 =	vld [tilespmem:s28+$0xF00]  }
0x166: {  	v1 =	vld [tilespmem:s28+$0xF80]  }
0x167: {  	v0 =	vld [tilespmem:s28+$0x1000]  }
0x168: {  	v16 =	vld [tilespmem:s28+$0x1080]  }
0x169: {  	v17 =	vld [tilespmem:s28+$0x1100]  }
0x16a: {  	v18 =	vld [tilespmem:s28+$0x1180]  }
0x16b: {  	v19 =	vld [tilespmem:s28+$0x1200]  }
0x16c: {  	v20 =	vld [tilespmem:s28+$0x1280]  }
0x16d: {  	v60 =	vld [tilespmem:s28+$0x1300];
	v6 =	vmul.f32 v6, v16  }
0x16e: {  	v21 =	vld [tilespmem:s28+$0x1380];
	v7 =	vmul.f32 v7, v17  }
0x16f: {  	v61 =	vld [tilespmem:s28+$0x1400];
	[tilespmem:s28+$0x1080] =	vst v6;
	v6 =	vmul.f32 v8, v18  }
0x170: {  	v62 =	vld [tilespmem:s28+$0x1480];
	[tilespmem:s28+$0x1100] =	vst v7;
	v7 =	vmul.f32 v9, v19  }
0x171: {  	v63 =	vld [tilespmem:s28+$0x1500];
	[tilespmem:s28+$0x1180] =	vst v6;
	v6 =	vmul.f32 v10, v20  }
0x172: {  	v8 =	vmul.f32 v11, v60;
	[tilespmem:s28+$0x1200] =	vst v7;
	v7 =	vld [tilespmem:s28+$0x1580]  }
0x173: {  	v9 =	vmul.f32 v12, v21;
	[tilespmem:s28+$0x1280] =	vst v6;
	v6 =	vld [tilespmem:s28+$0x1600]  }
0x174: {  	[tilespmem:s28+$0x1300] =	vst v8;
	v8 =	vld [tilespmem:s28+$0x1680];
	v10 =	vmul.f32 v13, v61  }
0x175: {  	v12 =	vmul.f32 v14, v62;
	[tilespmem:s28+$0x1380] =	vst v9;
	v9 =	vld [tilespmem:s28+$0x1700]  }
0x176: {  	s29 =	simm.s32 $0xFFFFFE40;
	v11 =	vmul.f32 v15, v63;
	[tilespmem:s28+$0x1400] =	vst v10;
	v10 =	vld [tilespmem:s28+$0x1780]  }
.LBB2_8:
0x177: {  	s0 =	sshra.s32 s29, $0x2;
	p2 =	sne.s32 s29, $0xFFFFFFC0;
	[tilespmem:s28+$0x1480] =	vst v12;
	v5 =	vmul.f32 v5, v7;
	v7 =	vld [tilespmem:s28+$0x1800]  }
0x178: {  	v12 =	vld [tilespmem:s0+$0x880];
	[tilespmem:s28+$0x1500] =	vst v11;
	v4 =	vmul.f32 v4, v6  }
0x179: {  	v6 =	vld [tilespmem:s0+$0x900];
	[tilespmem:s28+$0x1580] =	vst v5;
	v3 =	vmul.f32 v3, v8  }
0x17a: {  	v8 =	vld [tilespmem:s0+$0x980];
	[tilespmem:s28+$0x1600] =	vst v4;
	v2 =	vmul.f32 v2, v9  }
0x17b: {  	v9 =	vld [tilespmem:s0+$0xA00];
	[tilespmem:s28+$0x1680] =	vst v3;
	v1 =	vmul.f32 v1, v10  }
0x17c: {  	v10 =	vld [tilespmem:s0+$0xA80];
	[tilespmem:s28+$0x1700] =	vst v2;
	v0 =	vmul.f32 v0, v7  }
0x17d: {  	v7 =	vld [tilespmem:s0+$0xB00];
	[tilespmem:s28+$0x1780] =	vst v1  }
0x17e: {  	v11 =	vld [tilespmem:s0+$0xB80];
	[tilespmem:s28+$0x1800] =	vst v0;
	s28 =	smov.u32 s0  }
0x17f: {  	v13 =	vld [tilespmem:s28+$0xC00]  }
0x180: {  	v14 =	vld [tilespmem:s28+$0xC80]  }
0x181: {  	v15 =	vld [tilespmem:s28+$0xD00]  }
0x182: {  	v5 =	vld [tilespmem:s28+$0xD80]  }
0x183: {  	v4 =	vld [tilespmem:s28+$0xE00]  }
0x184: {  	v3 =	vld [tilespmem:s28+$0xE80]  }
0x185: {  	v2 =	vld [tilespmem:s28+$0xF00]  }
0x186: {  	v1 =	vld [tilespmem:s28+$0xF80]  }
0x187: {  	v0 =	vld [tilespmem:s28+$0x1000]  }
0x188: {  	v16 =	vld [tilespmem:s28+$0x1080]  }
0x189: {  	v17 =	vld [tilespmem:s28+$0x1100]  }
0x18a: {  	v18 =	vld [tilespmem:s28+$0x1180]  }
0x18b: {  	v19 =	vld [tilespmem:s28+$0x1200]  }
0x18c: {  	v20 =	vld [tilespmem:s28+$0x1280]  }
0x18d: {  	v12 =	vmul.f32 v12, v16;
	v16 =	vld [tilespmem:s28+$0x1300]  }
0x18e: {  	v6 =	vmul.f32 v6, v17;
	v17 =	vld [tilespmem:s28+$0x1380]  }
0x18f: {  	[tilespmem:s28+$0x1080] =	vst v12;
	v8 =	vmul.f32 v8, v18;
	v12 =	vld [tilespmem:s28+$0x1400]  }
0x190: {  	[tilespmem:s28+$0x1100] =	vst v6;
	v6 =	vmul.f32 v9, v19;
	v9 =	vld [tilespmem:s28+$0x1480]  }
0x191: {  	[tilespmem:s28+$0x1180] =	vst v8;
	v8 =	vmul.f32 v10, v20;
	v10 =	vld [tilespmem:s28+$0x1500]  }
.Ltmp6:
0x192: {  	[tilespmem:s28+$0x1200] =	vst v6;
	v16 =	vmul.f32 v7, v16;
	v7 =	vld [tilespmem:s28+$0x1580];
	(pc) =	sbr.rel @p2 .LBB2_8-.Ltmp6, $4  }
0x193: {  	[tilespmem:s28+$0x1280] =	vst v8;
	v11 =	vmul.f32 v11, v17;
	v6 =	vld [tilespmem:s28+$0x1600]  }
0x194: {  	[tilespmem:s28+$0x1300] =	vst v16;
	v13 =	vmul.f32 v13, v12;
	v8 =	vld [tilespmem:s28+$0x1680]  }
0x195: {  	[tilespmem:s28+$0x1380] =	vst v11;
	v12 =	vmul.f32 v14, v9;
	v9 =	vld [tilespmem:s28+$0x1700]  }
0x196: {  	s29 =	sadd.s32 $0x40, s29;
	[tilespmem:s28+$0x1400] =	vst v13;
	v11 =	vmul.f32 v15, v10;
	v10 =	vld [tilespmem:s28+$0x1780]  }
0x197: {  	[tilespmem:s28+$0x1480] =	vst v12;
	v5 =	vmul.f32 v5, v7;
	v63 =	vld [tilespmem:s28+$0x1800]  }
0x198: {  	[tilespmem:s28+$0x1500] =	vst v11;
	v4 =	vmul.f32 v4, v6  }
0x199: {  	[tilespmem:s28+$0x1580] =	vst v5;
	v3 =	vmul.f32 v3, v8  }
0x19a: {  	[tilespmem:s28+$0x1600] =	vst v4;
	v2 =	vmul.f32 v2, v9  }
0x19b: {  	[tilespmem:s28+$0x1680] =	vst v3;
	v1 =	vmul.f32 v1, v10  }
0x19c: {  	[tilespmem:s28+$0x1700] =	vst v2;
	v0 =	vmul.f32 v0, v63  }
0x19d: {  	[tilespmem:s28+$0x1780] =	vst v1  }
.Ltmp7:
0x19e: {  	s0 =	rddreg [dreg:$0x7];
	[tilespmem:s28+$0x1800] =	vst v0;
	(pc) =	sbr.rel .LBB2_11-.Ltmp7, $4  }
0x19f: {  	[hbm4b:s0+s1] =	stream.linear.scatter [tilespmem:s18], [sflag:$0x2], $0x800, $0x38;
	[tilespmem:$0x1800] =	vst v63  }
0x1a0: {  	_ =	swait.ge [sflag:s15], $0x800  }
0x1a1: {  	[sflag:s15] =	ssyncset.done $0x0  }
0x1a2: {  	[sflag:s15] =	ssyncadd.s32 $0xFFFFF800  }
.LBB2_12:
0x1a3: {  	_ =	sfence.sel $0x180000  }
0x1a4: {  	[bflag:$0x0] =	sbarrier.arrive $0xFFFF  }
0x1a5: {  	_ =	strace $0x90000047  }
0x1a6: {  	s0 =	stileid.u32;
	[bflag:$0x2] =	sbarrier.arrive $0xFFFF  }
0x1a7: {  	p0 =	sne.s32 s0, $0x0;
	s0 =	rddreg [dreg:$0x1]  }
0x1a8: {  	s0 =	sadd.s32 @!p0 $0x100000, s0  }
0x1a9: {  	[sflag:s0] =	ssyncadd.tile.s32 @!p0 $0x1;
	_ =	shalt  }
.Lfunc_end2:
_tile_overlayer_lowered:
.L_overlay_start_2:
0x1aa: {  	(tag) =	ssettag $0x2  }
0x1ab: {  	s0 =	rddreg [dreg:$0x0];
	s2 =	stileid.u32  }
0x1ac: {  	s1 =	rddreg [dreg:$0x1];
	p0 =	sne.s32 s2, $0x0  }
0x1ad: {  	s3 =	rddreg [dreg:$0x2];
	[bflag:$0x3] =	sbarrier.arrive $0xFFFF;
	s2 =	simm.s32 @!p0 $0x1C02  }
0x1ae: {  	[timem:s3], [sflag:s2] =	dma.local @!p0 [hbm:s0], s1  }
0x1af: {  	s0 =	simm.s32 @!p0 $0x2  }
0x1b0: {  	_ =	swait.ge @!p0 [sflag:s0], s1  }
0x1b1: {  	s1 =	ssub.s32 @!p0 $0x0, s1;
	[sflag:s0] =	ssyncset.done @!p0 $0x0  }
0x1b2: {  	[sflag:s0] =	ssyncadd.s32 @!p0 s1  }
0x1b3: {  	[bflag:$0x3] =	sbarrier.arrive $0xFFFF  }
0x1b4: {  	_ =	shalt  }

</sc_bundles>
